<compile_context>
chip_gen: v7x
topology: tpu7x:2x2x1
jax: 0.10.2.dev20260603
libtpu: 0.0.44.dev20260713+nightly
codegen_flags: <defaults>
</compile_context>

<pallas_src>
import jax
import jax.numpy as jnp
from jax import lax
from jax.experimental import pallas as pl
from jax.experimental.pallas import tpu as pltpu
from jax.experimental.pallas import tpu_sc as plsc

_NC = 2
_NS = 16
_B = 128
_R = 400


def _round_up(v, m):
  return (v + m - 1) // m * m


_C = 16


def _pad_edges(edge3, e_pad, dump):
  _, eb, b = edge3.shape
  ebp = e_pad // b

  def body(e_ref, o_ref):
    o_ref[:, :eb, :] = e_ref[...]
    o_ref[0:1, eb:, :] = jnp.zeros((1, ebp - eb, b), jnp.int32)
    o_ref[1:2, eb:, :] = jnp.full((1, ebp - eb, b), dump, jnp.int32)

  return pl.pallas_call(
      body,
      out_shape=jax.ShapeDtypeStruct((2, ebp, b), jnp.int32),
  )(edge3)


def _sage_aggregate(x, edge2, n_pad):
  n, d = x.shape
  nb_total = edge2.shape[1]
  nw = _NC * _NS
  nb = nb_total // nw
  rows_per_tile = n_pad // _NS
  nchunk = nb // _C
  assert nb_total == nw * nb and nb % _C == 0 and nchunk >= 3 and nb % 2 == 0
  assert rows_per_tile % _B == 0 and _C % 8 == 0

  mesh = plsc.VectorSubcoreMesh(core_axis_name="c", subcore_axis_name="s")

  def body(x_hbm, edge_hbm, sum_hbm, cnt_hbm,
           sv, dv, r0, r1, ones_v, zrow_v, acc_sh, cnt_sh,
           g0, g1, s0, s1, sc, si):
    rows = (r0, r1)
    sem_g = (g0, g1)
    sem_s = (s0, s1)
    c = lax.axis_index("c")
    s = lax.axis_index("s")
    w = c * _NS + s
    row0 = s * rows_per_tile
    tile_b0 = w * nb

    @pl.loop(0, _B)
    def _(r):
      @pl.loop(0, d, step=16)
      def _(k):
        r0[r, pl.ds(k, 16)] = jnp.zeros((16,), jnp.float32)

    @pl.loop(0, rows_per_tile, step=16)
    def _(i):
      zrow_v[pl.ds(i, 16)] = jnp.zeros((16,), jnp.float32)

    @pl.loop(0, _B, step=16)
    def _(k):
      ones_v[pl.ds(k, 16)] = jnp.ones((16,), jnp.float32)

    def load_chunk(cc):
      pltpu.sync_copy(edge_hbm.at[0, pl.ds(tile_b0 + cc * _C, _C)],
                      sv.at[cc % 2])
      pltpu.sync_copy(edge_hbm.at[1, pl.ds(tile_b0 + cc * _C, _C)],
                      dv.at[cc % 2])

    def fire_chunk(cc):
      pltpu.async_copy(edge_hbm.at[0, pl.ds(tile_b0 + cc * _C, _C)],
                       sv.at[cc % 2], si)
      pltpu.async_copy(edge_hbm.at[1, pl.ds(tile_b0 + cc * _C, _C)],
                       dv.at[cc % 2], si)

    def wait_chunk():
      pltpu.make_async_copy(edge_hbm.at[0, pl.ds(tile_b0, _C)],
                            sv.at[0], si).wait()
      pltpu.make_async_copy(edge_hbm.at[1, pl.ds(tile_b0, _C)],
                            dv.at[0], si).wait()

    def fire_cnt(cc):
      for j in range(_C):
        pltpu.async_copy(ones_v, cnt_sh.at[dv.at[cc % 2, j]], sc, add=True)

    def wait_cnt():
      for _j in range(_C):
        pltpu.make_async_copy(ones_v, cnt_sh.at[dv.at[0, 0]], sc).wait()

    load_chunk(0)
    load_chunk(1)

    for j in range(rows_per_tile // _B):
      pltpu.sync_copy(r0, acc_sh.at[pl.ds(row0 + j * _B, _B)])
    pltpu.sync_copy(zrow_v, cnt_sh.at[pl.ds(row0, rows_per_tile)])
    plsc.subcore_barrier()

    fire_cnt(0)

    def idx(buf, b):
      return buf.at[(b // _C) % 2, b % _C]

    def fire_g(j, b):
      pltpu.async_copy(x_hbm.at[idx(sv, b)], rows[j], sem_g[j])

    def wait_g(j):
      pltpu.make_async_copy(x_hbm.at[sv.at[0, 0]], rows[j], sem_g[j]).wait()

    def fire_s(j, b):
      pltpu.async_copy(rows[j], acc_sh.at[idx(dv, b)], sem_s[j], add=True)

    def wait_s(j):
      pltpu.make_async_copy(rows[j], acc_sh.at[dv.at[0, 0]], sem_s[j]).wait()

    fire_g(0, 0)
    fire_g(1, 1)
    wait_g(0)
    fire_s(0, 0)
    wait_g(1)
    fire_s(1, 1)
    wait_s(0)
    fire_g(0, 2)

    @pl.loop(1, nb // 2 - 1)
    def _(k):
      b = 2 * k
      wait_g(0)
      fire_s(0, b)
      wait_s(1)
      @pl.when(b % _C == 0)
      def _():
        wait_cnt()
        @pl.when(b + _C < nb)
        def _():
          fire_chunk(b // _C + 1)
        fire_cnt(b // _C)
      fire_g(1, b + 1)
      b = 2 * k + 1
      wait_g(1)
      fire_s(1, b)
      wait_s(0)
      @pl.when(jnp.logical_and((b + 1) % _C == 0,
                               jnp.logical_and(b + 1 >= 2 * _C, b + 1 < nb)))
      def _():
        wait_chunk()
      fire_g(0, b + 1)

    wait_g(0)
    fire_s(0, nb - 2)
    wait_s(1)
    fire_g(1, nb - 1)
    wait_g(1)
    fire_s(1, nb - 1)
    wait_s(0)
    wait_s(1)
    wait_cnt()

    plsc.subcore_barrier()

    pltpu.sync_copy(acc_sh.at[pl.ds(row0, rows_per_tile)],
                    sum_hbm.at[c, pl.ds(row0, rows_per_tile)])
    pltpu.sync_copy(cnt_sh.at[pl.ds(row0, rows_per_tile)],
                    cnt_hbm.at[pl.ds(c * n_pad + row0, rows_per_tile)])

  kern = pl.kernel(
      body,
      out_type=[
          jax.ShapeDtypeStruct((_NC, n_pad, d), jnp.float32),
          jax.ShapeDtypeStruct((_NC * n_pad,), jnp.float32),
      ],
      mesh=mesh,
      scratch_types=[
          pltpu.VMEM((2, _C, _B), jnp.int32),
          pltpu.VMEM((2, _C, _B), jnp.int32),
          pltpu.VMEM((_B, d), jnp.float32),
          pltpu.VMEM((_B, d), jnp.float32),
          pltpu.VMEM((_B,), jnp.float32),
          pltpu.VMEM((rows_per_tile,), jnp.float32),
          pltpu.VMEM_SHARED((n_pad, d), jnp.float32),
          pltpu.VMEM_SHARED((n_pad,), jnp.float32),
          pltpu.SemaphoreType.DMA,
          pltpu.SemaphoreType.DMA,
          pltpu.SemaphoreType.DMA,
          pltpu.SemaphoreType.DMA,
          pltpu.SemaphoreType.DMA,
          pltpu.SemaphoreType.DMA,
      ],
  )
  return kern(x, edge2)


def _dense_r_body(x_ref, wr_ref, bl_ref, o_ref):
  o_ref[...] = (lax.dot_general(x_ref[...], wr_ref[...],
                                (((1,), (1,)), ((), ())),
                                preferred_element_type=jnp.float32)
                + bl_ref[...])


def _dense_r(x, W_r, b_l):
  n, d = x.shape
  return pl.pallas_call(
      _dense_r_body,
      grid=(n // _R,),
      in_specs=[
          pl.BlockSpec((_R, d), lambda i: (i, 0)),
          pl.BlockSpec((d, d), lambda i: (0, 0)),
          pl.BlockSpec((1, d), lambda i: (0, 0)),
      ],
      out_specs=pl.BlockSpec((_R, d), lambda i: (i, 0)),
      out_shape=jax.ShapeDtypeStruct((n, d), jnp.float32),
  )(x, W_r, b_l.reshape(1, d))


def _dense_body(sum_ref, cnt_ref, fr_ref, x_ref, wl_ref, g_ref, b_ref, o_ref):
  s = sum_ref[0] + sum_ref[1]
  c = cnt_ref[0] + cnt_ref[1]
  aggr = s / jnp.maximum(c, 1.0)
  xb = x_ref[...]
  f = (lax.dot_general(aggr, wl_ref[...], (((1,), (1,)), ((), ())),
                       preferred_element_type=jnp.float32)
       + fr_ref[...])
  f = 0.5 * f * (1.0 + lax.erf(f * (2.0 ** -0.5)))
  mu = jnp.mean(f, axis=-1, keepdims=True)
  zc = f - mu
  var = jnp.mean(zc * zc, axis=-1, keepdims=True)
  o_ref[...] = zc * lax.rsqrt(var + 1e-5) * g_ref[...] + b_ref[...] + xb


def _dense(sums, cnt3, fr, x, W_l, gamma, beta):
  n, d = x.shape
  grid = (n // _R,)
  return pl.pallas_call(
      _dense_body,
      grid=grid,
      in_specs=[
          pl.BlockSpec((_NC, _R, d), lambda i: (0, i, 0)),
          pl.BlockSpec((_NC, _R, 1), lambda i: (0, i, 0)),
          pl.BlockSpec((_R, d), lambda i: (i, 0)),
          pl.BlockSpec((_R, d), lambda i: (i, 0)),
          pl.BlockSpec((d, d), lambda i: (0, 0)),
          pl.BlockSpec((1, d), lambda i: (0, 0)),
          pl.BlockSpec((1, d), lambda i: (0, 0)),
      ],
      out_specs=pl.BlockSpec((_R, d), lambda i: (i, 0)),
      out_shape=jax.ShapeDtypeStruct((n, d), jnp.float32),
  )(sums, cnt3, fr, x, W_l, gamma.reshape(1, d), beta.reshape(1, d))


def kernel(x, edge_index, W_l, b_l, W_r, gamma, beta):
  n, d = x.shape
  e = edge_index.shape[1]
  n_pad = _round_up(n + 1, _NS * _B)
  e_pad = _round_up(e, _NC * _NS * _B * _C)
  assert e % _B == 0
  edge3 = edge_index.reshape(2, e // _B, _B)
  edge2 = _pad_edges(edge3, e_pad, n_pad - 1)
  fr = _dense_r(x, W_r, b_l)
  sums, cnts = _sage_aggregate(x, edge2, n_pad)
  cnt3 = cnts.reshape(_NC, n_pad, 1)
  return _dense(sums, cnt3, fr, x, W_l, gamma, beta)

# --- scband reference (transcript-rebuilt; emitter-appended) ---
"""Pipeline reference for scband-sageblock-42348377538964 (READ-ONLY COPY).

The authoritative reference and input builder live on the scoring server;
editing this copy changes nothing except your own understanding.
"""

import jax, jax.numpy as jnp
import numpy as np

N = 10000
E = 320000
D = 128

def setup_inputs(seed: int = 0) -> dict:
    key = jax.random.key(seed)
    k1, k2, k3, k4, k5 = jax.random.split(key, 5)
    x = jax.random.normal(k1, (N, D), dtype=jnp.float32)
    edge_index = jax.random.randint(k2, (2, E), 0, N).astype(jnp.int32)
    scale = 1.0 / np.sqrt(D)
    W_l = jax.random.normal(k3, (D, D), dtype=jnp.float32) * scale
    b_l = jnp.zeros((D,), dtype=jnp.float32)
    W_r = jax.random.normal(k4, (D, D), dtype=jnp.float32) * scale
    gamma = jnp.ones((D,), dtype=jnp.float32)
    beta = jnp.zeros((D,), dtype=jnp.float32)
    return {"x": x, "edge_index": edge_index, "W_l": W_l, "b_l": b_l, "W_r": W_r, "gamma": gamma, "beta": beta}

def reference(x, edge_index, W_l, b_l, W_r, gamma, beta):
    src = edge_index[0]
    dst = edge_index[1]
    # SAGEConv with mean aggregation: gather source node features, scatter-mean to dst
    msg = jnp.take(x, src, axis=0)
    summed = jax.ops.segment_sum(msg, dst, num_segments=N)
    cnt = jax.ops.segment_sum(jnp.ones((E,), dtype=x.dtype), dst, num_segments=N)
    aggr = summed / jnp.clip(cnt, 1.0, None)[:, None]
    # lin_l(aggr) + lin_r(x); bias only on lin_l (PyG SAGEConv convention)
    f = aggr @ W_l.T + b_l + x @ W_r.T
    # exact GELU (torch F.gelu default)
    f = jax.nn.gelu(f, approximate=False)
    # LayerNorm over last dim (biased variance, eps=1e-5)
    mean = jnp.mean(f, axis=-1, keepdims=True)
    var = jnp.mean((f - mean) ** 2, axis=-1, keepdims=True)
    f = (f - mean) / jnp.sqrt(var + 1e-5) * gamma + beta
    # dropout is identity in eval mode
    return f + x

if __name__ == "__main__":
    import jax
    _d = setup_inputs()
    print(jax.jit(kernel)(*tuple(_d.values())))

</pallas_src>

<mosaic_0001>
#map = affine_map<(d0, d1) -> (0, 0)>
#map1 = affine_map<(d0, d1) -> (0, 0, 0)>
#map2 = affine_map<(d0, d1) -> (0)>
module attributes {stable_mosaic.version = 14 : i64} {
  func.func @body(%arg0: i32, %arg1: i32, %arg2: memref<10000x128xf32, #tpu.memory_space<hbm>>, %arg3: memref<2x2560x128xi32, #tpu.memory_space<hbm>>, %arg4: memref<2x10240x128xf32, #tpu.memory_space<hbm>>, %arg5: memref<20480xf32, #tpu.memory_space<hbm>>, %arg6: memref<2x16x128xi32, #tpu.memory_space<vmem>>, %arg7: memref<2x16x128xi32, #tpu.memory_space<vmem>>, %arg8: memref<128x128xf32, #tpu.memory_space<vmem>>, %arg9: memref<128x128xf32, #tpu.memory_space<vmem>>, %arg10: memref<128xf32, #tpu.memory_space<vmem>>, %arg11: memref<640xf32, #tpu.memory_space<vmem>>, %arg12: memref<10240x128xf32, #tpu.memory_space<vmem_shared>>, %arg13: memref<10240xf32, #tpu.memory_space<vmem_shared>>, %arg14: memref<!tpu.dma_semaphore, #tpu.memory_space<semaphore_mem>>, %arg15: memref<!tpu.dma_semaphore, #tpu.memory_space<semaphore_mem>>, %arg16: memref<!tpu.dma_semaphore, #tpu.memory_space<semaphore_mem>>, %arg17: memref<!tpu.dma_semaphore, #tpu.memory_space<semaphore_mem>>, %arg18: memref<!tpu.dma_semaphore, #tpu.memory_space<semaphore_mem>>, %arg19: memref<!tpu.dma_semaphore, #tpu.memory_space<semaphore_mem>>) attributes {dimension_semantics = [#tpu.dimension_semantics<core_parallel>, #tpu.dimension_semantics<subcore_parallel>], iteration_bounds = array<i64: 2, 16>, scalar_prefetch = 0 : i64, scratch_operands = 14 : i64, tpu.core_type = #tpu.core_type<sc_vector_subcore>, window_params = [{transform_indices = #map}, {transform_indices = #map1}, {transform_indices = #map1}, {transform_indices = #map2}]} {
    %mul3A = arith.constant 16 : i32
    %mul3A_0 = arith.muli %arg0, %mul3A : i32
    %add3A = arith.addi %mul3A_0, %arg1 : i32
    %mul3A_1 = arith.constant 640 : i32
    %mul3A_2 = arith.muli %arg1, %mul3A_1 : i32
    %mul3A_3 = arith.constant 80 : i32
    %mul3A_4 = arith.muli %add3A, %mul3A_3 : i32
    %scan3A = arith.constant 0 : i32
    %scan3A_5 = arith.constant 128 : i32
    %scan3A_6 = arith.addi %scan3A, %scan3A_5 : i32
    %scan3A_7 = arith.constant 1 : i32
    scf.for %scan3A_403 = %scan3A to %scan3A_6 step %scan3A_7  : i32 {
      %mul3A_404 = arith.constant 1 : i32
      %mul3A_405 = arith.muli %scan3A_403, %mul3A_404 : i32
      %add3A_406 = arith.constant 0 : i32
      %add3A_407 = arith.addi %add3A_406, %mul3A_405 : i32
      %scan3A_408 = arith.constant 0 : i32
      %scan3A_409 = arith.constant 8 : i32
      %scan3A_410 = arith.addi %scan3A_408, %scan3A_409 : i32
      %scan3A_411 = arith.constant 1 : i32
      scf.for %scan3A_413 = %scan3A_408 to %scan3A_410 step %scan3A_411  : i32 {
        %mul3A_414 = arith.constant 16 : i32
        %mul3A_415 = arith.muli %scan3A_413, %mul3A_414 : i32
        %add3A_416 = arith.constant 0 : i32
        %add3A_417 = arith.addi %add3A_416, %mul3A_415 : i32
        %broadcast_in_dim3A = arith.constant 0.000000e+00 : f32
        %broadcast_in_dim3A_418 = vector.broadcast %broadcast_in_dim3A : f32 to vector<16xf32>
        %swap3A = arith.index_cast %add3A_407 : i32 to index
        %swap3A_419 = arith.index_cast %add3A_417 : i32 to index
        %swap3A_420 = tpu.vector_load %arg8[%swap3A, %swap3A_419] {strides = array<i32>} : memref<128x128xf32, #tpu.memory_space<vmem>>, vector<1x16xf32>,
        %swap3A_421 = vector.shape_cast %swap3A_420 : vector<1x16xf32> to vector<16xf32>
        %swap3A_422 = vector.shape_cast %broadcast_in_dim3A_418 : vector<16xf32> to vector<1x16xf32>
        tpu.vector_store %arg8[%swap3A, %swap3A_419], %swap3A_422 {strides = array<i32>} : memref<128x128xf32, #tpu.memory_space<vmem>>, vector<1x16xf32>,
      }
      %scan3A_412 = arith.constant 8 : i32
    }
    %scan3A_8 = arith.constant 128 : i32
    %scan3A_9 = arith.constant 0 : i32
    %scan3A_10 = arith.constant 40 : i32
    %scan3A_11 = arith.addi %scan3A_9, %scan3A_10 : i32
    %scan3A_12 = arith.constant 1 : i32
    scf.for %scan3A_403 = %scan3A_9 to %scan3A_11 step %scan3A_12  : i32 {
      %mul3A_404 = arith.constant 16 : i32
      %mul3A_405 = arith.muli %scan3A_403, %mul3A_404 : i32
      %add3A_406 = arith.constant 0 : i32
      %add3A_407 = arith.addi %add3A_406, %mul3A_405 : i32
      %broadcast_in_dim3A = arith.constant 0.000000e+00 : f32
      %broadcast_in_dim3A_408 = vector.broadcast %broadcast_in_dim3A : f32 to vector<16xf32>
      %swap3A = arith.index_cast %add3A_407 : i32 to index
      %swap3A_409 = tpu.vector_load %arg11[%swap3A] {strides = array<i32>} : memref<640xf32, #tpu.memory_space<vmem>>, vector<16xf32>,
      %swap3A_410 = vector.shape_cast %swap3A_409 : vector<16xf32> to vector<16xf32>
      %swap3A_411 = vector.shape_cast %broadcast_in_dim3A_408 : vector<16xf32> to vector<16xf32>
      tpu.vector_store %arg11[%swap3A], %swap3A_411 {strides = array<i32>} : memref<640xf32, #tpu.memory_space<vmem>>, vector<16xf32>,
    }
    %scan3A_13 = arith.constant 40 : i32
    %scan3A_14 = arith.constant 0 : i32
    %scan3A_15 = arith.constant 8 : i32
    %scan3A_16 = arith.addi %scan3A_14, %scan3A_15 : i32
    %scan3A_17 = arith.constant 1 : i32
    scf.for %scan3A_403 = %scan3A_14 to %scan3A_16 step %scan3A_17  : i32 {
      %mul3A_404 = arith.constant 16 : i32
      %mul3A_405 = arith.muli %scan3A_403, %mul3A_404 : i32
      %add3A_406 = arith.constant 0 : i32
      %add3A_407 = arith.addi %add3A_406, %mul3A_405 : i32
      %broadcast_in_dim3A = arith.constant 1.000000e+00 : f32
      %broadcast_in_dim3A_408 = vector.broadcast %broadcast_in_dim3A : f32 to vector<16xf32>
      %swap3A = arith.index_cast %add3A_407 : i32 to index
      %swap3A_409 = tpu.vector_load %arg10[%swap3A] {strides = array<i32>} : memref<128xf32, #tpu.memory_space<vmem>>, vector<16xf32>,
      %swap3A_410 = vector.shape_cast %swap3A_409 : vector<16xf32> to vector<16xf32>
      %swap3A_411 = vector.shape_cast %broadcast_in_dim3A_408 : vector<16xf32> to vector<16xf32>
      tpu.vector_store %arg10[%swap3A], %swap3A_411 {strides = array<i32>} : memref<128xf32, #tpu.memory_space<vmem>>, vector<16xf32>,
    }
    %scan3A_18 = arith.constant 8 : i32
    %add3A_19 = arith.constant 0 : i32
    %add3A_20 = arith.addi %mul3A_4, %add3A_19 : i32
    %run_scoped3A = arith.constant 0 : i32
    %run_scoped3A_21 = arith.constant 0 : i32
    "tpu.region"() ({
      %run_scoped3A_403 = tpu.sem_alloc : memref<!tpu.dma_semaphore, #tpu.memory_space<semaphore_mem>>
      %dma_start3A_404 = arith.constant 0 : i32
      %dma_start3A_405 = arith.constant 0 : i32
      %dma_start3A_406 = tpu.memref_slice %arg6[%run_scoped3A_21, %dma_start3A_404, %dma_start3A_405] : memref<2x16x128xi32, #tpu.memory_space<vmem>> -> memref<1x16x128xi32, #tpu.memory_space<vmem>>
      %dma_start3A_407 = tpu.memref_squeeze %dma_start3A_406 : memref<1x16x128xi32, #tpu.memory_space<vmem>> -> memref<16x128xi32, #tpu.memory_space<vmem>>
      %dma_start3A_408 = arith.constant 0 : i32
      %dma_start3A_409 = tpu.memref_slice %arg3[%run_scoped3A, %add3A_20, %dma_start3A_408] : memref<2x2560x128xi32, #tpu.memory_space<hbm>> -> memref<1x16x128xi32, #tpu.memory_space<hbm>>
      %dma_start3A_410 = tpu.memref_squeeze %dma_start3A_409 : memref<1x16x128xi32, #tpu.memory_space<hbm>> -> memref<16x128xi32, #tpu.memory_space<hbm>>
      %dma_start3A_411 = arith.constant 0 : i32
      %dma_start3A_412 = arith.constant 0 : i32
      %dma_start3A_413 = tpu.memref_slice %arg6[%run_scoped3A_21, %dma_start3A_411, %dma_start3A_412] : memref<2x16x128xi32, #tpu.memory_space<vmem>> -> memref<1x16x128xi32, #tpu.memory_space<vmem>>
      %dma_start3A_414 = tpu.memref_squeeze %dma_start3A_413 : memref<1x16x128xi32, #tpu.memory_space<vmem>> -> memref<16x128xi32, #tpu.memory_space<vmem>>
      %dma_start3A_415 = arith.constant 0 : i32
      %dma_start3A_416 = tpu.memref_slice %arg3[%run_scoped3A, %add3A_20, %dma_start3A_415] : memref<2x2560x128xi32, #tpu.memory_space<hbm>> -> memref<1x16x128xi32, #tpu.memory_space<hbm>>
      %dma_start3A_417 = tpu.memref_squeeze %dma_start3A_416 : memref<1x16x128xi32, #tpu.memory_space<hbm>> -> memref<16x128xi32, #tpu.memory_space<hbm>>
      tpu.enqueue_dma source(%dma_start3A_417 : memref<16x128xi32, #tpu.memory_space<hbm>>) target(%dma_start3A_414 : memref<16x128xi32, #tpu.memory_space<vmem>>) target_semaphore(%run_scoped3A_403 : memref<!tpu.dma_semaphore, #tpu.memory_space<semaphore_mem>>)
      %dma_wait3A_418 = arith.constant 0 : i32
      %dma_wait3A_419 = arith.constant 0 : i32
      %dma_wait3A_420 = tpu.memref_slice %arg6[%run_scoped3A_21, %dma_wait3A_418, %dma_wait3A_419] : memref<2x16x128xi32, #tpu.memory_space<vmem>> -> memref<1x16x128xi32, #tpu.memory_space<vmem>>
      %dma_wait3A_421 = tpu.memref_squeeze %dma_wait3A_420 : memref<1x16x128xi32, #tpu.memory_space<vmem>> -> memref<16x128xi32, #tpu.memory_space<vmem>>
      %dma_wait3A_422 = arith.constant 0 : i32
      %dma_wait3A_423 = tpu.memref_slice %arg3[%run_scoped3A, %add3A_20, %dma_wait3A_422] : memref<2x2560x128xi32, #tpu.memory_space<hbm>> -> memref<1x16x128xi32, #tpu.memory_space<hbm>>
      %dma_wait3A_424 = tpu.memref_squeeze %dma_wait3A_423 : memref<1x16x128xi32, #tpu.memory_space<hbm>> -> memref<16x128xi32, #tpu.memory_space<hbm>>
      %dma_wait3A_425 = arith.constant 0 : i32
      %dma_wait3A_426 = arith.constant 0 : i32
      %dma_wait3A_427 = tpu.memref_slice %arg6[%run_scoped3A_21, %dma_wait3A_425, %dma_wait3A_426] : memref<2x16x128xi32, #tpu.memory_space<vmem>> -> memref<1x16x128xi32, #tpu.memory_space<vmem>>
      %dma_wait3A_428 = tpu.memref_squeeze %dma_wait3A_427 : memref<1x16x128xi32, #tpu.memory_space<vmem>> -> memref<16x128xi32, #tpu.memory_space<vmem>>
      %dma_wait3A_429 = arith.constant 0 : i32
      %dma_wait3A_430 = tpu.memref_slice %arg3[%run_scoped3A, %add3A_20, %dma_wait3A_429] : memref<2x2560x128xi32, #tpu.memory_space<hbm>> -> memref<1x16x128xi32, #tpu.memory_space<hbm>>
      %dma_wait3A_431 = tpu.memref_squeeze %dma_wait3A_430 : memref<1x16x128xi32, #tpu.memory_space<hbm>> -> memref<16x128xi32, #tpu.memory_space<hbm>>
      tpu.wait_dma2 semaphore(%run_scoped3A_403 : memref<!tpu.dma_semaphore, #tpu.memory_space<semaphore_mem>>) src(%dma_wait3A_431 : memref<16x128xi32, #tpu.memory_space<hbm>>) dst(%dma_wait3A_428 : memref<16x128xi32, #tpu.memory_space<vmem>>)
      tpu.yield
    }) : () -> ()
    %add3A_22 = arith.constant 0 : i32
    %add3A_23 = arith.addi %mul3A_4, %add3A_22 : i32
    %run_scoped3A_24 = arith.constant 1 : i32
    %run_scoped3A_25 = arith.constant 0 : i32
    "tpu.region"() ({
      %run_scoped3A_403 = tpu.sem_alloc : memref<!tpu.dma_semaphore, #tpu.memory_space<semaphore_mem>>
      %dma_start3A_404 = arith.constant 0 : i32
      %dma_start3A_405 = arith.constant 0 : i32
      %dma_start3A_406 = tpu.memref_slice %arg7[%run_scoped3A_25, %dma_start3A_404, %dma_start3A_405] : memref<2x16x128xi32, #tpu.memory_space<vmem>> -> memref<1x16x128xi32, #tpu.memory_space<vmem>>
      %dma_start3A_407 = tpu.memref_squeeze %dma_start3A_406 : memref<1x16x128xi32, #tpu.memory_space<vmem>> -> memref<16x128xi32, #tpu.memory_space<vmem>>
      %dma_start3A_408 = arith.constant 0 : i32
      %dma_start3A_409 = tpu.memref_slice %arg3[%run_scoped3A_24, %add3A_23, %dma_start3A_408] : memref<2x2560x128xi32, #tpu.memory_space<hbm>> -> memref<1x16x128xi32, #tpu.memory_space<hbm>>
      %dma_start3A_410 = tpu.memref_squeeze %dma_start3A_409 : memref<1x16x128xi32, #tpu.memory_space<hbm>> -> memref<16x128xi32, #tpu.memory_space<hbm>>
      %dma_start3A_411 = arith.constant 0 : i32
      %dma_start3A_412 = arith.constant 0 : i32
      %dma_start3A_413 = tpu.memref_slice %arg7[%run_scoped3A_25, %dma_start3A_411, %dma_start3A_412] : memref<2x16x128xi32, #tpu.memory_space<vmem>> -> memref<1x16x128xi32, #tpu.memory_space<vmem>>
      %dma_start3A_414 = tpu.memref_squeeze %dma_start3A_413 : memref<1x16x128xi32, #tpu.memory_space<vmem>> -> memref<16x128xi32, #tpu.memory_space<vmem>>
      %dma_start3A_415 = arith.constant 0 : i32
      %dma_start3A_416 = tpu.memref_slice %arg3[%run_scoped3A_24, %add3A_23, %dma_start3A_415] : memref<2x2560x128xi32, #tpu.memory_space<hbm>> -> memref<1x16x128xi32, #tpu.memory_space<hbm>>
      %dma_start3A_417 = tpu.memref_squeeze %dma_start3A_416 : memref<1x16x128xi32, #tpu.memory_space<hbm>> -> memref<16x128xi32, #tpu.memory_space<hbm>>
      tpu.enqueue_dma source(%dma_start3A_417 : memref<16x128xi32, #tpu.memory_space<hbm>>) target(%dma_start3A_414 : memref<16x128xi32, #tpu.memory_space<vmem>>) target_semaphore(%run_scoped3A_403 : memref<!tpu.dma_semaphore, #tpu.memory_space<semaphore_mem>>)
      %dma_wait3A_418 = arith.constant 0 : i32
      %dma_wait3A_419 = arith.constant 0 : i32
      %dma_wait3A_420 = tpu.memref_slice %arg7[%run_scoped3A_25, %dma_wait3A_418, %dma_wait3A_419] : memref<2x16x128xi32, #tpu.memory_space<vmem>> -> memref<1x16x128xi32, #tpu.memory_space<vmem>>
      %dma_wait3A_421 = tpu.memref_squeeze %dma_wait3A_420 : memref<1x16x128xi32, #tpu.memory_space<vmem>> -> memref<16x128xi32, #tpu.memory_space<vmem>>
      %dma_wait3A_422 = arith.constant 0 : i32
      %dma_wait3A_423 = tpu.memref_slice %arg3[%run_scoped3A_24, %add3A_23, %dma_wait3A_422] : memref<2x2560x128xi32, #tpu.memory_space<hbm>> -> memref<1x16x128xi32, #tpu.memory_space<hbm>>
      %dma_wait3A_424 = tpu.memref_squeeze %dma_wait3A_423 : memref<1x16x128xi32, #tpu.memory_space<hbm>> -> memref<16x128xi32, #tpu.memory_space<hbm>>
      %dma_wait3A_425 = arith.constant 0 : i32
      %dma_wait3A_426 = arith.constant 0 : i32
      %dma_wait3A_427 = tpu.memref_slice %arg7[%run_scoped3A_25, %dma_wait3A_425, %dma_wait3A_426] : memref<2x16x128xi32, #tpu.memory_space<vmem>> -> memref<1x16x128xi32, #tpu.memory_space<vmem>>
      %dma_wait3A_428 = tpu.memref_squeeze %dma_wait3A_427 : memref<1x16x128xi32, #tpu.memory_space<vmem>> -> memref<16x128xi32, #tpu.memory_space<vmem>>
      %dma_wait3A_429 = arith.constant 0 : i32
      %dma_wait3A_430 = tpu.memref_slice %arg3[%run_scoped3A_24, %add3A_23, %dma_wait3A_429] : memref<2x2560x128xi32, #tpu.memory_space<hbm>> -> memref<1x16x128xi32, #tpu.memory_space<hbm>>
      %dma_wait3A_431 = tpu.memref_squeeze %dma_wait3A_430 : memref<1x16x128xi32, #tpu.memory_space<hbm>> -> memref<16x128xi32, #tpu.memory_space<hbm>>
      tpu.wait_dma2 semaphore(%run_scoped3A_403 : memref<!tpu.dma_semaphore, #tpu.memory_space<semaphore_mem>>) src(%dma_wait3A_431 : memref<16x128xi32, #tpu.memory_space<hbm>>) dst(%dma_wait3A_428 : memref<16x128xi32, #tpu.memory_space<vmem>>)
      tpu.yield
    }) : () -> ()
    %add3A_26 = arith.constant 16 : i32
    %add3A_27 = arith.addi %mul3A_4, %add3A_26 : i32
    %run_scoped3A_28 = arith.constant 0 : i32
    %run_scoped3A_29 = arith.constant 1 : i32
    "tpu.region"() ({
      %run_scoped3A_403 = tpu.sem_alloc : memref<!tpu.dma_semaphore, #tpu.memory_space<semaphore_mem>>
      %dma_start3A_404 = arith.constant 0 : i32
      %dma_start3A_405 = arith.constant 0 : i32
      %dma_start3A_406 = tpu.memref_slice %arg6[%run_scoped3A_29, %dma_start3A_404, %dma_start3A_405] : memref<2x16x128xi32, #tpu.memory_space<vmem>> -> memref<1x16x128xi32, #tpu.memory_space<vmem>>
      %dma_start3A_407 = tpu.memref_squeeze %dma_start3A_406 : memref<1x16x128xi32, #tpu.memory_space<vmem>> -> memref<16x128xi32, #tpu.memory_space<vmem>>
      %dma_start3A_408 = arith.constant 0 : i32
      %dma_start3A_409 = tpu.memref_slice %arg3[%run_scoped3A_28, %add3A_27, %dma_start3A_408] : memref<2x2560x128xi32, #tpu.memory_space<hbm>> -> memref<1x16x128xi32, #tpu.memory_space<hbm>>
      %dma_start3A_410 = tpu.memref_squeeze %dma_start3A_409 : memref<1x16x128xi32, #tpu.memory_space<hbm>> -> memref<16x128xi32, #tpu.memory_space<hbm>>
      %dma_start3A_411 = arith.constant 0 : i32
      %dma_start3A_412 = arith.constant 0 : i32
      %dma_start3A_413 = tpu.memref_slice %arg6[%run_scoped3A_29, %dma_start3A_411, %dma_start3A_412] : memref<2x16x128xi32, #tpu.memory_space<vmem>> -> memref<1x16x128xi32, #tpu.memory_space<vmem>>
      %dma_start3A_414 = tpu.memref_squeeze %dma_start3A_413 : memref<1x16x128xi32, #tpu.memory_space<vmem>> -> memref<16x128xi32, #tpu.memory_space<vmem>>
      %dma_start3A_415 = arith.constant 0 : i32
      %dma_start3A_416 = tpu.memref_slice %arg3[%run_scoped3A_28, %add3A_27, %dma_start3A_415] : memref<2x2560x128xi32, #tpu.memory_space<hbm>> -> memref<1x16x128xi32, #tpu.memory_space<hbm>>
      %dma_start3A_417 = tpu.memref_squeeze %dma_start3A_416 : memref<1x16x128xi32, #tpu.memory_space<hbm>> -> memref<16x128xi32, #tpu.memory_space<hbm>>
      tpu.enqueue_dma source(%dma_start3A_417 : memref<16x128xi32, #tpu.memory_space<hbm>>) target(%dma_start3A_414 : memref<16x128xi32, #tpu.memory_space<vmem>>) target_semaphore(%run_scoped3A_403 : memref<!tpu.dma_semaphore, #tpu.memory_space<semaphore_mem>>)
      %dma_wait3A_418 = arith.constant 0 : i32
      %dma_wait3A_419 = arith.constant 0 : i32
      %dma_wait3A_420 = tpu.memref_slice %arg6[%run_scoped3A_29, %dma_wait3A_418, %dma_wait3A_419] : memref<2x16x128xi32, #tpu.memory_space<vmem>> -> memref<1x16x128xi32, #tpu.memory_space<vmem>>
      %dma_wait3A_421 = tpu.memref_squeeze %dma_wait3A_420 : memref<1x16x128xi32, #tpu.memory_space<vmem>> -> memref<16x128xi32, #tpu.memory_space<vmem>>
      %dma_wait3A_422 = arith.constant 0 : i32
      %dma_wait3A_423 = tpu.memref_slice %arg3[%run_scoped3A_28, %add3A_27, %dma_wait3A_422] : memref<2x2560x128xi32, #tpu.memory_space<hbm>> -> memref<1x16x128xi32, #tpu.memory_space<hbm>>
      %dma_wait3A_424 = tpu.memref_squeeze %dma_wait3A_423 : memref<1x16x128xi32, #tpu.memory_space<hbm>> -> memref<16x128xi32, #tpu.memory_space<hbm>>
      %dma_wait3A_425 = arith.constant 0 : i32
      %dma_wait3A_426 = arith.constant 0 : i32
      %dma_wait3A_427 = tpu.memref_slice %arg6[%run_scoped3A_29, %dma_wait3A_425, %dma_wait3A_426] : memref<2x16x128xi32, #tpu.memory_space<vmem>> -> memref<1x16x128xi32, #tpu.memory_space<vmem>>
      %dma_wait3A_428 = tpu.memref_squeeze %dma_wait3A_427 : memref<1x16x128xi32, #tpu.memory_space<vmem>> -> memref<16x128xi32, #tpu.memory_space<vmem>>
      %dma_wait3A_429 = arith.constant 0 : i32
      %dma_wait3A_430 = tpu.memref_slice %arg3[%run_scoped3A_28, %add3A_27, %dma_wait3A_429] : memref<2x2560x128xi32, #tpu.memory_space<hbm>> -> memref<1x16x128xi32, #tpu.memory_space<hbm>>
      %dma_wait3A_431 = tpu.memref_squeeze %dma_wait3A_430 : memref<1x16x128xi32, #tpu.memory_space<hbm>> -> memref<16x128xi32, #tpu.memory_space<hbm>>
      tpu.wait_dma2 semaphore(%run_scoped3A_403 : memref<!tpu.dma_semaphore, #tpu.memory_space<semaphore_mem>>) src(%dma_wait3A_431 : memref<16x128xi32, #tpu.memory_space<hbm>>) dst(%dma_wait3A_428 : memref<16x128xi32, #tpu.memory_space<vmem>>)
      tpu.yield
    }) : () -> ()
    %add3A_30 = arith.constant 16 : i32
    %add3A_31 = arith.addi %mul3A_4, %add3A_30 : i32
    %run_scoped3A_32 = arith.constant 1 : i32
    %run_scoped3A_33 = arith.constant 1 : i32
    "tpu.region"() ({
      %run_scoped3A_403 = tpu.sem_alloc : memref<!tpu.dma_semaphore, #tpu.memory_space<semaphore_mem>>
      %dma_start3A_404 = arith.constant 0 : i32
      %dma_start3A_405 = arith.constant 0 : i32
      %dma_start3A_406 = tpu.memref_slice %arg7[%run_scoped3A_33, %dma_start3A_404, %dma_start3A_405] : memref<2x16x128xi32, #tpu.memory_space<vmem>> -> memref<1x16x128xi32, #tpu.memory_space<vmem>>
      %dma_start3A_407 = tpu.memref_squeeze %dma_start3A_406 : memref<1x16x128xi32, #tpu.memory_space<vmem>> -> memref<16x128xi32, #tpu.memory_space<vmem>>
      %dma_start3A_408 = arith.constant 0 : i32
      %dma_start3A_409 = tpu.memref_slice %arg3[%run_scoped3A_32, %add3A_31, %dma_start3A_408] : memref<2x2560x128xi32, #tpu.memory_space<hbm>> -> memref<1x16x128xi32, #tpu.memory_space<hbm>>
      %dma_start3A_410 = tpu.memref_squeeze %dma_start3A_409 : memref<1x16x128xi32, #tpu.memory_space<hbm>> -> memref<16x128xi32, #tpu.memory_space<hbm>>
      %dma_start3A_411 = arith.constant 0 : i32
      %dma_start3A_412 = arith.constant 0 : i32
      %dma_start3A_413 = tpu.memref_slice %arg7[%run_scoped3A_33, %dma_start3A_411, %dma_start3A_412] : memref<2x16x128xi32, #tpu.memory_space<vmem>> -> memref<1x16x128xi32, #tpu.memory_space<vmem>>
      %dma_start3A_414 = tpu.memref_squeeze %dma_start3A_413 : memref<1x16x128xi32, #tpu.memory_space<vmem>> -> memref<16x128xi32, #tpu.memory_space<vmem>>
      %dma_start3A_415 = arith.constant 0 : i32
      %dma_start3A_416 = tpu.memref_slice %arg3[%run_scoped3A_32, %add3A_31, %dma_start3A_415] : memref<2x2560x128xi32, #tpu.memory_space<hbm>> -> memref<1x16x128xi32, #tpu.memory_space<hbm>>
      %dma_start3A_417 = tpu.memref_squeeze %dma_start3A_416 : memref<1x16x128xi32, #tpu.memory_space<hbm>> -> memref<16x128xi32, #tpu.memory_space<hbm>>
      tpu.enqueue_dma source(%dma_start3A_417 : memref<16x128xi32, #tpu.memory_space<hbm>>) target(%dma_start3A_414 : memref<16x128xi32, #tpu.memory_space<vmem>>) target_semaphore(%run_scoped3A_403 : memref<!tpu.dma_semaphore, #tpu.memory_space<semaphore_mem>>)
      %dma_wait3A_418 = arith.constant 0 : i32
      %dma_wait3A_419 = arith.constant 0 : i32
      %dma_wait3A_420 = tpu.memref_slice %arg7[%run_scoped3A_33, %dma_wait3A_418, %dma_wait3A_419] : memref<2x16x128xi32, #tpu.memory_space<vmem>> -> memref<1x16x128xi32, #tpu.memory_space<vmem>>
      %dma_wait3A_421 = tpu.memref_squeeze %dma_wait3A_420 : memref<1x16x128xi32, #tpu.memory_space<vmem>> -> memref<16x128xi32, #tpu.memory_space<vmem>>
      %dma_wait3A_422 = arith.constant 0 : i32
      %dma_wait3A_423 = tpu.memref_slice %arg3[%run_scoped3A_32, %add3A_31, %dma_wait3A_422] : memref<2x2560x128xi32, #tpu.memory_space<hbm>> -> memref<1x16x128xi32, #tpu.memory_space<hbm>>
      %dma_wait3A_424 = tpu.memref_squeeze %dma_wait3A_423 : memref<1x16x128xi32, #tpu.memory_space<hbm>> -> memref<16x128xi32, #tpu.memory_space<hbm>>
      %dma_wait3A_425 = arith.constant 0 : i32
      %dma_wait3A_426 = arith.constant 0 : i32
      %dma_wait3A_427 = tpu.memref_slice %arg7[%run_scoped3A_33, %dma_wait3A_425, %dma_wait3A_426] : memref<2x16x128xi32, #tpu.memory_space<vmem>> -> memref<1x16x128xi32, #tpu.memory_space<vmem>>
      %dma_wait3A_428 = tpu.memref_squeeze %dma_wait3A_427 : memref<1x16x128xi32, #tpu.memory_space<vmem>> -> memref<16x128xi32, #tpu.memory_space<vmem>>
      %dma_wait3A_429 = arith.constant 0 : i32
      %dma_wait3A_430 = tpu.memref_slice %arg3[%run_scoped3A_32, %add3A_31, %dma_wait3A_429] : memref<2x2560x128xi32, #tpu.memory_space<hbm>> -> memref<1x16x128xi32, #tpu.memory_space<hbm>>
      %dma_wait3A_431 = tpu.memref_squeeze %dma_wait3A_430 : memref<1x16x128xi32, #tpu.memory_space<hbm>> -> memref<16x128xi32, #tpu.memory_space<hbm>>
      tpu.wait_dma2 semaphore(%run_scoped3A_403 : memref<!tpu.dma_semaphore, #tpu.memory_space<semaphore_mem>>) src(%dma_wait3A_431 : memref<16x128xi32, #tpu.memory_space<hbm>>) dst(%dma_wait3A_428 : memref<16x128xi32, #tpu.memory_space<vmem>>)
      tpu.yield
    }) : () -> ()
    %add3A_34 = arith.constant 0 : i32
    %add3A_35 = arith.addi %mul3A_2, %add3A_34 : i32
    "tpu.region"() ({
      %run_scoped3A_403 = tpu.sem_alloc : memref<!tpu.dma_semaphore, #tpu.memory_space<semaphore_mem>>
      %dma_start3A_404 = arith.constant 0 : i32
      %dma_start3A_405 = tpu.memref_slice %arg12[%add3A_35, %dma_start3A_404] : memref<10240x128xf32, #tpu.memory_space<vmem_shared>> -> memref<128x128xf32, #tpu.memory_space<vmem_shared>>
      %dma_start3A_406 = arith.constant 0 : i32
      %dma_start3A_407 = tpu.memref_slice %arg12[%add3A_35, %dma_start3A_406] : memref<10240x128xf32, #tpu.memory_space<vmem_shared>> -> memref<128x128xf32, #tpu.memory_space<vmem_shared>>
      tpu.enqueue_dma source(%arg8 : memref<128x128xf32, #tpu.memory_space<vmem>>) target(%dma_start3A_407 : memref<128x128xf32, #tpu.memory_space<vmem_shared>>) target_semaphore(%run_scoped3A_403 : memref<!tpu.dma_semaphore, #tpu.memory_space<semaphore_mem>>)
      %dma_wait3A_408 = arith.constant 0 : i32
      %dma_wait3A_409 = tpu.memref_slice %arg12[%add3A_35, %dma_wait3A_408] : memref<10240x128xf32, #tpu.memory_space<vmem_shared>> -> memref<128x128xf32, #tpu.memory_space<vmem_shared>>
      %dma_wait3A_410 = arith.constant 0 : i32
      %dma_wait3A_411 = tpu.memref_slice %arg12[%add3A_35, %dma_wait3A_410] : memref<10240x128xf32, #tpu.memory_space<vmem_shared>> -> memref<128x128xf32, #tpu.memory_space<vmem_shared>>
      tpu.wait_dma2 semaphore(%run_scoped3A_403 : memref<!tpu.dma_semaphore, #tpu.memory_space<semaphore_mem>>) src(%arg8 : memref<128x128xf32, #tpu.memory_space<vmem>>) dst(%dma_wait3A_411 : memref<128x128xf32, #tpu.memory_space<vmem_shared>>)
      tpu.yield
    }) : () -> ()
    %add3A_36 = arith.constant 128 : i32
    %add3A_37 = arith.addi %mul3A_2, %add3A_36 : i32
    "tpu.region"() ({
      %run_scoped3A_403 = tpu.sem_alloc : memref<!tpu.dma_semaphore, #tpu.memory_space<semaphore_mem>>
      %dma_start3A_404 = arith.constant 0 : i32
      %dma_start3A_405 = tpu.memref_slice %arg12[%add3A_37, %dma_start3A_404] : memref<10240x128xf32, #tpu.memory_space<vmem_shared>> -> memref<128x128xf32, #tpu.memory_space<vmem_shared>>
      %dma_start3A_406 = arith.constant 0 : i32
      %dma_start3A_407 = tpu.memref_slice %arg12[%add3A_37, %dma_start3A_406] : memref<10240x128xf32, #tpu.memory_space<vmem_shared>> -> memref<128x128xf32, #tpu.memory_space<vmem_shared>>
      tpu.enqueue_dma source(%arg8 : memref<128x128xf32, #tpu.memory_space<vmem>>) target(%dma_start3A_407 : memref<128x128xf32, #tpu.memory_space<vmem_shared>>) target_semaphore(%run_scoped3A_403 : memref<!tpu.dma_semaphore, #tpu.memory_space<semaphore_mem>>)
      %dma_wait3A_408 = arith.constant 0 : i32
      %dma_wait3A_409 = tpu.memref_slice %arg12[%add3A_37, %dma_wait3A_408] : memref<10240x128xf32, #tpu.memory_space<vmem_shared>> -> memref<128x128xf32, #tpu.memory_space<vmem_shared>>
      %dma_wait3A_410 = arith.constant 0 : i32
      %dma_wait3A_411 = tpu.memref_slice %arg12[%add3A_37, %dma_wait3A_410] : memref<10240x128xf32, #tpu.memory_space<vmem_shared>> -> memref<128x128xf32, #tpu.memory_space<vmem_shared>>
      tpu.wait_dma2 semaphore(%run_scoped3A_403 : memref<!tpu.dma_semaphore, #tpu.memory_space<semaphore_mem>>) src(%arg8 : memref<128x128xf32, #tpu.memory_space<vmem>>) dst(%dma_wait3A_411 : memref<128x128xf32, #tpu.memory_space<vmem_shared>>)
      tpu.yield
    }) : () -> ()
    %add3A_38 = arith.constant 256 : i32
    %add3A_39 = arith.addi %mul3A_2, %add3A_38 : i32
    "tpu.region"() ({
      %run_scoped3A_403 = tpu.sem_alloc : memref<!tpu.dma_semaphore, #tpu.memory_space<semaphore_mem>>
      %dma_start3A_404 = arith.constant 0 : i32
      %dma_start3A_405 = tpu.memref_slice %arg12[%add3A_39, %dma_start3A_404] : memref<10240x128xf32, #tpu.memory_space<vmem_shared>> -> memref<128x128xf32, #tpu.memory_space<vmem_shared>>
      %dma_start3A_406 = arith.constant 0 : i32
      %dma_start3A_407 = tpu.memref_slice %arg12[%add3A_39, %dma_start3A_406] : memref<10240x128xf32, #tpu.memory_space<vmem_shared>> -> memref<128x128xf32, #tpu.memory_space<vmem_shared>>
      tpu.enqueue_dma source(%arg8 : memref<128x128xf32, #tpu.memory_space<vmem>>) target(%dma_start3A_407 : memref<128x128xf32, #tpu.memory_space<vmem_shared>>) target_semaphore(%run_scoped3A_403 : memref<!tpu.dma_semaphore, #tpu.memory_space<semaphore_mem>>)
      %dma_wait3A_408 = arith.constant 0 : i32
      %dma_wait3A_409 = tpu.memref_slice %arg12[%add3A_39, %dma_wait3A_408] : memref<10240x128xf32, #tpu.memory_space<vmem_shared>> -> memref<128x128xf32, #tpu.memory_space<vmem_shared>>
      %dma_wait3A_410 = arith.constant 0 : i32
      %dma_wait3A_411 = tpu.memref_slice %arg12[%add3A_39, %dma_wait3A_410] : memref<10240x128xf32, #tpu.memory_space<vmem_shared>> -> memref<128x128xf32, #tpu.memory_space<vmem_shared>>
      tpu.wait_dma2 semaphore(%run_scoped3A_403 : memref<!tpu.dma_semaphore, #tpu.memory_space<semaphore_mem>>) src(%arg8 : memref<128x128xf32, #tpu.memory_space<vmem>>) dst(%dma_wait3A_411 : memref<128x128xf32, #tpu.memory_space<vmem_shared>>)
      tpu.yield
    }) : () -> ()
    %add3A_40 = arith.constant 384 : i32
    %add3A_41 = arith.addi %mul3A_2, %add3A_40 : i32
    "tpu.region"() ({
      %run_scoped3A_403 = tpu.sem_alloc : memref<!tpu.dma_semaphore, #tpu.memory_space<semaphore_mem>>
      %dma_start3A_404 = arith.constant 0 : i32
      %dma_start3A_405 = tpu.memref_slice %arg12[%add3A_41, %dma_start3A_404] : memref<10240x128xf32, #tpu.memory_space<vmem_shared>> -> memref<128x128xf32, #tpu.memory_space<vmem_shared>>
      %dma_start3A_406 = arith.constant 0 : i32
      %dma_start3A_407 = tpu.memref_slice %arg12[%add3A_41, %dma_start3A_406] : memref<10240x128xf32, #tpu.memory_space<vmem_shared>> -> memref<128x128xf32, #tpu.memory_space<vmem_shared>>
      tpu.enqueue_dma source(%arg8 : memref<128x128xf32, #tpu.memory_space<vmem>>) target(%dma_start3A_407 : memref<128x128xf32, #tpu.memory_space<vmem_shared>>) target_semaphore(%run_scoped3A_403 : memref<!tpu.dma_semaphore, #tpu.memory_space<semaphore_mem>>)
      %dma_wait3A_408 = arith.constant 0 : i32
      %dma_wait3A_409 = tpu.memref_slice %arg12[%add3A_41, %dma_wait3A_408] : memref<10240x128xf32, #tpu.memory_space<vmem_shared>> -> memref<128x128xf32, #tpu.memory_space<vmem_shared>>
      %dma_wait3A_410 = arith.constant 0 : i32
      %dma_wait3A_411 = tpu.memref_slice %arg12[%add3A_41, %dma_wait3A_410] : memref<10240x128xf32, #tpu.memory_space<vmem_shared>> -> memref<128x128xf32, #tpu.memory_space<vmem_shared>>
      tpu.wait_dma2 semaphore(%run_scoped3A_403 : memref<!tpu.dma_semaphore, #tpu.memory_space<semaphore_mem>>) src(%arg8 : memref<128x128xf32, #tpu.memory_space<vmem>>) dst(%dma_wait3A_411 : memref<128x128xf32, #tpu.memory_space<vmem_shared>>)
      tpu.yield
    }) : () -> ()
    %add3A_42 = arith.constant 512 : i32
    %add3A_43 = arith.addi %mul3A_2, %add3A_42 : i32
    "tpu.region"() ({
      %run_scoped3A_403 = tpu.sem_alloc : memref<!tpu.dma_semaphore, #tpu.memory_space<semaphore_mem>>
      %dma_start3A_404 = arith.constant 0 : i32
      %dma_start3A_405 = tpu.memref_slice %arg12[%add3A_43, %dma_start3A_404] : memref<10240x128xf32, #tpu.memory_space<vmem_shared>> -> memref<128x128xf32, #tpu.memory_space<vmem_shared>>
      %dma_start3A_406 = arith.constant 0 : i32
      %dma_start3A_407 = tpu.memref_slice %arg12[%add3A_43, %dma_start3A_406] : memref<10240x128xf32, #tpu.memory_space<vmem_shared>> -> memref<128x128xf32, #tpu.memory_space<vmem_shared>>
      tpu.enqueue_dma source(%arg8 : memref<128x128xf32, #tpu.memory_space<vmem>>) target(%dma_start3A_407 : memref<128x128xf32, #tpu.memory_space<vmem_shared>>) target_semaphore(%run_scoped3A_403 : memref<!tpu.dma_semaphore, #tpu.memory_space<semaphore_mem>>)
      %dma_wait3A_408 = arith.constant 0 : i32
      %dma_wait3A_409 = tpu.memref_slice %arg12[%add3A_43, %dma_wait3A_408] : memref<10240x128xf32, #tpu.memory_space<vmem_shared>> -> memref<128x128xf32, #tpu.memory_space<vmem_shared>>
      %dma_wait3A_410 = arith.constant 0 : i32
      %dma_wait3A_411 = tpu.memref_slice %arg12[%add3A_43, %dma_wait3A_410] : memref<10240x128xf32, #tpu.memory_space<vmem_shared>> -> memref<128x128xf32, #tpu.memory_space<vmem_shared>>
      tpu.wait_dma2 semaphore(%run_scoped3A_403 : memref<!tpu.dma_semaphore, #tpu.memory_space<semaphore_mem>>) src(%arg8 : memref<128x128xf32, #tpu.memory_space<vmem>>) dst(%dma_wait3A_411 : memref<128x128xf32, #tpu.memory_space<vmem_shared>>)
      tpu.yield
    }) : () -> ()
    "tpu.region"() ({
      %run_scoped3A_403 = tpu.sem_alloc : memref<!tpu.dma_semaphore, #tpu.memory_space<semaphore_mem>>
      %dma_start3A_404 = tpu.memref_slice %arg13[%mul3A_2] : memref<10240xf32, #tpu.memory_space<vmem_shared>> -> memref<640xf32, #tpu.memory_space<vmem_shared>>
      %dma_start3A_405 = tpu.memref_slice %arg13[%mul3A_2] : memref<10240xf32, #tpu.memory_space<vmem_shared>> -> memref<640xf32, #tpu.memory_space<vmem_shared>>
      tpu.enqueue_dma source(%arg11 : memref<640xf32, #tpu.memory_space<vmem>>) target(%dma_start3A_405 : memref<640xf32, #tpu.memory_space<vmem_shared>>) target_semaphore(%run_scoped3A_403 : memref<!tpu.dma_semaphore, #tpu.memory_space<semaphore_mem>>)
      %dma_wait3A_406 = tpu.memref_slice %arg13[%mul3A_2] : memref<10240xf32, #tpu.memory_space<vmem_shared>> -> memref<640xf32, #tpu.memory_space<vmem_shared>>
      %dma_wait3A_407 = tpu.memref_slice %arg13[%mul3A_2] : memref<10240xf32, #tpu.memory_space<vmem_shared>> -> memref<640xf32, #tpu.memory_space<vmem_shared>>
      tpu.wait_dma2 semaphore(%run_scoped3A_403 : memref<!tpu.dma_semaphore, #tpu.memory_space<semaphore_mem>>) src(%arg11 : memref<640xf32, #tpu.memory_space<vmem>>) dst(%dma_wait3A_407 : memref<640xf32, #tpu.memory_space<vmem_shared>>)
      tpu.yield
    }) : () -> ()
    %barrier3A = arith.constant 0 : index
    tpu.barrier barrier_id(%barrier3A)
    %dma_start3A = arith.constant 0 : i32
    %dma_start3A_44 = arith.constant 0 : i32
    %dma_start3A_45 = arith.constant 0 : i32
    %dma_start3A_46 = tpu.memref_slice %arg7[%dma_start3A, %dma_start3A_44, %dma_start3A_45] : memref<2x16x128xi32, #tpu.memory_space<vmem>> -> memref<1x1x128xi32, #tpu.memory_space<vmem>>
    %dma_start3A_47 = tpu.memref_squeeze %dma_start3A_46 : memref<1x1x128xi32, #tpu.memory_space<vmem>> -> memref<128xi32, #tpu.memory_space<vmem>>
    %dma_start3A_48 = arith.constant 0 : i32
    %dma_start3A_49 = tpu.memref_slice %arg13[%dma_start3A_48] : memref<10240xf32, #tpu.memory_space<vmem_shared>> -> memref<10240xf32, #tpu.memory_space<vmem_shared>>
    tpu.enqueue_indirect_dma source(%arg10 : memref<128xf32, #tpu.memory_space<vmem>>) target(%dma_start3A_49 : memref<10240xf32, #tpu.memory_space<vmem_shared>>) offsets(%dma_start3A_47 : memref<128xi32, #tpu.memory_space<vmem>>) semaphore(%arg18 : memref<!tpu.dma_semaphore, #tpu.memory_space<semaphore_mem>>) {add = true}
    %dma_start3A_50 = arith.constant 0 : i32
    %dma_start3A_51 = arith.constant 1 : i32
    %dma_start3A_52 = arith.constant 0 : i32
    %dma_start3A_53 = tpu.memref_slice %arg7[%dma_start3A_50, %dma_start3A_51, %dma_start3A_52] : memref<2x16x128xi32, #tpu.memory_space<vmem>> -> memref<1x1x128xi32, #tpu.memory_space<vmem>>
    %dma_start3A_54 = tpu.memref_squeeze %dma_start3A_53 : memref<1x1x128xi32, #tpu.memory_space<vmem>> -> memref<128xi32, #tpu.memory_space<vmem>>
    %dma_start3A_55 = arith.constant 0 : i32
    %dma_start3A_56 = tpu.memref_slice %arg13[%dma_start3A_55] : memref<10240xf32, #tpu.memory_space<vmem_shared>> -> memref<10240xf32, #tpu.memory_space<vmem_shared>>
    tpu.enqueue_indirect_dma source(%arg10 : memref<128xf32, #tpu.memory_space<vmem>>) target(%dma_start3A_56 : memref<10240xf32, #tpu.memory_space<vmem_shared>>) offsets(%dma_start3A_54 : memref<128xi32, #tpu.memory_space<vmem>>) semaphore(%arg18 : memref<!tpu.dma_semaphore, #tpu.memory_space<semaphore_mem>>) {add = true}
    %dma_start3A_57 = arith.constant 0 : i32
    %dma_start3A_58 = arith.constant 2 : i32
    %dma_start3A_59 = arith.constant 0 : i32
    %dma_start3A_60 = tpu.memref_slice %arg7[%dma_start3A_57, %dma_start3A_58, %dma_start3A_59] : memref<2x16x128xi32, #tpu.memory_space<vmem>> -> memref<1x1x128xi32, #tpu.memory_space<vmem>>
    %dma_start3A_61 = tpu.memref_squeeze %dma_start3A_60 : memref<1x1x128xi32, #tpu.memory_space<vmem>> -> memref<128xi32, #tpu.memory_space<vmem>>
    %dma_start3A_62 = arith.constant 0 : i32
    %dma_start3A_63 = tpu.memref_slice %arg13[%dma_start3A_62] : memref<10240xf32, #tpu.memory_space<vmem_shared>> -> memref<10240xf32, #tpu.memory_space<vmem_shared>>
    tpu.enqueue_indirect_dma source(%arg10 : memref<128xf32, #tpu.memory_space<vmem>>) target(%dma_start3A_63 : memref<10240xf32, #tpu.memory_space<vmem_shared>>) offsets(%dma_start3A_61 : memref<128xi32, #tpu.memory_space<vmem>>) semaphore(%arg18 : memref<!tpu.dma_semaphore, #tpu.memory_space<semaphore_mem>>) {add = true}
    %dma_start3A_64 = arith.constant 0 : i32
    %dma_start3A_65 = arith.constant 3 : i32
    %dma_start3A_66 = arith.constant 0 : i32
    %dma_start3A_67 = tpu.memref_slice %arg7[%dma_start3A_64, %dma_start3A_65, %dma_start3A_66] : memref<2x16x128xi32, #tpu.memory_space<vmem>> -> memref<1x1x128xi32, #tpu.memory_space<vmem>>
    %dma_start3A_68 = tpu.memref_squeeze %dma_start3A_67 : memref<1x1x128xi32, #tpu.memory_space<vmem>> -> memref<128xi32, #tpu.memory_space<vmem>>
    %dma_start3A_69 = arith.constant 0 : i32
    %dma_start3A_70 = tpu.memref_slice %arg13[%dma_start3A_69] : memref<10240xf32, #tpu.memory_space<vmem_shared>> -> memref<10240xf32, #tpu.memory_space<vmem_shared>>
    tpu.enqueue_indirect_dma source(%arg10 : memref<128xf32, #tpu.memory_space<vmem>>) target(%dma_start3A_70 : memref<10240xf32, #tpu.memory_space<vmem_shared>>) offsets(%dma_start3A_68 : memref<128xi32, #tpu.memory_space<vmem>>) semaphore(%arg18 : memref<!tpu.dma_semaphore, #tpu.memory_space<semaphore_mem>>) {add = true}
    %dma_start3A_71 = arith.constant 0 : i32
    %dma_start3A_72 = arith.constant 4 : i32
    %dma_start3A_73 = arith.constant 0 : i32
    %dma_start3A_74 = tpu.memref_slice %arg7[%dma_start3A_71, %dma_start3A_72, %dma_start3A_73] : memref<2x16x128xi32, #tpu.memory_space<vmem>> -> memref<1x1x128xi32, #tpu.memory_space<vmem>>
    %dma_start3A_75 = tpu.memref_squeeze %dma_start3A_74 : memref<1x1x128xi32, #tpu.memory_space<vmem>> -> memref<128xi32, #tpu.memory_space<vmem>>
    %dma_start3A_76 = arith.constant 0 : i32
    %dma_start3A_77 = tpu.memref_slice %arg13[%dma_start3A_76] : memref<10240xf32, #tpu.memory_space<vmem_shared>> -> memref<10240xf32, #tpu.memory_space<vmem_shared>>
    tpu.enqueue_indirect_dma source(%arg10 : memref<128xf32, #tpu.memory_space<vmem>>) target(%dma_start3A_77 : memref<10240xf32, #tpu.memory_space<vmem_shared>>) offsets(%dma_start3A_75 : memref<128xi32, #tpu.memory_space<vmem>>) semaphore(%arg18 : memref<!tpu.dma_semaphore, #tpu.memory_space<semaphore_mem>>) {add = true}
    %dma_start3A_78 = arith.constant 0 : i32
    %dma_start3A_79 = arith.constant 5 : i32
    %dma_start3A_80 = arith.constant 0 : i32
    %dma_start3A_81 = tpu.memref_slice %arg7[%dma_start3A_78, %dma_start3A_79, %dma_start3A_80] : memref<2x16x128xi32, #tpu.memory_space<vmem>> -> memref<1x1x128xi32, #tpu.memory_space<vmem>>
    %dma_start3A_82 = tpu.memref_squeeze %dma_start3A_81 : memref<1x1x128xi32, #tpu.memory_space<vmem>> -> memref<128xi32, #tpu.memory_space<vmem>>
    %dma_start3A_83 = arith.constant 0 : i32
    %dma_start3A_84 = tpu.memref_slice %arg13[%dma_start3A_83] : memref<10240xf32, #tpu.memory_space<vmem_shared>> -> memref<10240xf32, #tpu.memory_space<vmem_shared>>
    tpu.enqueue_indirect_dma source(%arg10 : memref<128xf32, #tpu.memory_space<vmem>>) target(%dma_start3A_84 : memref<10240xf32, #tpu.memory_space<vmem_shared>>) offsets(%dma_start3A_82 : memref<128xi32, #tpu.memory_space<vmem>>) semaphore(%arg18 : memref<!tpu.dma_semaphore, #tpu.memory_space<semaphore_mem>>) {add = true}
    %dma_start3A_85 = arith.constant 0 : i32
    %dma_start3A_86 = arith.constant 6 : i32
    %dma_start3A_87 = arith.constant 0 : i32
    %dma_start3A_88 = tpu.memref_slice %arg7[%dma_start3A_85, %dma_start3A_86, %dma_start3A_87] : memref<2x16x128xi32, #tpu.memory_space<vmem>> -> memref<1x1x128xi32, #tpu.memory_space<vmem>>
    %dma_start3A_89 = tpu.memref_squeeze %dma_start3A_88 : memref<1x1x128xi32, #tpu.memory_space<vmem>> -> memref<128xi32, #tpu.memory_space<vmem>>
    %dma_start3A_90 = arith.constant 0 : i32
    %dma_start3A_91 = tpu.memref_slice %arg13[%dma_start3A_90] : memref<10240xf32, #tpu.memory_space<vmem_shared>> -> memref<10240xf32, #tpu.memory_space<vmem_shared>>
    tpu.enqueue_indirect_dma source(%arg10 : memref<128xf32, #tpu.memory_space<vmem>>) target(%dma_start3A_91 : memref<10240xf32, #tpu.memory_space<vmem_shared>>) offsets(%dma_start3A_89 : memref<128xi32, #tpu.memory_space<vmem>>) semaphore(%arg18 : memref<!tpu.dma_semaphore, #tpu.memory_space<semaphore_mem>>) {add = true}
    %dma_start3A_92 = arith.constant 0 : i32
    %dma_start3A_93 = arith.constant 7 : i32
    %dma_start3A_94 = arith.constant 0 : i32
    %dma_start3A_95 = tpu.memref_slice %arg7[%dma_start3A_92, %dma_start3A_93, %dma_start3A_94] : memref<2x16x128xi32, #tpu.memory_space<vmem>> -> memref<1x1x128xi32, #tpu.memory_space<vmem>>
    %dma_start3A_96 = tpu.memref_squeeze %dma_start3A_95 : memref<1x1x128xi32, #tpu.memory_space<vmem>> -> memref<128xi32, #tpu.memory_space<vmem>>
    %dma_start3A_97 = arith.constant 0 : i32
    %dma_start3A_98 = tpu.memref_slice %arg13[%dma_start3A_97] : memref<10240xf32, #tpu.memory_space<vmem_shared>> -> memref<10240xf32, #tpu.memory_space<vmem_shared>>
    tpu.enqueue_indirect_dma source(%arg10 : memref<128xf32, #tpu.memory_space<vmem>>) target(%dma_start3A_98 : memref<10240xf32, #tpu.memory_space<vmem_shared>>) offsets(%dma_start3A_96 : memref<128xi32, #tpu.memory_space<vmem>>) semaphore(%arg18 : memref<!tpu.dma_semaphore, #tpu.memory_space<semaphore_mem>>) {add = true}
    %dma_start3A_99 = arith.constant 0 : i32
    %dma_start3A_100 = arith.constant 8 : i32
    %dma_start3A_101 = arith.constant 0 : i32
    %dma_start3A_102 = tpu.memref_slice %arg7[%dma_start3A_99, %dma_start3A_100, %dma_start3A_101] : memref<2x16x128xi32, #tpu.memory_space<vmem>> -> memref<1x1x128xi32, #tpu.memory_space<vmem>>
    %dma_start3A_103 = tpu.memref_squeeze %dma_start3A_102 : memref<1x1x128xi32, #tpu.memory_space<vmem>> -> memref<128xi32, #tpu.memory_space<vmem>>
    %dma_start3A_104 = arith.constant 0 : i32
    %dma_start3A_105 = tpu.memref_slice %arg13[%dma_start3A_104] : memref<10240xf32, #tpu.memory_space<vmem_shared>> -> memref<10240xf32, #tpu.memory_space<vmem_shared>>
    tpu.enqueue_indirect_dma source(%arg10 : memref<128xf32, #tpu.memory_space<vmem>>) target(%dma_start3A_105 : memref<10240xf32, #tpu.memory_space<vmem_shared>>) offsets(%dma_start3A_103 : memref<128xi32, #tpu.memory_space<vmem>>) semaphore(%arg18 : memref<!tpu.dma_semaphore, #tpu.memory_space<semaphore_mem>>) {add = true}
    %dma_start3A_106 = arith.constant 0 : i32
    %dma_start3A_107 = arith.constant 9 : i32
    %dma_start3A_108 = arith.constant 0 : i32
    %dma_start3A_109 = tpu.memref_slice %arg7[%dma_start3A_106, %dma_start3A_107, %dma_start3A_108] : memref<2x16x128xi32, #tpu.memory_space<vmem>> -> memref<1x1x128xi32, #tpu.memory_space<vmem>>
    %dma_start3A_110 = tpu.memref_squeeze %dma_start3A_109 : memref<1x1x128xi32, #tpu.memory_space<vmem>> -> memref<128xi32, #tpu.memory_space<vmem>>
    %dma_start3A_111 = arith.constant 0 : i32
    %dma_start3A_112 = tpu.memref_slice %arg13[%dma_start3A_111] : memref<10240xf32, #tpu.memory_space<vmem_shared>> -> memref<10240xf32, #tpu.memory_space<vmem_shared>>
    tpu.enqueue_indirect_dma source(%arg10 : memref<128xf32, #tpu.memory_space<vmem>>) target(%dma_start3A_112 : memref<10240xf32, #tpu.memory_space<vmem_shared>>) offsets(%dma_start3A_110 : memref<128xi32, #tpu.memory_space<vmem>>) semaphore(%arg18 : memref<!tpu.dma_semaphore, #tpu.memory_space<semaphore_mem>>) {add = true}
    %dma_start3A_113 = arith.constant 0 : i32
    %dma_start3A_114 = arith.constant 10 : i32
    %dma_start3A_115 = arith.constant 0 : i32
    %dma_start3A_116 = tpu.memref_slice %arg7[%dma_start3A_113, %dma_start3A_114, %dma_start3A_115] : memref<2x16x128xi32, #tpu.memory_space<vmem>> -> memref<1x1x128xi32, #tpu.memory_space<vmem>>
    %dma_start3A_117 = tpu.memref_squeeze %dma_start3A_116 : memref<1x1x128xi32, #tpu.memory_space<vmem>> -> memref<128xi32, #tpu.memory_space<vmem>>
    %dma_start3A_118 = arith.constant 0 : i32
    %dma_start3A_119 = tpu.memref_slice %arg13[%dma_start3A_118] : memref<10240xf32, #tpu.memory_space<vmem_shared>> -> memref<10240xf32, #tpu.memory_space<vmem_shared>>
    tpu.enqueue_indirect_dma source(%arg10 : memref<128xf32, #tpu.memory_space<vmem>>) target(%dma_start3A_119 : memref<10240xf32, #tpu.memory_space<vmem_shared>>) offsets(%dma_start3A_117 : memref<128xi32, #tpu.memory_space<vmem>>) semaphore(%arg18 : memref<!tpu.dma_semaphore, #tpu.memory_space<semaphore_mem>>) {add = true}
    %dma_start3A_120 = arith.constant 0 : i32
    %dma_start3A_121 = arith.constant 11 : i32
    %dma_start3A_122 = arith.constant 0 : i32
    %dma_start3A_123 = tpu.memref_slice %arg7[%dma_start3A_120, %dma_start3A_121, %dma_start3A_122] : memref<2x16x128xi32, #tpu.memory_space<vmem>> -> memref<1x1x128xi32, #tpu.memory_space<vmem>>
    %dma_start3A_124 = tpu.memref_squeeze %dma_start3A_123 : memref<1x1x128xi32, #tpu.memory_space<vmem>> -> memref<128xi32, #tpu.memory_space<vmem>>
    %dma_start3A_125 = arith.constant 0 : i32
    %dma_start3A_126 = tpu.memref_slice %arg13[%dma_start3A_125] : memref<10240xf32, #tpu.memory_space<vmem_shared>> -> memref<10240xf32, #tpu.memory_space<vmem_shared>>
    tpu.enqueue_indirect_dma source(%arg10 : memref<128xf32, #tpu.memory_space<vmem>>) target(%dma_start3A_126 : memref<10240xf32, #tpu.memory_space<vmem_shared>>) offsets(%dma_start3A_124 : memref<128xi32, #tpu.memory_space<vmem>>) semaphore(%arg18 : memref<!tpu.dma_semaphore, #tpu.memory_space<semaphore_mem>>) {add = true}
    %dma_start3A_127 = arith.constant 0 : i32
    %dma_start3A_128 = arith.constant 12 : i32
    %dma_start3A_129 = arith.constant 0 : i32
    %dma_start3A_130 = tpu.memref_slice %arg7[%dma_start3A_127, %dma_start3A_128, %dma_start3A_129] : memref<2x16x128xi32, #tpu.memory_space<vmem>> -> memref<1x1x128xi32, #tpu.memory_space<vmem>>
    %dma_start3A_131 = tpu.memref_squeeze %dma_start3A_130 : memref<1x1x128xi32, #tpu.memory_space<vmem>> -> memref<128xi32, #tpu.memory_space<vmem>>
    %dma_start3A_132 = arith.constant 0 : i32
    %dma_start3A_133 = tpu.memref_slice %arg13[%dma_start3A_132] : memref<10240xf32, #tpu.memory_space<vmem_shared>> -> memref<10240xf32, #tpu.memory_space<vmem_shared>>
    tpu.enqueue_indirect_dma source(%arg10 : memref<128xf32, #tpu.memory_space<vmem>>) target(%dma_start3A_133 : memref<10240xf32, #tpu.memory_space<vmem_shared>>) offsets(%dma_start3A_131 : memref<128xi32, #tpu.memory_space<vmem>>) semaphore(%arg18 : memref<!tpu.dma_semaphore, #tpu.memory_space<semaphore_mem>>) {add = true}
    %dma_start3A_134 = arith.constant 0 : i32
    %dma_start3A_135 = arith.constant 13 : i32
    %dma_start3A_136 = arith.constant 0 : i32
    %dma_start3A_137 = tpu.memref_slice %arg7[%dma_start3A_134, %dma_start3A_135, %dma_start3A_136] : memref<2x16x128xi32, #tpu.memory_space<vmem>> -> memref<1x1x128xi32, #tpu.memory_space<vmem>>
    %dma_start3A_138 = tpu.memref_squeeze %dma_start3A_137 : memref<1x1x128xi32, #tpu.memory_space<vmem>> -> memref<128xi32, #tpu.memory_space<vmem>>
    %dma_start3A_139 = arith.constant 0 : i32
    %dma_start3A_140 = tpu.memref_slice %arg13[%dma_start3A_139] : memref<10240xf32, #tpu.memory_space<vmem_shared>> -> memref<10240xf32, #tpu.memory_space<vmem_shared>>
    tpu.enqueue_indirect_dma source(%arg10 : memref<128xf32, #tpu.memory_space<vmem>>) target(%dma_start3A_140 : memref<10240xf32, #tpu.memory_space<vmem_shared>>) offsets(%dma_start3A_138 : memref<128xi32, #tpu.memory_space<vmem>>) semaphore(%arg18 : memref<!tpu.dma_semaphore, #tpu.memory_space<semaphore_mem>>) {add = true}
    %dma_start3A_141 = arith.constant 0 : i32
    %dma_start3A_142 = arith.constant 14 : i32
    %dma_start3A_143 = arith.constant 0 : i32
    %dma_start3A_144 = tpu.memref_slice %arg7[%dma_start3A_141, %dma_start3A_142, %dma_start3A_143] : memref<2x16x128xi32, #tpu.memory_space<vmem>> -> memref<1x1x128xi32, #tpu.memory_space<vmem>>
    %dma_start3A_145 = tpu.memref_squeeze %dma_start3A_144 : memref<1x1x128xi32, #tpu.memory_space<vmem>> -> memref<128xi32, #tpu.memory_space<vmem>>
    %dma_start3A_146 = arith.constant 0 : i32
    %dma_start3A_147 = tpu.memref_slice %arg13[%dma_start3A_146] : memref<10240xf32, #tpu.memory_space<vmem_shared>> -> memref<10240xf32, #tpu.memory_space<vmem_shared>>
    tpu.enqueue_indirect_dma source(%arg10 : memref<128xf32, #tpu.memory_space<vmem>>) target(%dma_start3A_147 : memref<10240xf32, #tpu.memory_space<vmem_shared>>) offsets(%dma_start3A_145 : memref<128xi32, #tpu.memory_space<vmem>>) semaphore(%arg18 : memref<!tpu.dma_semaphore, #tpu.memory_space<semaphore_mem>>) {add = true}
    %dma_start3A_148 = arith.constant 0 : i32
    %dma_start3A_149 = arith.constant 15 : i32
    %dma_start3A_150 = arith.constant 0 : i32
    %dma_start3A_151 = tpu.memref_slice %arg7[%dma_start3A_148, %dma_start3A_149, %dma_start3A_150] : memref<2x16x128xi32, #tpu.memory_space<vmem>> -> memref<1x1x128xi32, #tpu.memory_space<vmem>>
    %dma_start3A_152 = tpu.memref_squeeze %dma_start3A_151 : memref<1x1x128xi32, #tpu.memory_space<vmem>> -> memref<128xi32, #tpu.memory_space<vmem>>
    %dma_start3A_153 = arith.constant 0 : i32
    %dma_start3A_154 = tpu.memref_slice %arg13[%dma_start3A_153] : memref<10240xf32, #tpu.memory_space<vmem_shared>> -> memref<10240xf32, #tpu.memory_space<vmem_shared>>
    tpu.enqueue_indirect_dma source(%arg10 : memref<128xf32, #tpu.memory_space<vmem>>) target(%dma_start3A_154 : memref<10240xf32, #tpu.memory_space<vmem_shared>>) offsets(%dma_start3A_152 : memref<128xi32, #tpu.memory_space<vmem>>) semaphore(%arg18 : memref<!tpu.dma_semaphore, #tpu.memory_space<semaphore_mem>>) {add = true}
    %dma_start3A_155 = arith.constant 0 : i32
    %dma_start3A_156 = arith.constant 0 : i32
    %dma_start3A_157 = arith.constant 0 : i32
    %dma_start3A_158 = tpu.memref_slice %arg6[%dma_start3A_155, %dma_start3A_156, %dma_start3A_157] : memref<2x16x128xi32, #tpu.memory_space<vmem>> -> memref<1x1x128xi32, #tpu.memory_space<vmem>>
    %dma_start3A_159 = tpu.memref_squeeze %dma_start3A_158 : memref<1x1x128xi32, #tpu.memory_space<vmem>> -> memref<128xi32, #tpu.memory_space<vmem>>
    %dma_start3A_160 = arith.constant 0 : i32
    %dma_start3A_161 = arith.constant 0 : i32
    %dma_start3A_162 = tpu.memref_slice %arg2[%dma_start3A_160, %dma_start3A_161] : memref<10000x128xf32, #tpu.memory_space<hbm>> -> memref<10000x128xf32, #tpu.memory_space<hbm>>
    tpu.enqueue_indirect_dma source(%dma_start3A_162 : memref<10000x128xf32, #tpu.memory_space<hbm>>) target(%arg8 : memref<128x128xf32, #tpu.memory_space<vmem>>) offsets(%dma_start3A_159 : memref<128xi32, #tpu.memory_space<vmem>>) semaphore(%arg14 : memref<!tpu.dma_semaphore, #tpu.memory_space<semaphore_mem>>)
    %dma_start3A_163 = arith.constant 0 : i32
    %dma_start3A_164 = arith.constant 1 : i32
    %dma_start3A_165 = arith.constant 0 : i32
    %dma_start3A_166 = tpu.memref_slice %arg6[%dma_start3A_163, %dma_start3A_164, %dma_start3A_165] : memref<2x16x128xi32, #tpu.memory_space<vmem>> -> memref<1x1x128xi32, #tpu.memory_space<vmem>>
    %dma_start3A_167 = tpu.memref_squeeze %dma_start3A_166 : memref<1x1x128xi32, #tpu.memory_space<vmem>> -> memref<128xi32, #tpu.memory_space<vmem>>
    %dma_start3A_168 = arith.constant 0 : i32
    %dma_start3A_169 = arith.constant 0 : i32
    %dma_start3A_170 = tpu.memref_slice %arg2[%dma_start3A_168, %dma_start3A_169] : memref<10000x128xf32, #tpu.memory_space<hbm>> -> memref<10000x128xf32, #tpu.memory_space<hbm>>
    tpu.enqueue_indirect_dma source(%dma_start3A_170 : memref<10000x128xf32, #tpu.memory_space<hbm>>) target(%arg9 : memref<128x128xf32, #tpu.memory_space<vmem>>) offsets(%dma_start3A_167 : memref<128xi32, #tpu.memory_space<vmem>>) semaphore(%arg15 : memref<!tpu.dma_semaphore, #tpu.memory_space<semaphore_mem>>)
    %dma_wait3A = arith.constant 0 : i32
    %dma_wait3A_171 = arith.constant 0 : i32
    %dma_wait3A_172 = arith.constant 0 : i32
    %dma_wait3A_173 = tpu.memref_slice %arg6[%dma_wait3A, %dma_wait3A_171, %dma_wait3A_172] : memref<2x16x128xi32, #tpu.memory_space<vmem>> -> memref<1x1x128xi32, #tpu.memory_space<vmem>>
    %dma_wait3A_174 = tpu.memref_squeeze %dma_wait3A_173 : memref<1x1x128xi32, #tpu.memory_space<vmem>> -> memref<128xi32, #tpu.memory_space<vmem>>
    %dma_wait3A_175 = arith.constant 0 : i32
    %dma_wait3A_176 = arith.constant 0 : i32
    %dma_wait3A_177 = tpu.memref_slice %arg2[%dma_wait3A_175, %dma_wait3A_176] : memref<10000x128xf32, #tpu.memory_space<hbm>> -> memref<10000x128xf32, #tpu.memory_space<hbm>>
    tpu.wait_indirect_dma semaphore(%arg14 : memref<!tpu.dma_semaphore, #tpu.memory_space<semaphore_mem>>) src(%dma_wait3A_177 : memref<10000x128xf32, #tpu.memory_space<hbm>>) dst(%arg8 : memref<128x128xf32, #tpu.memory_space<vmem>>)
    %dma_start3A_178 = arith.constant 0 : i32
    %dma_start3A_179 = arith.constant 0 : i32
    %dma_start3A_180 = arith.constant 0 : i32
    %dma_start3A_181 = tpu.memref_slice %arg7[%dma_start3A_178, %dma_start3A_179, %dma_start3A_180] : memref<2x16x128xi32, #tpu.memory_space<vmem>> -> memref<1x1x128xi32, #tpu.memory_space<vmem>>
    %dma_start3A_182 = tpu.memref_squeeze %dma_start3A_181 : memref<1x1x128xi32, #tpu.memory_space<vmem>> -> memref<128xi32, #tpu.memory_space<vmem>>
    %dma_start3A_183 = arith.constant 0 : i32
    %dma_start3A_184 = arith.constant 0 : i32
    %dma_start3A_185 = tpu.memref_slice %arg12[%dma_start3A_183, %dma_start3A_184] : memref<10240x128xf32, #tpu.memory_space<vmem_shared>> -> memref<10240x128xf32, #tpu.memory_space<vmem_shared>>
    tpu.enqueue_indirect_dma source(%arg8 : memref<128x128xf32, #tpu.memory_space<vmem>>) target(%dma_start3A_185 : memref<10240x128xf32, #tpu.memory_space<vmem_shared>>) offsets(%dma_start3A_182 : memref<128xi32, #tpu.memory_space<vmem>>) semaphore(%arg16 : memref<!tpu.dma_semaphore, #tpu.memory_space<semaphore_mem>>) {add = true}
    %dma_wait3A_186 = arith.constant 0 : i32
    %dma_wait3A_187 = arith.constant 0 : i32
    %dma_wait3A_188 = arith.constant 0 : i32
    %dma_wait3A_189 = tpu.memref_slice %arg6[%dma_wait3A_186, %dma_wait3A_187, %dma_wait3A_188] : memref<2x16x128xi32, #tpu.memory_space<vmem>> -> memref<1x1x128xi32, #tpu.memory_space<vmem>>
    %dma_wait3A_190 = tpu.memref_squeeze %dma_wait3A_189 : memref<1x1x128xi32, #tpu.memory_space<vmem>> -> memref<128xi32, #tpu.memory_space<vmem>>
    %dma_wait3A_191 = arith.constant 0 : i32
    %dma_wait3A_192 = arith.constant 0 : i32
    %dma_wait3A_193 = tpu.memref_slice %arg2[%dma_wait3A_191, %dma_wait3A_192] : memref<10000x128xf32, #tpu.memory_space<hbm>> -> memref<10000x128xf32, #tpu.memory_space<hbm>>
    tpu.wait_indirect_dma semaphore(%arg15 : memref<!tpu.dma_semaphore, #tpu.memory_space<semaphore_mem>>) src(%dma_wait3A_193 : memref<10000x128xf32, #tpu.memory_space<hbm>>) dst(%arg9 : memref<128x128xf32, #tpu.memory_space<vmem>>)
    %dma_start3A_194 = arith.constant 0 : i32
    %dma_start3A_195 = arith.constant 1 : i32
    %dma_start3A_196 = arith.constant 0 : i32
    %dma_start3A_197 = tpu.memref_slice %arg7[%dma_start3A_194, %dma_start3A_195, %dma_start3A_196] : memref<2x16x128xi32, #tpu.memory_space<vmem>> -> memref<1x1x128xi32, #tpu.memory_space<vmem>>
    %dma_start3A_198 = tpu.memref_squeeze %dma_start3A_197 : memref<1x1x128xi32, #tpu.memory_space<vmem>> -> memref<128xi32, #tpu.memory_space<vmem>>
    %dma_start3A_199 = arith.constant 0 : i32
    %dma_start3A_200 = arith.constant 0 : i32
    %dma_start3A_201 = tpu.memref_slice %arg12[%dma_start3A_199, %dma_start3A_200] : memref<10240x128xf32, #tpu.memory_space<vmem_shared>> -> memref<10240x128xf32, #tpu.memory_space<vmem_shared>>
    tpu.enqueue_indirect_dma source(%arg9 : memref<128x128xf32, #tpu.memory_space<vmem>>) target(%dma_start3A_201 : memref<10240x128xf32, #tpu.memory_space<vmem_shared>>) offsets(%dma_start3A_198 : memref<128xi32, #tpu.memory_space<vmem>>) semaphore(%arg17 : memref<!tpu.dma_semaphore, #tpu.memory_space<semaphore_mem>>) {add = true}
    %dma_wait3A_202 = arith.constant 0 : i32
    %dma_wait3A_203 = arith.constant 0 : i32
    %dma_wait3A_204 = arith.constant 0 : i32
    %dma_wait3A_205 = tpu.memref_slice %arg7[%dma_wait3A_202, %dma_wait3A_203, %dma_wait3A_204] : memref<2x16x128xi32, #tpu.memory_space<vmem>> -> memref<1x1x128xi32, #tpu.memory_space<vmem>>
    %dma_wait3A_206 = tpu.memref_squeeze %dma_wait3A_205 : memref<1x1x128xi32, #tpu.memory_space<vmem>> -> memref<128xi32, #tpu.memory_space<vmem>>
    %dma_wait3A_207 = arith.constant 0 : i32
    %dma_wait3A_208 = arith.constant 0 : i32
    %dma_wait3A_209 = tpu.memref_slice %arg12[%dma_wait3A_207, %dma_wait3A_208] : memref<10240x128xf32, #tpu.memory_space<vmem_shared>> -> memref<10240x128xf32, #tpu.memory_space<vmem_shared>>
    tpu.wait_indirect_dma semaphore(%arg16 : memref<!tpu.dma_semaphore, #tpu.memory_space<semaphore_mem>>) src(%arg8 : memref<128x128xf32, #tpu.memory_space<vmem>>) dst(%dma_wait3A_209 : memref<10240x128xf32, #tpu.memory_space<vmem_shared>>)
    %dma_start3A_210 = arith.constant 0 : i32
    %dma_start3A_211 = arith.constant 2 : i32
    %dma_start3A_212 = arith.constant 0 : i32
    %dma_start3A_213 = tpu.memref_slice %arg6[%dma_start3A_210, %dma_start3A_211, %dma_start3A_212] : memref<2x16x128xi32, #tpu.memory_space<vmem>> -> memref<1x1x128xi32, #tpu.memory_space<vmem>>
    %dma_start3A_214 = tpu.memref_squeeze %dma_start3A_213 : memref<1x1x128xi32, #tpu.memory_space<vmem>> -> memref<128xi32, #tpu.memory_space<vmem>>
    %dma_start3A_215 = arith.constant 0 : i32
    %dma_start3A_216 = arith.constant 0 : i32
    %dma_start3A_217 = tpu.memref_slice %arg2[%dma_start3A_215, %dma_start3A_216] : memref<10000x128xf32, #tpu.memory_space<hbm>> -> memref<10000x128xf32, #tpu.memory_space<hbm>>
    tpu.enqueue_indirect_dma source(%dma_start3A_217 : memref<10000x128xf32, #tpu.memory_space<hbm>>) target(%arg8 : memref<128x128xf32, #tpu.memory_space<vmem>>) offsets(%dma_start3A_214 : memref<128xi32, #tpu.memory_space<vmem>>) semaphore(%arg14 : memref<!tpu.dma_semaphore, #tpu.memory_space<semaphore_mem>>)
    %scan3A_218 = arith.constant 0 : i32
    %scan3A_219 = arith.constant 38 : i32
    %scan3A_220 = arith.addi %scan3A_218, %scan3A_219 : i32
    %scan3A_221 = arith.constant 1 : i32
    scf.for %scan3A_403 = %scan3A_218 to %scan3A_220 step %scan3A_221  : i32 {
      %mul3A_404 = arith.constant 1 : i32
      %mul3A_405 = arith.muli %scan3A_403, %mul3A_404 : i32
      %add3A_406 = arith.constant 1 : i32
      %add3A_407 = arith.addi %add3A_406, %mul3A_405 : i32
      %mul3A_408 = arith.constant 2 : i32
      %mul3A_409 = arith.muli %mul3A_408, %add3A_407 : i32
      %dma_wait3A_410 = arith.constant 0 : i32
      %dma_wait3A_411 = arith.constant 0 : i32
      %dma_wait3A_412 = arith.constant 0 : i32
      %dma_wait3A_413 = tpu.memref_slice %arg6[%dma_wait3A_410, %dma_wait3A_411, %dma_wait3A_412] : memref<2x16x128xi32, #tpu.memory_space<vmem>> -> memref<1x1x128xi32, #tpu.memory_space<vmem>>
      %dma_wait3A_414 = tpu.memref_squeeze %dma_wait3A_413 : memref<1x1x128xi32, #tpu.memory_space<vmem>> -> memref<128xi32, #tpu.memory_space<vmem>>
      %dma_wait3A_415 = arith.constant 0 : i32
      %dma_wait3A_416 = arith.constant 0 : i32
      %dma_wait3A_417 = tpu.memref_slice %arg2[%dma_wait3A_415, %dma_wait3A_416] : memref<10000x128xf32, #tpu.memory_space<hbm>> -> memref<10000x128xf32, #tpu.memory_space<hbm>>
      tpu.wait_indirect_dma semaphore(%arg14 : memref<!tpu.dma_semaphore, #tpu.memory_space<semaphore_mem>>) src(%dma_wait3A_417 : memref<10000x128xf32, #tpu.memory_space<hbm>>) dst(%arg8 : memref<128x128xf32, #tpu.memory_space<vmem>>)
      %jit3A = arith.constant 16 : i32
      %div3A = arith.divsi %mul3A_409, %jit3A : i32
      %sign3A = arith.constant 0 : i32
      %sign3A_418 = arith.cmpi sgt, %mul3A_409, %sign3A : i32
      %sign3A_419 = arith.extui %sign3A_418 : i1 to i32
      %sign3A_420 = arith.constant 0 : i32
      %sign3A_421 = arith.cmpi slt, %mul3A_409, %sign3A_420 : i32
      %sign3A_422 = arith.extui %sign3A_421 : i1 to i32
      %sign3A_423 = arith.subi %sign3A_419, %sign3A_422 : i32
      %sign3A_424 = arith.constant 0 : i32
      %sign3A_425 = arith.cmpi sgt, %jit3A, %sign3A_424 : i32
      %sign3A_426 = arith.extui %sign3A_425 : i1 to i32
      %sign3A_427 = arith.constant 0 : i32
      %sign3A_428 = arith.cmpi slt, %jit3A, %sign3A_427 : i32
      %sign3A_429 = arith.extui %sign3A_428 : i1 to i32
      %sign3A_430 = arith.subi %sign3A_426, %sign3A_429 : i32
      %ne3A = arith.cmpi ne, %sign3A_423, %sign3A_430 : i32
      %rem3A = arith.remsi %mul3A_409, %jit3A : i32
      %ne3A_431 = arith.constant 0 : i32
      %ne3A_432 = arith.cmpi ne, %rem3A, %ne3A_431 : i32
      %and3A = arith.andi %ne3A, %ne3A_432 : i1
      %sub3A = arith.constant 1 : i32
      %sub3A_433 = arith.subi %div3A, %sub3A : i32
      %select_n3A = arith.select %and3A, %sub3A_433, %div3A : i32
      %jit3A_434 = arith.constant 2 : i32
      %eq3A = arith.constant 0 : i32
      %eq3A_435 = arith.cmpi eq, %jit3A_434, %eq3A : i32
      %jit3A_436 = arith.constant 1 : i32
      %select_n3A_437 = arith.select %eq3A_435, %jit3A_436, %jit3A_434 : i32
      %rem3A_438 = arith.remsi %select_n3A, %select_n3A_437 : i32
      %ne3A_439 = arith.constant 0 : i32
      %ne3A_440 = arith.cmpi ne, %rem3A_438, %ne3A_439 : i32
      %lt3A = arith.constant 0 : i32
      %lt3A_441 = arith.cmpi slt, %rem3A_438, %lt3A : i32
      %lt3A_442 = arith.constant 0 : i32
      %lt3A_443 = arith.cmpi slt, %select_n3A_437, %lt3A_442 : i32
      %ne3A_444 = arith.xori %lt3A_441, %lt3A_443 : i1
      %and3A_445 = arith.andi %ne3A_444, %ne3A_440 : i1
      %add3A_446 = arith.addi %rem3A_438, %select_n3A_437 : i32
      %select_n3A_447 = arith.select %and3A_445, %add3A_446, %rem3A_438 : i32
      %jit3A_448 = arith.constant 16 : i32
      %eq3A_449 = arith.constant 0 : i32
      %eq3A_450 = arith.cmpi eq, %jit3A_448, %eq3A_449 : i32
      %jit3A_451 = arith.constant 1 : i32
      %select_n3A_452 = arith.select %eq3A_450, %jit3A_451, %jit3A_448 : i32
      %rem3A_453 = arith.remsi %mul3A_409, %select_n3A_452 : i32
      %ne3A_454 = arith.constant 0 : i32
      %ne3A_455 = arith.cmpi ne, %rem3A_453, %ne3A_454 : i32
      %lt3A_456 = arith.constant 0 : i32
      %lt3A_457 = arith.cmpi slt, %rem3A_453, %lt3A_456 : i32
      %lt3A_458 = arith.constant 0 : i32
      %lt3A_459 = arith.cmpi slt, %select_n3A_452, %lt3A_458 : i32
      %ne3A_460 = arith.xori %lt3A_457, %lt3A_459 : i1
      %and3A_461 = arith.andi %ne3A_460, %ne3A_455 : i1
      %add3A_462 = arith.addi %rem3A_453, %select_n3A_452 : i32
      %select_n3A_463 = arith.select %and3A_461, %add3A_462, %rem3A_453 : i32
      %dma_start3A_464 = arith.constant 0 : i32
      %dma_start3A_465 = tpu.memref_slice %arg7[%select_n3A_447, %select_n3A_463, %dma_start3A_464] : memref<2x16x128xi32, #tpu.memory_space<vmem>> -> memref<1x1x128xi32, #tpu.memory_space<vmem>>
      %dma_start3A_466 = tpu.memref_squeeze %dma_start3A_465 : memref<1x1x128xi32, #tpu.memory_space<vmem>> -> memref<128xi32, #tpu.memory_space<vmem>>
      %dma_start3A_467 = arith.constant 0 : i32
      %dma_start3A_468 = arith.constant 0 : i32
      %dma_start3A_469 = tpu.memref_slice %arg12[%dma_start3A_467, %dma_start3A_468] : memref<10240x128xf32, #tpu.memory_space<vmem_shared>> -> memref<10240x128xf32, #tpu.memory_space<vmem_shared>>
      tpu.enqueue_indirect_dma source(%arg8 : memref<128x128xf32, #tpu.memory_space<vmem>>) target(%dma_start3A_469 : memref<10240x128xf32, #tpu.memory_space<vmem_shared>>) offsets(%dma_start3A_466 : memref<128xi32, #tpu.memory_space<vmem>>) semaphore(%arg16 : memref<!tpu.dma_semaphore, #tpu.memory_space<semaphore_mem>>) {add = true}
      %dma_wait3A_470 = arith.constant 0 : i32
      %dma_wait3A_471 = arith.constant 0 : i32
      %dma_wait3A_472 = arith.constant 0 : i32
      %dma_wait3A_473 = tpu.memref_slice %arg7[%dma_wait3A_470, %dma_wait3A_471, %dma_wait3A_472] : memref<2x16x128xi32, #tpu.memory_space<vmem>> -> memref<1x1x128xi32, #tpu.memory_space<vmem>>
      %dma_wait3A_474 = tpu.memref_squeeze %dma_wait3A_473 : memref<1x1x128xi32, #tpu.memory_space<vmem>> -> memref<128xi32, #tpu.memory_space<vmem>>
      %dma_wait3A_475 = arith.constant 0 : i32
      %dma_wait3A_476 = arith.constant 0 : i32
      %dma_wait3A_477 = tpu.memref_slice %arg12[%dma_wait3A_475, %dma_wait3A_476] : memref<10240x128xf32, #tpu.memory_space<vmem_shared>> -> memref<10240x128xf32, #tpu.memory_space<vmem_shared>>
      tpu.wait_indirect_dma semaphore(%arg17 : memref<!tpu.dma_semaphore, #tpu.memory_space<semaphore_mem>>) src(%arg9 : memref<128x128xf32, #tpu.memory_space<vmem>>) dst(%dma_wait3A_477 : memref<10240x128xf32, #tpu.memory_space<vmem_shared>>)
      %jit3A_478 = arith.constant 16 : i32
      %eq3A_479 = arith.constant 0 : i32
      %eq3A_480 = arith.cmpi eq, %jit3A_478, %eq3A_479 : i32
      %jit3A_481 = arith.constant 1 : i32
      %select_n3A_482 = arith.select %eq3A_480, %jit3A_481, %jit3A_478 : i32
      %rem3A_483 = arith.remsi %mul3A_409, %select_n3A_482 : i32
      %ne3A_484 = arith.constant 0 : i32
      %ne3A_485 = arith.cmpi ne, %rem3A_483, %ne3A_484 : i32
      %lt3A_486 = arith.constant 0 : i32
      %lt3A_487 = arith.cmpi slt, %rem3A_483, %lt3A_486 : i32
      %lt3A_488 = arith.constant 0 : i32
      %lt3A_489 = arith.cmpi slt, %select_n3A_482, %lt3A_488 : i32
      %ne3A_490 = arith.xori %lt3A_487, %lt3A_489 : i1
      %and3A_491 = arith.andi %ne3A_490, %ne3A_485 : i1
      %add3A_492 = arith.addi %rem3A_483, %select_n3A_482 : i32
      %select_n3A_493 = arith.select %and3A_491, %add3A_492, %rem3A_483 : i32
      %eq3A_494 = arith.constant 0 : i32
      %eq3A_495 = arith.cmpi eq, %select_n3A_493, %eq3A_494 : i32
      %convert_element_type3A = arith.extui %eq3A_495 : i1 to i32
      %cond3A = arith.constant 0 : i32
      %cond3A_496 = arith.cmpi ne, %convert_element_type3A, %cond3A : i32
      scf.if %cond3A_496 {
        %dma_wait3A_739 = arith.constant 0 : i32
        %dma_wait3A_740 = arith.constant 0 : i32
        %dma_wait3A_741 = arith.constant 0 : i32
        %dma_wait3A_742 = tpu.memref_slice %arg7[%dma_wait3A_739, %dma_wait3A_740, %dma_wait3A_741] : memref<2x16x128xi32, #tpu.memory_space<vmem>> -> memref<1x1x128xi32, #tpu.memory_space<vmem>>
        %dma_wait3A_743 = tpu.memref_squeeze %dma_wait3A_742 : memref<1x1x128xi32, #tpu.memory_space<vmem>> -> memref<128xi32, #tpu.memory_space<vmem>>
        %dma_wait3A_744 = arith.constant 0 : i32
        %dma_wait3A_745 = tpu.memref_slice %arg13[%dma_wait3A_744] : memref<10240xf32, #tpu.memory_space<vmem_shared>> -> memref<10240xf32, #tpu.memory_space<vmem_shared>>
        tpu.wait_indirect_dma semaphore(%arg18 : memref<!tpu.dma_semaphore, #tpu.memory_space<semaphore_mem>>) src(%arg10 : memref<128xf32, #tpu.memory_space<vmem>>) dst(%dma_wait3A_745 : memref<10240xf32, #tpu.memory_space<vmem_shared>>)
        %dma_wait3A_746 = arith.constant 0 : i32
        %dma_wait3A_747 = arith.constant 0 : i32
        %dma_wait3A_748 = arith.constant 0 : i32
        %dma_wait3A_749 = tpu.memref_slice %arg7[%dma_wait3A_746, %dma_wait3A_747, %dma_wait3A_748] : memref<2x16x128xi32, #tpu.memory_space<vmem>> -> memref<1x1x128xi32, #tpu.memory_space<vmem>>
        %dma_wait3A_750 = tpu.memref_squeeze %dma_wait3A_749 : memref<1x1x128xi32, #tpu.memory_space<vmem>> -> memref<128xi32, #tpu.memory_space<vmem>>
        %dma_wait3A_751 = arith.constant 0 : i32
        %dma_wait3A_752 = tpu.memref_slice %arg13[%dma_wait3A_751] : memref<10240xf32, #tpu.memory_space<vmem_shared>> -> memref<10240xf32, #tpu.memory_space<vmem_shared>>
        tpu.wait_indirect_dma semaphore(%arg18 : memref<!tpu.dma_semaphore, #tpu.memory_space<semaphore_mem>>) src(%arg10 : memref<128xf32, #tpu.memory_space<vmem>>) dst(%dma_wait3A_752 : memref<10240xf32, #tpu.memory_space<vmem_shared>>)
        %dma_wait3A_753 = arith.constant 0 : i32
        %dma_wait3A_754 = arith.constant 0 : i32
        %dma_wait3A_755 = arith.constant 0 : i32
        %dma_wait3A_756 = tpu.memref_slice %arg7[%dma_wait3A_753, %dma_wait3A_754, %dma_wait3A_755] : memref<2x16x128xi32, #tpu.memory_space<vmem>> -> memref<1x1x128xi32, #tpu.memory_space<vmem>>
        %dma_wait3A_757 = tpu.memref_squeeze %dma_wait3A_756 : memref<1x1x128xi32, #tpu.memory_space<vmem>> -> memref<128xi32, #tpu.memory_space<vmem>>
        %dma_wait3A_758 = arith.constant 0 : i32
        %dma_wait3A_759 = tpu.memref_slice %arg13[%dma_wait3A_758] : memref<10240xf32, #tpu.memory_space<vmem_shared>> -> memref<10240xf32, #tpu.memory_space<vmem_shared>>
        tpu.wait_indirect_dma semaphore(%arg18 : memref<!tpu.dma_semaphore, #tpu.memory_space<semaphore_mem>>) src(%arg10 : memref<128xf32, #tpu.memory_space<vmem>>) dst(%dma_wait3A_759 : memref<10240xf32, #tpu.memory_space<vmem_shared>>)
        %dma_wait3A_760 = arith.constant 0 : i32
        %dma_wait3A_761 = arith.constant 0 : i32
        %dma_wait3A_762 = arith.constant 0 : i32
        %dma_wait3A_763 = tpu.memref_slice %arg7[%dma_wait3A_760, %dma_wait3A_761, %dma_wait3A_762] : memref<2x16x128xi32, #tpu.memory_space<vmem>> -> memref<1x1x128xi32, #tpu.memory_space<vmem>>
        %dma_wait3A_764 = tpu.memref_squeeze %dma_wait3A_763 : memref<1x1x128xi32, #tpu.memory_space<vmem>> -> memref<128xi32, #tpu.memory_space<vmem>>
        %dma_wait3A_765 = arith.constant 0 : i32
        %dma_wait3A_766 = tpu.memref_slice %arg13[%dma_wait3A_765] : memref<10240xf32, #tpu.memory_space<vmem_shared>> -> memref<10240xf32, #tpu.memory_space<vmem_shared>>
        tpu.wait_indirect_dma semaphore(%arg18 : memref<!tpu.dma_semaphore, #tpu.memory_space<semaphore_mem>>) src(%arg10 : memref<128xf32, #tpu.memory_space<vmem>>) dst(%dma_wait3A_766 : memref<10240xf32, #tpu.memory_space<vmem_shared>>)
        %dma_wait3A_767 = arith.constant 0 : i32
        %dma_wait3A_768 = arith.constant 0 : i32
        %dma_wait3A_769 = arith.constant 0 : i32
        %dma_wait3A_770 = tpu.memref_slice %arg7[%dma_wait3A_767, %dma_wait3A_768, %dma_wait3A_769] : memref<2x16x128xi32, #tpu.memory_space<vmem>> -> memref<1x1x128xi32, #tpu.memory_space<vmem>>
        %dma_wait3A_771 = tpu.memref_squeeze %dma_wait3A_770 : memref<1x1x128xi32, #tpu.memory_space<vmem>> -> memref<128xi32, #tpu.memory_space<vmem>>
        %dma_wait3A_772 = arith.constant 0 : i32
        %dma_wait3A_773 = tpu.memref_slice %arg13[%dma_wait3A_772] : memref<10240xf32, #tpu.memory_space<vmem_shared>> -> memref<10240xf32, #tpu.memory_space<vmem_shared>>
        tpu.wait_indirect_dma semaphore(%arg18 : memref<!tpu.dma_semaphore, #tpu.memory_space<semaphore_mem>>) src(%arg10 : memref<128xf32, #tpu.memory_space<vmem>>) dst(%dma_wait3A_773 : memref<10240xf32, #tpu.memory_space<vmem_shared>>)
        %dma_wait3A_774 = arith.constant 0 : i32
        %dma_wait3A_775 = arith.constant 0 : i32
        %dma_wait3A_776 = arith.constant 0 : i32
        %dma_wait3A_777 = tpu.memref_slice %arg7[%dma_wait3A_774, %dma_wait3A_775, %dma_wait3A_776] : memref<2x16x128xi32, #tpu.memory_space<vmem>> -> memref<1x1x128xi32, #tpu.memory_space<vmem>>
        %dma_wait3A_778 = tpu.memref_squeeze %dma_wait3A_777 : memref<1x1x128xi32, #tpu.memory_space<vmem>> -> memref<128xi32, #tpu.memory_space<vmem>>
        %dma_wait3A_779 = arith.constant 0 : i32
        %dma_wait3A_780 = tpu.memref_slice %arg13[%dma_wait3A_779] : memref<10240xf32, #tpu.memory_space<vmem_shared>> -> memref<10240xf32, #tpu.memory_space<vmem_shared>>
        tpu.wait_indirect_dma semaphore(%arg18 : memref<!tpu.dma_semaphore, #tpu.memory_space<semaphore_mem>>) src(%arg10 : memref<128xf32, #tpu.memory_space<vmem>>) dst(%dma_wait3A_780 : memref<10240xf32, #tpu.memory_space<vmem_shared>>)
        %dma_wait3A_781 = arith.constant 0 : i32
        %dma_wait3A_782 = arith.constant 0 : i32
        %dma_wait3A_783 = arith.constant 0 : i32
        %dma_wait3A_784 = tpu.memref_slice %arg7[%dma_wait3A_781, %dma_wait3A_782, %dma_wait3A_783] : memref<2x16x128xi32, #tpu.memory_space<vmem>> -> memref<1x1x128xi32, #tpu.memory_space<vmem>>
        %dma_wait3A_785 = tpu.memref_squeeze %dma_wait3A_784 : memref<1x1x128xi32, #tpu.memory_space<vmem>> -> memref<128xi32, #tpu.memory_space<vmem>>
        %dma_wait3A_786 = arith.constant 0 : i32
        %dma_wait3A_787 = tpu.memref_slice %arg13[%dma_wait3A_786] : memref<10240xf32, #tpu.memory_space<vmem_shared>> -> memref<10240xf32, #tpu.memory_space<vmem_shared>>
        tpu.wait_indirect_dma semaphore(%arg18 : memref<!tpu.dma_semaphore, #tpu.memory_space<semaphore_mem>>) src(%arg10 : memref<128xf32, #tpu.memory_space<vmem>>) dst(%dma_wait3A_787 : memref<10240xf32, #tpu.memory_space<vmem_shared>>)
        %dma_wait3A_788 = arith.constant 0 : i32
        %dma_wait3A_789 = arith.constant 0 : i32
        %dma_wait3A_790 = arith.constant 0 : i32
        %dma_wait3A_791 = tpu.memref_slice %arg7[%dma_wait3A_788, %dma_wait3A_789, %dma_wait3A_790] : memref<2x16x128xi32, #tpu.memory_space<vmem>> -> memref<1x1x128xi32, #tpu.memory_space<vmem>>
        %dma_wait3A_792 = tpu.memref_squeeze %dma_wait3A_791 : memref<1x1x128xi32, #tpu.memory_space<vmem>> -> memref<128xi32, #tpu.memory_space<vmem>>
        %dma_wait3A_793 = arith.constant 0 : i32
        %dma_wait3A_794 = tpu.memref_slice %arg13[%dma_wait3A_793] : memref<10240xf32, #tpu.memory_space<vmem_shared>> -> memref<10240xf32, #tpu.memory_space<vmem_shared>>
        tpu.wait_indirect_dma semaphore(%arg18 : memref<!tpu.dma_semaphore, #tpu.memory_space<semaphore_mem>>) src(%arg10 : memref<128xf32, #tpu.memory_space<vmem>>) dst(%dma_wait3A_794 : memref<10240xf32, #tpu.memory_space<vmem_shared>>)
        %dma_wait3A_795 = arith.constant 0 : i32
        %dma_wait3A_796 = arith.constant 0 : i32
        %dma_wait3A_797 = arith.constant 0 : i32
        %dma_wait3A_798 = tpu.memref_slice %arg7[%dma_wait3A_795, %dma_wait3A_796, %dma_wait3A_797] : memref<2x16x128xi32, #tpu.memory_space<vmem>> -> memref<1x1x128xi32, #tpu.memory_space<vmem>>
        %dma_wait3A_799 = tpu.memref_squeeze %dma_wait3A_798 : memref<1x1x128xi32, #tpu.memory_space<vmem>> -> memref<128xi32, #tpu.memory_space<vmem>>
        %dma_wait3A_800 = arith.constant 0 : i32
        %dma_wait3A_801 = tpu.memref_slice %arg13[%dma_wait3A_800] : memref<10240xf32, #tpu.memory_space<vmem_shared>> -> memref<10240xf32, #tpu.memory_space<vmem_shared>>
        tpu.wait_indirect_dma semaphore(%arg18 : memref<!tpu.dma_semaphore, #tpu.memory_space<semaphore_mem>>) src(%arg10 : memref<128xf32, #tpu.memory_space<vmem>>) dst(%dma_wait3A_801 : memref<10240xf32, #tpu.memory_space<vmem_shared>>)
        %dma_wait3A_802 = arith.constant 0 : i32
        %dma_wait3A_803 = arith.constant 0 : i32
        %dma_wait3A_804 = arith.constant 0 : i32
        %dma_wait3A_805 = tpu.memref_slice %arg7[%dma_wait3A_802, %dma_wait3A_803, %dma_wait3A_804] : memref<2x16x128xi32, #tpu.memory_space<vmem>> -> memref<1x1x128xi32, #tpu.memory_space<vmem>>
        %dma_wait3A_806 = tpu.memref_squeeze %dma_wait3A_805 : memref<1x1x128xi32, #tpu.memory_space<vmem>> -> memref<128xi32, #tpu.memory_space<vmem>>
        %dma_wait3A_807 = arith.constant 0 : i32
        %dma_wait3A_808 = tpu.memref_slice %arg13[%dma_wait3A_807] : memref<10240xf32, #tpu.memory_space<vmem_shared>> -> memref<10240xf32, #tpu.memory_space<vmem_shared>>
        tpu.wait_indirect_dma semaphore(%arg18 : memref<!tpu.dma_semaphore, #tpu.memory_space<semaphore_mem>>) src(%arg10 : memref<128xf32, #tpu.memory_space<vmem>>) dst(%dma_wait3A_808 : memref<10240xf32, #tpu.memory_space<vmem_shared>>)
        %dma_wait3A_809 = arith.constant 0 : i32
        %dma_wait3A_810 = arith.constant 0 : i32
        %dma_wait3A_811 = arith.constant 0 : i32
        %dma_wait3A_812 = tpu.memref_slice %arg7[%dma_wait3A_809, %dma_wait3A_810, %dma_wait3A_811] : memref<2x16x128xi32, #tpu.memory_space<vmem>> -> memref<1x1x128xi32, #tpu.memory_space<vmem>>
        %dma_wait3A_813 = tpu.memref_squeeze %dma_wait3A_812 : memref<1x1x128xi32, #tpu.memory_space<vmem>> -> memref<128xi32, #tpu.memory_space<vmem>>
        %dma_wait3A_814 = arith.constant 0 : i32
        %dma_wait3A_815 = tpu.memref_slice %arg13[%dma_wait3A_814] : memref<10240xf32, #tpu.memory_space<vmem_shared>> -> memref<10240xf32, #tpu.memory_space<vmem_shared>>
        tpu.wait_indirect_dma semaphore(%arg18 : memref<!tpu.dma_semaphore, #tpu.memory_space<semaphore_mem>>) src(%arg10 : memref<128xf32, #tpu.memory_space<vmem>>) dst(%dma_wait3A_815 : memref<10240xf32, #tpu.memory_space<vmem_shared>>)
        %dma_wait3A_816 = arith.constant 0 : i32
        %dma_wait3A_817 = arith.constant 0 : i32
        %dma_wait3A_818 = arith.constant 0 : i32
        %dma_wait3A_819 = tpu.memref_slice %arg7[%dma_wait3A_816, %dma_wait3A_817, %dma_wait3A_818] : memref<2x16x128xi32, #tpu.memory_space<vmem>> -> memref<1x1x128xi32, #tpu.memory_space<vmem>>
        %dma_wait3A_820 = tpu.memref_squeeze %dma_wait3A_819 : memref<1x1x128xi32, #tpu.memory_space<vmem>> -> memref<128xi32, #tpu.memory_space<vmem>>
        %dma_wait3A_821 = arith.constant 0 : i32
        %dma_wait3A_822 = tpu.memref_slice %arg13[%dma_wait3A_821] : memref<10240xf32, #tpu.memory_space<vmem_shared>> -> memref<10240xf32, #tpu.memory_space<vmem_shared>>
        tpu.wait_indirect_dma semaphore(%arg18 : memref<!tpu.dma_semaphore, #tpu.memory_space<semaphore_mem>>) src(%arg10 : memref<128xf32, #tpu.memory_space<vmem>>) dst(%dma_wait3A_822 : memref<10240xf32, #tpu.memory_space<vmem_shared>>)
        %dma_wait3A_823 = arith.constant 0 : i32
        %dma_wait3A_824 = arith.constant 0 : i32
        %dma_wait3A_825 = arith.constant 0 : i32
        %dma_wait3A_826 = tpu.memref_slice %arg7[%dma_wait3A_823, %dma_wait3A_824, %dma_wait3A_825] : memref<2x16x128xi32, #tpu.memory_space<vmem>> -> memref<1x1x128xi32, #tpu.memory_space<vmem>>
        %dma_wait3A_827 = tpu.memref_squeeze %dma_wait3A_826 : memref<1x1x128xi32, #tpu.memory_space<vmem>> -> memref<128xi32, #tpu.memory_space<vmem>>
        %dma_wait3A_828 = arith.constant 0 : i32
        %dma_wait3A_829 = tpu.memref_slice %arg13[%dma_wait3A_828] : memref<10240xf32, #tpu.memory_space<vmem_shared>> -> memref<10240xf32, #tpu.memory_space<vmem_shared>>
        tpu.wait_indirect_dma semaphore(%arg18 : memref<!tpu.dma_semaphore, #tpu.memory_space<semaphore_mem>>) src(%arg10 : memref<128xf32, #tpu.memory_space<vmem>>) dst(%dma_wait3A_829 : memref<10240xf32, #tpu.memory_space<vmem_shared>>)
        %dma_wait3A_830 = arith.constant 0 : i32
        %dma_wait3A_831 = arith.constant 0 : i32
        %dma_wait3A_832 = arith.constant 0 : i32
        %dma_wait3A_833 = tpu.memref_slice %arg7[%dma_wait3A_830, %dma_wait3A_831, %dma_wait3A_832] : memref<2x16x128xi32, #tpu.memory_space<vmem>> -> memref<1x1x128xi32, #tpu.memory_space<vmem>>
        %dma_wait3A_834 = tpu.memref_squeeze %dma_wait3A_833 : memref<1x1x128xi32, #tpu.memory_space<vmem>> -> memref<128xi32, #tpu.memory_space<vmem>>
        %dma_wait3A_835 = arith.constant 0 : i32
        %dma_wait3A_836 = tpu.memref_slice %arg13[%dma_wait3A_835] : memref<10240xf32, #tpu.memory_space<vmem_shared>> -> memref<10240xf32, #tpu.memory_space<vmem_shared>>
        tpu.wait_indirect_dma semaphore(%arg18 : memref<!tpu.dma_semaphore, #tpu.memory_space<semaphore_mem>>) src(%arg10 : memref<128xf32, #tpu.memory_space<vmem>>) dst(%dma_wait3A_836 : memref<10240xf32, #tpu.memory_space<vmem_shared>>)
        %dma_wait3A_837 = arith.constant 0 : i32
        %dma_wait3A_838 = arith.constant 0 : i32
        %dma_wait3A_839 = arith.constant 0 : i32
        %dma_wait3A_840 = tpu.memref_slice %arg7[%dma_wait3A_837, %dma_wait3A_838, %dma_wait3A_839] : memref<2x16x128xi32, #tpu.memory_space<vmem>> -> memref<1x1x128xi32, #tpu.memory_space<vmem>>
        %dma_wait3A_841 = tpu.memref_squeeze %dma_wait3A_840 : memref<1x1x128xi32, #tpu.memory_space<vmem>> -> memref<128xi32, #tpu.memory_space<vmem>>
        %dma_wait3A_842 = arith.constant 0 : i32
        %dma_wait3A_843 = tpu.memref_slice %arg13[%dma_wait3A_842] : memref<10240xf32, #tpu.memory_space<vmem_shared>> -> memref<10240xf32, #tpu.memory_space<vmem_shared>>
        tpu.wait_indirect_dma semaphore(%arg18 : memref<!tpu.dma_semaphore, #tpu.memory_space<semaphore_mem>>) src(%arg10 : memref<128xf32, #tpu.memory_space<vmem>>) dst(%dma_wait3A_843 : memref<10240xf32, #tpu.memory_space<vmem_shared>>)
        %dma_wait3A_844 = arith.constant 0 : i32
        %dma_wait3A_845 = arith.constant 0 : i32
        %dma_wait3A_846 = arith.constant 0 : i32
        %dma_wait3A_847 = tpu.memref_slice %arg7[%dma_wait3A_844, %dma_wait3A_845, %dma_wait3A_846] : memref<2x16x128xi32, #tpu.memory_space<vmem>> -> memref<1x1x128xi32, #tpu.memory_space<vmem>>
        %dma_wait3A_848 = tpu.memref_squeeze %dma_wait3A_847 : memref<1x1x128xi32, #tpu.memory_space<vmem>> -> memref<128xi32, #tpu.memory_space<vmem>>
        %dma_wait3A_849 = arith.constant 0 : i32
        %dma_wait3A_850 = tpu.memref_slice %arg13[%dma_wait3A_849] : memref<10240xf32, #tpu.memory_space<vmem_shared>> -> memref<10240xf32, #tpu.memory_space<vmem_shared>>
        tpu.wait_indirect_dma semaphore(%arg18 : memref<!tpu.dma_semaphore, #tpu.memory_space<semaphore_mem>>) src(%arg10 : memref<128xf32, #tpu.memory_space<vmem>>) dst(%dma_wait3A_850 : memref<10240xf32, #tpu.memory_space<vmem_shared>>)
        %add3A_851 = arith.constant 16 : i32
        %add3A_852 = arith.addi %mul3A_409, %add3A_851 : i32
        %lt3A_853 = arith.constant 80 : i32
        %lt3A_854 = arith.cmpi slt, %add3A_852, %lt3A_853 : i32
        %convert_element_type3A_855 = arith.extui %lt3A_854 : i1 to i32
        %cond3A_856 = arith.constant 0 : i32
        %cond3A_857 = arith.cmpi ne, %convert_element_type3A_855, %cond3A_856 : i32
        scf.if %cond3A_857 {
          %jit3A_1234 = arith.constant 16 : i32
          %div3A_1235 = arith.divsi %mul3A_409, %jit3A_1234 : i32
          %sign3A_1236 = arith.constant 0 : i32
          %sign3A_1237 = arith.cmpi sgt, %mul3A_409, %sign3A_1236 : i32
          %sign3A_1238 = arith.extui %sign3A_1237 : i1 to i32
          %sign3A_1239 = arith.constant 0 : i32
          %sign3A_1240 = arith.cmpi slt, %mul3A_409, %sign3A_1239 : i32
          %sign3A_1241 = arith.extui %sign3A_1240 : i1 to i32
          %sign3A_1242 = arith.subi %sign3A_1238, %sign3A_1241 : i32
          %sign3A_1243 = arith.constant 0 : i32
          %sign3A_1244 = arith.cmpi sgt, %jit3A_1234, %sign3A_1243 : i32
          %sign3A_1245 = arith.extui %sign3A_1244 : i1 to i32
          %sign3A_1246 = arith.constant 0 : i32
          %sign3A_1247 = arith.cmpi slt, %jit3A_1234, %sign3A_1246 : i32
          %sign3A_1248 = arith.extui %sign3A_1247 : i1 to i32
          %sign3A_1249 = arith.subi %sign3A_1245, %sign3A_1248 : i32
          %ne3A_1250 = arith.cmpi ne, %sign3A_1242, %sign3A_1249 : i32
          %rem3A_1251 = arith.remsi %mul3A_409, %jit3A_1234 : i32
          %ne3A_1252 = arith.constant 0 : i32
          %ne3A_1253 = arith.cmpi ne, %rem3A_1251, %ne3A_1252 : i32
          %and3A_1254 = arith.andi %ne3A_1250, %ne3A_1253 : i1
          %sub3A_1255 = arith.constant 1 : i32
          %sub3A_1256 = arith.subi %div3A_1235, %sub3A_1255 : i32
          %select_n3A_1257 = arith.select %and3A_1254, %sub3A_1256, %div3A_1235 : i32
          %add3A_1258 = arith.constant 1 : i32
          %add3A_1259 = arith.addi %select_n3A_1257, %add3A_1258 : i32
          %mul3A_1260 = arith.constant 16 : i32
          %mul3A_1261 = arith.muli %add3A_1259, %mul3A_1260 : i32
          %add3A_1262 = arith.addi %mul3A_4, %mul3A_1261 : i32
          %jit3A_1263 = arith.constant 2 : i32
          %eq3A_1264 = arith.constant 0 : i32
          %eq3A_1265 = arith.cmpi eq, %jit3A_1263, %eq3A_1264 : i32
          %jit3A_1266 = arith.constant 1 : i32
          %select_n3A_1267 = arith.select %eq3A_1265, %jit3A_1266, %jit3A_1263 : i32
          %rem3A_1268 = arith.remsi %add3A_1259, %select_n3A_1267 : i32
          %ne3A_1269 = arith.constant 0 : i32
          %ne3A_1270 = arith.cmpi ne, %rem3A_1268, %ne3A_1269 : i32
          %lt3A_1271 = arith.constant 0 : i32
          %lt3A_1272 = arith.cmpi slt, %rem3A_1268, %lt3A_1271 : i32
          %lt3A_1273 = arith.constant 0 : i32
          %lt3A_1274 = arith.cmpi slt, %select_n3A_1267, %lt3A_1273 : i32
          %ne3A_1275 = arith.xori %lt3A_1272, %lt3A_1274 : i1
          %and3A_1276 = arith.andi %ne3A_1275, %ne3A_1270 : i1
          %add3A_1277 = arith.addi %rem3A_1268, %select_n3A_1267 : i32
          %select_n3A_1278 = arith.select %and3A_1276, %add3A_1277, %rem3A_1268 : i32
          %dma_start3A_1279 = arith.constant 0 : i32
          %dma_start3A_1280 = arith.constant 0 : i32
          %dma_start3A_1281 = arith.constant 0 : i32
          %dma_start3A_1282 = tpu.memref_slice %arg6[%select_n3A_1278, %dma_start3A_1280, %dma_start3A_1281] : memref<2x16x128xi32, #tpu.memory_space<vmem>> -> memref<1x16x128xi32, #tpu.memory_space<vmem>>
          %dma_start3A_1283 = tpu.memref_squeeze %dma_start3A_1282 : memref<1x16x128xi32, #tpu.memory_space<vmem>> -> memref<16x128xi32, #tpu.memory_space<vmem>>
          %dma_start3A_1284 = arith.constant 0 : i32
          %dma_start3A_1285 = tpu.memref_slice %arg3[%dma_start3A_1279, %add3A_1262, %dma_start3A_1284] : memref<2x2560x128xi32, #tpu.memory_space<hbm>> -> memref<1x16x128xi32, #tpu.memory_space<hbm>>
          %dma_start3A_1286 = tpu.memref_squeeze %dma_start3A_1285 : memref<1x16x128xi32, #tpu.memory_space<hbm>> -> memref<16x128xi32, #tpu.memory_space<hbm>>
          %dma_start3A_1287 = arith.constant 0 : i32
          %dma_start3A_1288 = arith.constant 0 : i32
          %dma_start3A_1289 = tpu.memref_slice %arg6[%select_n3A_1278, %dma_start3A_1287, %dma_start3A_1288] : memref<2x16x128xi32, #tpu.memory_space<vmem>> -> memref<1x16x128xi32, #tpu.memory_space<vmem>>
          %dma_start3A_1290 = tpu.memref_squeeze %dma_start3A_1289 : memref<1x16x128xi32, #tpu.memory_space<vmem>> -> memref<16x128xi32, #tpu.memory_space<vmem>>
          %dma_start3A_1291 = arith.constant 0 : i32
          %dma_start3A_1292 = tpu.memref_slice %arg3[%dma_start3A_1279, %add3A_1262, %dma_start3A_1291] : memref<2x2560x128xi32, #tpu.memory_space<hbm>> -> memref<1x16x128xi32, #tpu.memory_space<hbm>>
          %dma_start3A_1293 = tpu.memref_squeeze %dma_start3A_1292 : memref<1x16x128xi32, #tpu.memory_space<hbm>> -> memref<16x128xi32, #tpu.memory_space<hbm>>
          tpu.enqueue_dma source(%dma_start3A_1293 : memref<16x128xi32, #tpu.memory_space<hbm>>) target(%dma_start3A_1290 : memref<16x128xi32, #tpu.memory_space<vmem>>) target_semaphore(%arg19 : memref<!tpu.dma_semaphore, #tpu.memory_space<semaphore_mem>>)
          %mul3A_1294 = arith.constant 16 : i32
          %mul3A_1295 = arith.muli %add3A_1259, %mul3A_1294 : i32
          %add3A_1296 = arith.addi %mul3A_4, %mul3A_1295 : i32
          %jit3A_1297 = arith.constant 2 : i32
          %eq3A_1298 = arith.constant 0 : i32
          %eq3A_1299 = arith.cmpi eq, %jit3A_1297, %eq3A_1298 : i32
          %jit3A_1300 = arith.constant 1 : i32
          %select_n3A_1301 = arith.select %eq3A_1299, %jit3A_1300, %jit3A_1297 : i32
          %rem3A_1302 = arith.remsi %add3A_1259, %select_n3A_1301 : i32
          %ne3A_1303 = arith.constant 0 : i32
          %ne3A_1304 = arith.cmpi ne, %rem3A_1302, %ne3A_1303 : i32
          %lt3A_1305 = arith.constant 0 : i32
          %lt3A_1306 = arith.cmpi slt, %rem3A_1302, %lt3A_1305 : i32
          %lt3A_1307 = arith.constant 0 : i32
          %lt3A_1308 = arith.cmpi slt, %select_n3A_1301, %lt3A_1307 : i32
          %ne3A_1309 = arith.xori %lt3A_1306, %lt3A_1308 : i1
          %and3A_1310 = arith.andi %ne3A_1309, %ne3A_1304 : i1
          %add3A_1311 = arith.addi %rem3A_1302, %select_n3A_1301 : i32
          %select_n3A_1312 = arith.select %and3A_1310, %add3A_1311, %rem3A_1302 : i32
          %dma_start3A_1313 = arith.constant 1 : i32
          %dma_start3A_1314 = arith.constant 0 : i32
          %dma_start3A_1315 = arith.constant 0 : i32
          %dma_start3A_1316 = tpu.memref_slice %arg7[%select_n3A_1312, %dma_start3A_1314, %dma_start3A_1315] : memref<2x16x128xi32, #tpu.memory_space<vmem>> -> memref<1x16x128xi32, #tpu.memory_space<vmem>>
          %dma_start3A_1317 = tpu.memref_squeeze %dma_start3A_1316 : memref<1x16x128xi32, #tpu.memory_space<vmem>> -> memref<16x128xi32, #tpu.memory_space<vmem>>
          %dma_start3A_1318 = arith.constant 0 : i32
          %dma_start3A_1319 = tpu.memref_slice %arg3[%dma_start3A_1313, %add3A_1296, %dma_start3A_1318] : memref<2x2560x128xi32, #tpu.memory_space<hbm>> -> memref<1x16x128xi32, #tpu.memory_space<hbm>>
          %dma_start3A_1320 = tpu.memref_squeeze %dma_start3A_1319 : memref<1x16x128xi32, #tpu.memory_space<hbm>> -> memref<16x128xi32, #tpu.memory_space<hbm>>
          %dma_start3A_1321 = arith.constant 0 : i32
          %dma_start3A_1322 = arith.constant 0 : i32
          %dma_start3A_1323 = tpu.memref_slice %arg7[%select_n3A_1312, %dma_start3A_1321, %dma_start3A_1322] : memref<2x16x128xi32, #tpu.memory_space<vmem>> -> memref<1x16x128xi32, #tpu.memory_space<vmem>>
          %dma_start3A_1324 = tpu.memref_squeeze %dma_start3A_1323 : memref<1x16x128xi32, #tpu.memory_space<vmem>> -> memref<16x128xi32, #tpu.memory_space<vmem>>
          %dma_start3A_1325 = arith.constant 0 : i32
          %dma_start3A_1326 = tpu.memref_slice %arg3[%dma_start3A_1313, %add3A_1296, %dma_start3A_1325] : memref<2x2560x128xi32, #tpu.memory_space<hbm>> -> memref<1x16x128xi32, #tpu.memory_space<hbm>>
          %dma_start3A_1327 = tpu.memref_squeeze %dma_start3A_1326 : memref<1x16x128xi32, #tpu.memory_space<hbm>> -> memref<16x128xi32, #tpu.memory_space<hbm>>
          tpu.enqueue_dma source(%dma_start3A_1327 : memref<16x128xi32, #tpu.memory_space<hbm>>) target(%dma_start3A_1324 : memref<16x128xi32, #tpu.memory_space<vmem>>) target_semaphore(%arg19 : memref<!tpu.dma_semaphore, #tpu.memory_space<semaphore_mem>>)
        } else {
        }
        %jit3A_858 = arith.constant 16 : i32
        %div3A_859 = arith.divsi %mul3A_409, %jit3A_858 : i32
        %sign3A_860 = arith.constant 0 : i32
        %sign3A_861 = arith.cmpi sgt, %mul3A_409, %sign3A_860 : i32
        %sign3A_862 = arith.extui %sign3A_861 : i1 to i32
        %sign3A_863 = arith.constant 0 : i32
        %sign3A_864 = arith.cmpi slt, %mul3A_409, %sign3A_863 : i32
        %sign3A_865 = arith.extui %sign3A_864 : i1 to i32
        %sign3A_866 = arith.subi %sign3A_862, %sign3A_865 : i32
        %sign3A_867 = arith.constant 0 : i32
        %sign3A_868 = arith.cmpi sgt, %jit3A_858, %sign3A_867 : i32
        %sign3A_869 = arith.extui %sign3A_868 : i1 to i32
        %sign3A_870 = arith.constant 0 : i32
        %sign3A_871 = arith.cmpi slt, %jit3A_858, %sign3A_870 : i32
        %sign3A_872 = arith.extui %sign3A_871 : i1 to i32
        %sign3A_873 = arith.subi %sign3A_869, %sign3A_872 : i32
        %ne3A_874 = arith.cmpi ne, %sign3A_866, %sign3A_873 : i32
        %rem3A_875 = arith.remsi %mul3A_409, %jit3A_858 : i32
        %ne3A_876 = arith.constant 0 : i32
        %ne3A_877 = arith.cmpi ne, %rem3A_875, %ne3A_876 : i32
        %and3A_878 = arith.andi %ne3A_874, %ne3A_877 : i1
        %sub3A_879 = arith.constant 1 : i32
        %sub3A_880 = arith.subi %div3A_859, %sub3A_879 : i32
        %select_n3A_881 = arith.select %and3A_878, %sub3A_880, %div3A_859 : i32
        %jit3A_882 = arith.constant 2 : i32
        %eq3A_883 = arith.constant 0 : i32
        %eq3A_884 = arith.cmpi eq, %jit3A_882, %eq3A_883 : i32
        %jit3A_885 = arith.constant 1 : i32
        %select_n3A_886 = arith.select %eq3A_884, %jit3A_885, %jit3A_882 : i32
        %rem3A_887 = arith.remsi %select_n3A_881, %select_n3A_886 : i32
        %ne3A_888 = arith.constant 0 : i32
        %ne3A_889 = arith.cmpi ne, %rem3A_887, %ne3A_888 : i32
        %lt3A_890 = arith.constant 0 : i32
        %lt3A_891 = arith.cmpi slt, %rem3A_887, %lt3A_890 : i32
        %lt3A_892 = arith.constant 0 : i32
        %lt3A_893 = arith.cmpi slt, %select_n3A_886, %lt3A_892 : i32
        %ne3A_894 = arith.xori %lt3A_891, %lt3A_893 : i1
        %and3A_895 = arith.andi %ne3A_894, %ne3A_889 : i1
        %add3A_896 = arith.addi %rem3A_887, %select_n3A_886 : i32
        %select_n3A_897 = arith.select %and3A_895, %add3A_896, %rem3A_887 : i32
        %dma_start3A_898 = arith.constant 0 : i32
        %dma_start3A_899 = arith.constant 0 : i32
        %dma_start3A_900 = tpu.memref_slice %arg7[%select_n3A_897, %dma_start3A_898, %dma_start3A_899] : memref<2x16x128xi32, #tpu.memory_space<vmem>> -> memref<1x1x128xi32, #tpu.memory_space<vmem>>
        %dma_start3A_901 = tpu.memref_squeeze %dma_start3A_900 : memref<1x1x128xi32, #tpu.memory_space<vmem>> -> memref<128xi32, #tpu.memory_space<vmem>>
        %dma_start3A_902 = arith.constant 0 : i32
        %dma_start3A_903 = tpu.memref_slice %arg13[%dma_start3A_902] : memref<10240xf32, #tpu.memory_space<vmem_shared>> -> memref<10240xf32, #tpu.memory_space<vmem_shared>>
        tpu.enqueue_indirect_dma source(%arg10 : memref<128xf32, #tpu.memory_space<vmem>>) target(%dma_start3A_903 : memref<10240xf32, #tpu.memory_space<vmem_shared>>) offsets(%dma_start3A_901 : memref<128xi32, #tpu.memory_space<vmem>>) semaphore(%arg18 : memref<!tpu.dma_semaphore, #tpu.memory_space<semaphore_mem>>) {add = true}
        %jit3A_904 = arith.constant 2 : i32
        %eq3A_905 = arith.constant 0 : i32
        %eq3A_906 = arith.cmpi eq, %jit3A_904, %eq3A_905 : i32
        %jit3A_907 = arith.constant 1 : i32
        %select_n3A_908 = arith.select %eq3A_906, %jit3A_907, %jit3A_904 : i32
        %rem3A_909 = arith.remsi %select_n3A_881, %select_n3A_908 : i32
        %ne3A_910 = arith.constant 0 : i32
        %ne3A_911 = arith.cmpi ne, %rem3A_909, %ne3A_910 : i32
        %lt3A_912 = arith.constant 0 : i32
        %lt3A_913 = arith.cmpi slt, %rem3A_909, %lt3A_912 : i32
        %lt3A_914 = arith.constant 0 : i32
        %lt3A_915 = arith.cmpi slt, %select_n3A_908, %lt3A_914 : i32
        %ne3A_916 = arith.xori %lt3A_913, %lt3A_915 : i1
        %and3A_917 = arith.andi %ne3A_916, %ne3A_911 : i1
        %add3A_918 = arith.addi %rem3A_909, %select_n3A_908 : i32
        %select_n3A_919 = arith.select %and3A_917, %add3A_918, %rem3A_909 : i32
        %dma_start3A_920 = arith.constant 1 : i32
        %dma_start3A_921 = arith.constant 0 : i32
        %dma_start3A_922 = tpu.memref_slice %arg7[%select_n3A_919, %dma_start3A_920, %dma_start3A_921] : memref<2x16x128xi32, #tpu.memory_space<vmem>> -> memref<1x1x128xi32, #tpu.memory_space<vmem>>
        %dma_start3A_923 = tpu.memref_squeeze %dma_start3A_922 : memref<1x1x128xi32, #tpu.memory_space<vmem>> -> memref<128xi32, #tpu.memory_space<vmem>>
        %dma_start3A_924 = arith.constant 0 : i32
        %dma_start3A_925 = tpu.memref_slice %arg13[%dma_start3A_924] : memref<10240xf32, #tpu.memory_space<vmem_shared>> -> memref<10240xf32, #tpu.memory_space<vmem_shared>>
        tpu.enqueue_indirect_dma source(%arg10 : memref<128xf32, #tpu.memory_space<vmem>>) target(%dma_start3A_925 : memref<10240xf32, #tpu.memory_space<vmem_shared>>) offsets(%dma_start3A_923 : memref<128xi32, #tpu.memory_space<vmem>>) semaphore(%arg18 : memref<!tpu.dma_semaphore, #tpu.memory_space<semaphore_mem>>) {add = true}
        %jit3A_926 = arith.constant 2 : i32
        %eq3A_927 = arith.constant 0 : i32
        %eq3A_928 = arith.cmpi eq, %jit3A_926, %eq3A_927 : i32
        %jit3A_929 = arith.constant 1 : i32
        %select_n3A_930 = arith.select %eq3A_928, %jit3A_929, %jit3A_926 : i32
        %rem3A_931 = arith.remsi %select_n3A_881, %select_n3A_930 : i32
        %ne3A_932 = arith.constant 0 : i32
        %ne3A_933 = arith.cmpi ne, %rem3A_931, %ne3A_932 : i32
        %lt3A_934 = arith.constant 0 : i32
        %lt3A_935 = arith.cmpi slt, %rem3A_931, %lt3A_934 : i32
        %lt3A_936 = arith.constant 0 : i32
        %lt3A_937 = arith.cmpi slt, %select_n3A_930, %lt3A_936 : i32
        %ne3A_938 = arith.xori %lt3A_935, %lt3A_937 : i1
        %and3A_939 = arith.andi %ne3A_938, %ne3A_933 : i1
        %add3A_940 = arith.addi %rem3A_931, %select_n3A_930 : i32
        %select_n3A_941 = arith.select %and3A_939, %add3A_940, %rem3A_931 : i32
        %dma_start3A_942 = arith.constant 2 : i32
        %dma_start3A_943 = arith.constant 0 : i32
        %dma_start3A_944 = tpu.memref_slice %arg7[%select_n3A_941, %dma_start3A_942, %dma_start3A_943] : memref<2x16x128xi32, #tpu.memory_space<vmem>> -> memref<1x1x128xi32, #tpu.memory_space<vmem>>
        %dma_start3A_945 = tpu.memref_squeeze %dma_start3A_944 : memref<1x1x128xi32, #tpu.memory_space<vmem>> -> memref<128xi32, #tpu.memory_space<vmem>>
        %dma_start3A_946 = arith.constant 0 : i32
        %dma_start3A_947 = tpu.memref_slice %arg13[%dma_start3A_946] : memref<10240xf32, #tpu.memory_space<vmem_shared>> -> memref<10240xf32, #tpu.memory_space<vmem_shared>>
        tpu.enqueue_indirect_dma source(%arg10 : memref<128xf32, #tpu.memory_space<vmem>>) target(%dma_start3A_947 : memref<10240xf32, #tpu.memory_space<vmem_shared>>) offsets(%dma_start3A_945 : memref<128xi32, #tpu.memory_space<vmem>>) semaphore(%arg18 : memref<!tpu.dma_semaphore, #tpu.memory_space<semaphore_mem>>) {add = true}
        %jit3A_948 = arith.constant 2 : i32
        %eq3A_949 = arith.constant 0 : i32
        %eq3A_950 = arith.cmpi eq, %jit3A_948, %eq3A_949 : i32
        %jit3A_951 = arith.constant 1 : i32
        %select_n3A_952 = arith.select %eq3A_950, %jit3A_951, %jit3A_948 : i32
        %rem3A_953 = arith.remsi %select_n3A_881, %select_n3A_952 : i32
        %ne3A_954 = arith.constant 0 : i32
        %ne3A_955 = arith.cmpi ne, %rem3A_953, %ne3A_954 : i32
        %lt3A_956 = arith.constant 0 : i32
        %lt3A_957 = arith.cmpi slt, %rem3A_953, %lt3A_956 : i32
        %lt3A_958 = arith.constant 0 : i32
        %lt3A_959 = arith.cmpi slt, %select_n3A_952, %lt3A_958 : i32
        %ne3A_960 = arith.xori %lt3A_957, %lt3A_959 : i1
        %and3A_961 = arith.andi %ne3A_960, %ne3A_955 : i1
        %add3A_962 = arith.addi %rem3A_953, %select_n3A_952 : i32
        %select_n3A_963 = arith.select %and3A_961, %add3A_962, %rem3A_953 : i32
        %dma_start3A_964 = arith.constant 3 : i32
        %dma_start3A_965 = arith.constant 0 : i32
        %dma_start3A_966 = tpu.memref_slice %arg7[%select_n3A_963, %dma_start3A_964, %dma_start3A_965] : memref<2x16x128xi32, #tpu.memory_space<vmem>> -> memref<1x1x128xi32, #tpu.memory_space<vmem>>
        %dma_start3A_967 = tpu.memref_squeeze %dma_start3A_966 : memref<1x1x128xi32, #tpu.memory_space<vmem>> -> memref<128xi32, #tpu.memory_space<vmem>>
        %dma_start3A_968 = arith.constant 0 : i32
        %dma_start3A_969 = tpu.memref_slice %arg13[%dma_start3A_968] : memref<10240xf32, #tpu.memory_space<vmem_shared>> -> memref<10240xf32, #tpu.memory_space<vmem_shared>>
        tpu.enqueue_indirect_dma source(%arg10 : memref<128xf32, #tpu.memory_space<vmem>>) target(%dma_start3A_969 : memref<10240xf32, #tpu.memory_space<vmem_shared>>) offsets(%dma_start3A_967 : memref<128xi32, #tpu.memory_space<vmem>>) semaphore(%arg18 : memref<!tpu.dma_semaphore, #tpu.memory_space<semaphore_mem>>) {add = true}
        %jit3A_970 = arith.constant 2 : i32
        %eq3A_971 = arith.constant 0 : i32
        %eq3A_972 = arith.cmpi eq, %jit3A_970, %eq3A_971 : i32
        %jit3A_973 = arith.constant 1 : i32
        %select_n3A_974 = arith.select %eq3A_972, %jit3A_973, %jit3A_970 : i32
        %rem3A_975 = arith.remsi %select_n3A_881, %select_n3A_974 : i32
        %ne3A_976 = arith.constant 0 : i32
        %ne3A_977 = arith.cmpi ne, %rem3A_975, %ne3A_976 : i32
        %lt3A_978 = arith.constant 0 : i32
        %lt3A_979 = arith.cmpi slt, %rem3A_975, %lt3A_978 : i32
        %lt3A_980 = arith.constant 0 : i32
        %lt3A_981 = arith.cmpi slt, %select_n3A_974, %lt3A_980 : i32
        %ne3A_982 = arith.xori %lt3A_979, %lt3A_981 : i1
        %and3A_983 = arith.andi %ne3A_982, %ne3A_977 : i1
        %add3A_984 = arith.addi %rem3A_975, %select_n3A_974 : i32
        %select_n3A_985 = arith.select %and3A_983, %add3A_984, %rem3A_975 : i32
        %dma_start3A_986 = arith.constant 4 : i32
        %dma_start3A_987 = arith.constant 0 : i32
        %dma_start3A_988 = tpu.memref_slice %arg7[%select_n3A_985, %dma_start3A_986, %dma_start3A_987] : memref<2x16x128xi32, #tpu.memory_space<vmem>> -> memref<1x1x128xi32, #tpu.memory_space<vmem>>
        %dma_start3A_989 = tpu.memref_squeeze %dma_start3A_988 : memref<1x1x128xi32, #tpu.memory_space<vmem>> -> memref<128xi32, #tpu.memory_space<vmem>>
        %dma_start3A_990 = arith.constant 0 : i32
        %dma_start3A_991 = tpu.memref_slice %arg13[%dma_start3A_990] : memref<10240xf32, #tpu.memory_space<vmem_shared>> -> memref<10240xf32, #tpu.memory_space<vmem_shared>>
        tpu.enqueue_indirect_dma source(%arg10 : memref<128xf32, #tpu.memory_space<vmem>>) target(%dma_start3A_991 : memref<10240xf32, #tpu.memory_space<vmem_shared>>) offsets(%dma_start3A_989 : memref<128xi32, #tpu.memory_space<vmem>>) semaphore(%arg18 : memref<!tpu.dma_semaphore, #tpu.memory_space<semaphore_mem>>) {add = true}
        %jit3A_992 = arith.constant 2 : i32
        %eq3A_993 = arith.constant 0 : i32
        %eq3A_994 = arith.cmpi eq, %jit3A_992, %eq3A_993 : i32
        %jit3A_995 = arith.constant 1 : i32
        %select_n3A_996 = arith.select %eq3A_994, %jit3A_995, %jit3A_992 : i32
        %rem3A_997 = arith.remsi %select_n3A_881, %select_n3A_996 : i32
        %ne3A_998 = arith.constant 0 : i32
        %ne3A_999 = arith.cmpi ne, %rem3A_997, %ne3A_998 : i32
        %lt3A_1000 = arith.constant 0 : i32
        %lt3A_1001 = arith.cmpi slt, %rem3A_997, %lt3A_1000 : i32
        %lt3A_1002 = arith.constant 0 : i32
        %lt3A_1003 = arith.cmpi slt, %select_n3A_996, %lt3A_1002 : i32
        %ne3A_1004 = arith.xori %lt3A_1001, %lt3A_1003 : i1
        %and3A_1005 = arith.andi %ne3A_1004, %ne3A_999 : i1
        %add3A_1006 = arith.addi %rem3A_997, %select_n3A_996 : i32
        %select_n3A_1007 = arith.select %and3A_1005, %add3A_1006, %rem3A_997 : i32
        %dma_start3A_1008 = arith.constant 5 : i32
        %dma_start3A_1009 = arith.constant 0 : i32
        %dma_start3A_1010 = tpu.memref_slice %arg7[%select_n3A_1007, %dma_start3A_1008, %dma_start3A_1009] : memref<2x16x128xi32, #tpu.memory_space<vmem>> -> memref<1x1x128xi32, #tpu.memory_space<vmem>>
        %dma_start3A_1011 = tpu.memref_squeeze %dma_start3A_1010 : memref<1x1x128xi32, #tpu.memory_space<vmem>> -> memref<128xi32, #tpu.memory_space<vmem>>
        %dma_start3A_1012 = arith.constant 0 : i32
        %dma_start3A_1013 = tpu.memref_slice %arg13[%dma_start3A_1012] : memref<10240xf32, #tpu.memory_space<vmem_shared>> -> memref<10240xf32, #tpu.memory_space<vmem_shared>>
        tpu.enqueue_indirect_dma source(%arg10 : memref<128xf32, #tpu.memory_space<vmem>>) target(%dma_start3A_1013 : memref<10240xf32, #tpu.memory_space<vmem_shared>>) offsets(%dma_start3A_1011 : memref<128xi32, #tpu.memory_space<vmem>>) semaphore(%arg18 : memref<!tpu.dma_semaphore, #tpu.memory_space<semaphore_mem>>) {add = true}
        %jit3A_1014 = arith.constant 2 : i32
        %eq3A_1015 = arith.constant 0 : i32
        %eq3A_1016 = arith.cmpi eq, %jit3A_1014, %eq3A_1015 : i32
        %jit3A_1017 = arith.constant 1 : i32
        %select_n3A_1018 = arith.select %eq3A_1016, %jit3A_1017, %jit3A_1014 : i32
        %rem3A_1019 = arith.remsi %select_n3A_881, %select_n3A_1018 : i32
        %ne3A_1020 = arith.constant 0 : i32
        %ne3A_1021 = arith.cmpi ne, %rem3A_1019, %ne3A_1020 : i32
        %lt3A_1022 = arith.constant 0 : i32
        %lt3A_1023 = arith.cmpi slt, %rem3A_1019, %lt3A_1022 : i32
        %lt3A_1024 = arith.constant 0 : i32
        %lt3A_1025 = arith.cmpi slt, %select_n3A_1018, %lt3A_1024 : i32
        %ne3A_1026 = arith.xori %lt3A_1023, %lt3A_1025 : i1
        %and3A_1027 = arith.andi %ne3A_1026, %ne3A_1021 : i1
        %add3A_1028 = arith.addi %rem3A_1019, %select_n3A_1018 : i32
        %select_n3A_1029 = arith.select %and3A_1027, %add3A_1028, %rem3A_1019 : i32
        %dma_start3A_1030 = arith.constant 6 : i32
        %dma_start3A_1031 = arith.constant 0 : i32
        %dma_start3A_1032 = tpu.memref_slice %arg7[%select_n3A_1029, %dma_start3A_1030, %dma_start3A_1031] : memref<2x16x128xi32, #tpu.memory_space<vmem>> -> memref<1x1x128xi32, #tpu.memory_space<vmem>>
        %dma_start3A_1033 = tpu.memref_squeeze %dma_start3A_1032 : memref<1x1x128xi32, #tpu.memory_space<vmem>> -> memref<128xi32, #tpu.memory_space<vmem>>
        %dma_start3A_1034 = arith.constant 0 : i32
        %dma_start3A_1035 = tpu.memref_slice %arg13[%dma_start3A_1034] : memref<10240xf32, #tpu.memory_space<vmem_shared>> -> memref<10240xf32, #tpu.memory_space<vmem_shared>>
        tpu.enqueue_indirect_dma source(%arg10 : memref<128xf32, #tpu.memory_space<vmem>>) target(%dma_start3A_1035 : memref<10240xf32, #tpu.memory_space<vmem_shared>>) offsets(%dma_start3A_1033 : memref<128xi32, #tpu.memory_space<vmem>>) semaphore(%arg18 : memref<!tpu.dma_semaphore, #tpu.memory_space<semaphore_mem>>) {add = true}
        %jit3A_1036 = arith.constant 2 : i32
        %eq3A_1037 = arith.constant 0 : i32
        %eq3A_1038 = arith.cmpi eq, %jit3A_1036, %eq3A_1037 : i32
        %jit3A_1039 = arith.constant 1 : i32
        %select_n3A_1040 = arith.select %eq3A_1038, %jit3A_1039, %jit3A_1036 : i32
        %rem3A_1041 = arith.remsi %select_n3A_881, %select_n3A_1040 : i32
        %ne3A_1042 = arith.constant 0 : i32
        %ne3A_1043 = arith.cmpi ne, %rem3A_1041, %ne3A_1042 : i32
        %lt3A_1044 = arith.constant 0 : i32
        %lt3A_1045 = arith.cmpi slt, %rem3A_1041, %lt3A_1044 : i32
        %lt3A_1046 = arith.constant 0 : i32
        %lt3A_1047 = arith.cmpi slt, %select_n3A_1040, %lt3A_1046 : i32
        %ne3A_1048 = arith.xori %lt3A_1045, %lt3A_1047 : i1
        %and3A_1049 = arith.andi %ne3A_1048, %ne3A_1043 : i1
        %add3A_1050 = arith.addi %rem3A_1041, %select_n3A_1040 : i32
        %select_n3A_1051 = arith.select %and3A_1049, %add3A_1050, %rem3A_1041 : i32
        %dma_start3A_1052 = arith.constant 7 : i32
        %dma_start3A_1053 = arith.constant 0 : i32
        %dma_start3A_1054 = tpu.memref_slice %arg7[%select_n3A_1051, %dma_start3A_1052, %dma_start3A_1053] : memref<2x16x128xi32, #tpu.memory_space<vmem>> -> memref<1x1x128xi32, #tpu.memory_space<vmem>>
        %dma_start3A_1055 = tpu.memref_squeeze %dma_start3A_1054 : memref<1x1x128xi32, #tpu.memory_space<vmem>> -> memref<128xi32, #tpu.memory_space<vmem>>
        %dma_start3A_1056 = arith.constant 0 : i32
        %dma_start3A_1057 = tpu.memref_slice %arg13[%dma_start3A_1056] : memref<10240xf32, #tpu.memory_space<vmem_shared>> -> memref<10240xf32, #tpu.memory_space<vmem_shared>>
        tpu.enqueue_indirect_dma source(%arg10 : memref<128xf32, #tpu.memory_space<vmem>>) target(%dma_start3A_1057 : memref<10240xf32, #tpu.memory_space<vmem_shared>>) offsets(%dma_start3A_1055 : memref<128xi32, #tpu.memory_space<vmem>>) semaphore(%arg18 : memref<!tpu.dma_semaphore, #tpu.memory_space<semaphore_mem>>) {add = true}
        %jit3A_1058 = arith.constant 2 : i32
        %eq3A_1059 = arith.constant 0 : i32
        %eq3A_1060 = arith.cmpi eq, %jit3A_1058, %eq3A_1059 : i32
        %jit3A_1061 = arith.constant 1 : i32
        %select_n3A_1062 = arith.select %eq3A_1060, %jit3A_1061, %jit3A_1058 : i32
        %rem3A_1063 = arith.remsi %select_n3A_881, %select_n3A_1062 : i32
        %ne3A_1064 = arith.constant 0 : i32
        %ne3A_1065 = arith.cmpi ne, %rem3A_1063, %ne3A_1064 : i32
        %lt3A_1066 = arith.constant 0 : i32
        %lt3A_1067 = arith.cmpi slt, %rem3A_1063, %lt3A_1066 : i32
        %lt3A_1068 = arith.constant 0 : i32
        %lt3A_1069 = arith.cmpi slt, %select_n3A_1062, %lt3A_1068 : i32
        %ne3A_1070 = arith.xori %lt3A_1067, %lt3A_1069 : i1
        %and3A_1071 = arith.andi %ne3A_1070, %ne3A_1065 : i1
        %add3A_1072 = arith.addi %rem3A_1063, %select_n3A_1062 : i32
        %select_n3A_1073 = arith.select %and3A_1071, %add3A_1072, %rem3A_1063 : i32
        %dma_start3A_1074 = arith.constant 8 : i32
        %dma_start3A_1075 = arith.constant 0 : i32
        %dma_start3A_1076 = tpu.memref_slice %arg7[%select_n3A_1073, %dma_start3A_1074, %dma_start3A_1075] : memref<2x16x128xi32, #tpu.memory_space<vmem>> -> memref<1x1x128xi32, #tpu.memory_space<vmem>>
        %dma_start3A_1077 = tpu.memref_squeeze %dma_start3A_1076 : memref<1x1x128xi32, #tpu.memory_space<vmem>> -> memref<128xi32, #tpu.memory_space<vmem>>
        %dma_start3A_1078 = arith.constant 0 : i32
        %dma_start3A_1079 = tpu.memref_slice %arg13[%dma_start3A_1078] : memref<10240xf32, #tpu.memory_space<vmem_shared>> -> memref<10240xf32, #tpu.memory_space<vmem_shared>>
        tpu.enqueue_indirect_dma source(%arg10 : memref<128xf32, #tpu.memory_space<vmem>>) target(%dma_start3A_1079 : memref<10240xf32, #tpu.memory_space<vmem_shared>>) offsets(%dma_start3A_1077 : memref<128xi32, #tpu.memory_space<vmem>>) semaphore(%arg18 : memref<!tpu.dma_semaphore, #tpu.memory_space<semaphore_mem>>) {add = true}
        %jit3A_1080 = arith.constant 2 : i32
        %eq3A_1081 = arith.constant 0 : i32
        %eq3A_1082 = arith.cmpi eq, %jit3A_1080, %eq3A_1081 : i32
        %jit3A_1083 = arith.constant 1 : i32
        %select_n3A_1084 = arith.select %eq3A_1082, %jit3A_1083, %jit3A_1080 : i32
        %rem3A_1085 = arith.remsi %select_n3A_881, %select_n3A_1084 : i32
        %ne3A_1086 = arith.constant 0 : i32
        %ne3A_1087 = arith.cmpi ne, %rem3A_1085, %ne3A_1086 : i32
        %lt3A_1088 = arith.constant 0 : i32
        %lt3A_1089 = arith.cmpi slt, %rem3A_1085, %lt3A_1088 : i32
        %lt3A_1090 = arith.constant 0 : i32
        %lt3A_1091 = arith.cmpi slt, %select_n3A_1084, %lt3A_1090 : i32
        %ne3A_1092 = arith.xori %lt3A_1089, %lt3A_1091 : i1
        %and3A_1093 = arith.andi %ne3A_1092, %ne3A_1087 : i1
        %add3A_1094 = arith.addi %rem3A_1085, %select_n3A_1084 : i32
        %select_n3A_1095 = arith.select %and3A_1093, %add3A_1094, %rem3A_1085 : i32
        %dma_start3A_1096 = arith.constant 9 : i32
        %dma_start3A_1097 = arith.constant 0 : i32
        %dma_start3A_1098 = tpu.memref_slice %arg7[%select_n3A_1095, %dma_start3A_1096, %dma_start3A_1097] : memref<2x16x128xi32, #tpu.memory_space<vmem>> -> memref<1x1x128xi32, #tpu.memory_space<vmem>>
        %dma_start3A_1099 = tpu.memref_squeeze %dma_start3A_1098 : memref<1x1x128xi32, #tpu.memory_space<vmem>> -> memref<128xi32, #tpu.memory_space<vmem>>
        %dma_start3A_1100 = arith.constant 0 : i32
        %dma_start3A_1101 = tpu.memref_slice %arg13[%dma_start3A_1100] : memref<10240xf32, #tpu.memory_space<vmem_shared>> -> memref<10240xf32, #tpu.memory_space<vmem_shared>>
        tpu.enqueue_indirect_dma source(%arg10 : memref<128xf32, #tpu.memory_space<vmem>>) target(%dma_start3A_1101 : memref<10240xf32, #tpu.memory_space<vmem_shared>>) offsets(%dma_start3A_1099 : memref<128xi32, #tpu.memory_space<vmem>>) semaphore(%arg18 : memref<!tpu.dma_semaphore, #tpu.memory_space<semaphore_mem>>) {add = true}
        %jit3A_1102 = arith.constant 2 : i32
        %eq3A_1103 = arith.constant 0 : i32
        %eq3A_1104 = arith.cmpi eq, %jit3A_1102, %eq3A_1103 : i32
        %jit3A_1105 = arith.constant 1 : i32
        %select_n3A_1106 = arith.select %eq3A_1104, %jit3A_1105, %jit3A_1102 : i32
        %rem3A_1107 = arith.remsi %select_n3A_881, %select_n3A_1106 : i32
        %ne3A_1108 = arith.constant 0 : i32
        %ne3A_1109 = arith.cmpi ne, %rem3A_1107, %ne3A_1108 : i32
        %lt3A_1110 = arith.constant 0 : i32
        %lt3A_1111 = arith.cmpi slt, %rem3A_1107, %lt3A_1110 : i32
        %lt3A_1112 = arith.constant 0 : i32
        %lt3A_1113 = arith.cmpi slt, %select_n3A_1106, %lt3A_1112 : i32
        %ne3A_1114 = arith.xori %lt3A_1111, %lt3A_1113 : i1
        %and3A_1115 = arith.andi %ne3A_1114, %ne3A_1109 : i1
        %add3A_1116 = arith.addi %rem3A_1107, %select_n3A_1106 : i32
        %select_n3A_1117 = arith.select %and3A_1115, %add3A_1116, %rem3A_1107 : i32
        %dma_start3A_1118 = arith.constant 10 : i32
        %dma_start3A_1119 = arith.constant 0 : i32
        %dma_start3A_1120 = tpu.memref_slice %arg7[%select_n3A_1117, %dma_start3A_1118, %dma_start3A_1119] : memref<2x16x128xi32, #tpu.memory_space<vmem>> -> memref<1x1x128xi32, #tpu.memory_space<vmem>>
        %dma_start3A_1121 = tpu.memref_squeeze %dma_start3A_1120 : memref<1x1x128xi32, #tpu.memory_space<vmem>> -> memref<128xi32, #tpu.memory_space<vmem>>
        %dma_start3A_1122 = arith.constant 0 : i32
        %dma_start3A_1123 = tpu.memref_slice %arg13[%dma_start3A_1122] : memref<10240xf32, #tpu.memory_space<vmem_shared>> -> memref<10240xf32, #tpu.memory_space<vmem_shared>>
        tpu.enqueue_indirect_dma source(%arg10 : memref<128xf32, #tpu.memory_space<vmem>>) target(%dma_start3A_1123 : memref<10240xf32, #tpu.memory_space<vmem_shared>>) offsets(%dma_start3A_1121 : memref<128xi32, #tpu.memory_space<vmem>>) semaphore(%arg18 : memref<!tpu.dma_semaphore, #tpu.memory_space<semaphore_mem>>) {add = true}
        %jit3A_1124 = arith.constant 2 : i32
        %eq3A_1125 = arith.constant 0 : i32
        %eq3A_1126 = arith.cmpi eq, %jit3A_1124, %eq3A_1125 : i32
        %jit3A_1127 = arith.constant 1 : i32
        %select_n3A_1128 = arith.select %eq3A_1126, %jit3A_1127, %jit3A_1124 : i32
        %rem3A_1129 = arith.remsi %select_n3A_881, %select_n3A_1128 : i32
        %ne3A_1130 = arith.constant 0 : i32
        %ne3A_1131 = arith.cmpi ne, %rem3A_1129, %ne3A_1130 : i32
        %lt3A_1132 = arith.constant 0 : i32
        %lt3A_1133 = arith.cmpi slt, %rem3A_1129, %lt3A_1132 : i32
        %lt3A_1134 = arith.constant 0 : i32
        %lt3A_1135 = arith.cmpi slt, %select_n3A_1128, %lt3A_1134 : i32
        %ne3A_1136 = arith.xori %lt3A_1133, %lt3A_1135 : i1
        %and3A_1137 = arith.andi %ne3A_1136, %ne3A_1131 : i1
        %add3A_1138 = arith.addi %rem3A_1129, %select_n3A_1128 : i32
        %select_n3A_1139 = arith.select %and3A_1137, %add3A_1138, %rem3A_1129 : i32
        %dma_start3A_1140 = arith.constant 11 : i32
        %dma_start3A_1141 = arith.constant 0 : i32
        %dma_start3A_1142 = tpu.memref_slice %arg7[%select_n3A_1139, %dma_start3A_1140, %dma_start3A_1141] : memref<2x16x128xi32, #tpu.memory_space<vmem>> -> memref<1x1x128xi32, #tpu.memory_space<vmem>>
        %dma_start3A_1143 = tpu.memref_squeeze %dma_start3A_1142 : memref<1x1x128xi32, #tpu.memory_space<vmem>> -> memref<128xi32, #tpu.memory_space<vmem>>
        %dma_start3A_1144 = arith.constant 0 : i32
        %dma_start3A_1145 = tpu.memref_slice %arg13[%dma_start3A_1144] : memref<10240xf32, #tpu.memory_space<vmem_shared>> -> memref<10240xf32, #tpu.memory_space<vmem_shared>>
        tpu.enqueue_indirect_dma source(%arg10 : memref<128xf32, #tpu.memory_space<vmem>>) target(%dma_start3A_1145 : memref<10240xf32, #tpu.memory_space<vmem_shared>>) offsets(%dma_start3A_1143 : memref<128xi32, #tpu.memory_space<vmem>>) semaphore(%arg18 : memref<!tpu.dma_semaphore, #tpu.memory_space<semaphore_mem>>) {add = true}
        %jit3A_1146 = arith.constant 2 : i32
        %eq3A_1147 = arith.constant 0 : i32
        %eq3A_1148 = arith.cmpi eq, %jit3A_1146, %eq3A_1147 : i32
        %jit3A_1149 = arith.constant 1 : i32
        %select_n3A_1150 = arith.select %eq3A_1148, %jit3A_1149, %jit3A_1146 : i32
        %rem3A_1151 = arith.remsi %select_n3A_881, %select_n3A_1150 : i32
        %ne3A_1152 = arith.constant 0 : i32
        %ne3A_1153 = arith.cmpi ne, %rem3A_1151, %ne3A_1152 : i32
        %lt3A_1154 = arith.constant 0 : i32
        %lt3A_1155 = arith.cmpi slt, %rem3A_1151, %lt3A_1154 : i32
        %lt3A_1156 = arith.constant 0 : i32
        %lt3A_1157 = arith.cmpi slt, %select_n3A_1150, %lt3A_1156 : i32
        %ne3A_1158 = arith.xori %lt3A_1155, %lt3A_1157 : i1
        %and3A_1159 = arith.andi %ne3A_1158, %ne3A_1153 : i1
        %add3A_1160 = arith.addi %rem3A_1151, %select_n3A_1150 : i32
        %select_n3A_1161 = arith.select %and3A_1159, %add3A_1160, %rem3A_1151 : i32
        %dma_start3A_1162 = arith.constant 12 : i32
        %dma_start3A_1163 = arith.constant 0 : i32
        %dma_start3A_1164 = tpu.memref_slice %arg7[%select_n3A_1161, %dma_start3A_1162, %dma_start3A_1163] : memref<2x16x128xi32, #tpu.memory_space<vmem>> -> memref<1x1x128xi32, #tpu.memory_space<vmem>>
        %dma_start3A_1165 = tpu.memref_squeeze %dma_start3A_1164 : memref<1x1x128xi32, #tpu.memory_space<vmem>> -> memref<128xi32, #tpu.memory_space<vmem>>
        %dma_start3A_1166 = arith.constant 0 : i32
        %dma_start3A_1167 = tpu.memref_slice %arg13[%dma_start3A_1166] : memref<10240xf32, #tpu.memory_space<vmem_shared>> -> memref<10240xf32, #tpu.memory_space<vmem_shared>>
        tpu.enqueue_indirect_dma source(%arg10 : memref<128xf32, #tpu.memory_space<vmem>>) target(%dma_start3A_1167 : memref<10240xf32, #tpu.memory_space<vmem_shared>>) offsets(%dma_start3A_1165 : memref<128xi32, #tpu.memory_space<vmem>>) semaphore(%arg18 : memref<!tpu.dma_semaphore, #tpu.memory_space<semaphore_mem>>) {add = true}
        %jit3A_1168 = arith.constant 2 : i32
        %eq3A_1169 = arith.constant 0 : i32
        %eq3A_1170 = arith.cmpi eq, %jit3A_1168, %eq3A_1169 : i32
        %jit3A_1171 = arith.constant 1 : i32
        %select_n3A_1172 = arith.select %eq3A_1170, %jit3A_1171, %jit3A_1168 : i32
        %rem3A_1173 = arith.remsi %select_n3A_881, %select_n3A_1172 : i32
        %ne3A_1174 = arith.constant 0 : i32
        %ne3A_1175 = arith.cmpi ne, %rem3A_1173, %ne3A_1174 : i32
        %lt3A_1176 = arith.constant 0 : i32
        %lt3A_1177 = arith.cmpi slt, %rem3A_1173, %lt3A_1176 : i32
        %lt3A_1178 = arith.constant 0 : i32
        %lt3A_1179 = arith.cmpi slt, %select_n3A_1172, %lt3A_1178 : i32
        %ne3A_1180 = arith.xori %lt3A_1177, %lt3A_1179 : i1
        %and3A_1181 = arith.andi %ne3A_1180, %ne3A_1175 : i1
        %add3A_1182 = arith.addi %rem3A_1173, %select_n3A_1172 : i32
        %select_n3A_1183 = arith.select %and3A_1181, %add3A_1182, %rem3A_1173 : i32
        %dma_start3A_1184 = arith.constant 13 : i32
        %dma_start3A_1185 = arith.constant 0 : i32
        %dma_start3A_1186 = tpu.memref_slice %arg7[%select_n3A_1183, %dma_start3A_1184, %dma_start3A_1185] : memref<2x16x128xi32, #tpu.memory_space<vmem>> -> memref<1x1x128xi32, #tpu.memory_space<vmem>>
        %dma_start3A_1187 = tpu.memref_squeeze %dma_start3A_1186 : memref<1x1x128xi32, #tpu.memory_space<vmem>> -> memref<128xi32, #tpu.memory_space<vmem>>
        %dma_start3A_1188 = arith.constant 0 : i32
        %dma_start3A_1189 = tpu.memref_slice %arg13[%dma_start3A_1188] : memref<10240xf32, #tpu.memory_space<vmem_shared>> -> memref<10240xf32, #tpu.memory_space<vmem_shared>>
        tpu.enqueue_indirect_dma source(%arg10 : memref<128xf32, #tpu.memory_space<vmem>>) target(%dma_start3A_1189 : memref<10240xf32, #tpu.memory_space<vmem_shared>>) offsets(%dma_start3A_1187 : memref<128xi32, #tpu.memory_space<vmem>>) semaphore(%arg18 : memref<!tpu.dma_semaphore, #tpu.memory_space<semaphore_mem>>) {add = true}
        %jit3A_1190 = arith.constant 2 : i32
        %eq3A_1191 = arith.constant 0 : i32
        %eq3A_1192 = arith.cmpi eq, %jit3A_1190, %eq3A_1191 : i32
        %jit3A_1193 = arith.constant 1 : i32
        %select_n3A_1194 = arith.select %eq3A_1192, %jit3A_1193, %jit3A_1190 : i32
        %rem3A_1195 = arith.remsi %select_n3A_881, %select_n3A_1194 : i32
        %ne3A_1196 = arith.constant 0 : i32
        %ne3A_1197 = arith.cmpi ne, %rem3A_1195, %ne3A_1196 : i32
        %lt3A_1198 = arith.constant 0 : i32
        %lt3A_1199 = arith.cmpi slt, %rem3A_1195, %lt3A_1198 : i32
        %lt3A_1200 = arith.constant 0 : i32
        %lt3A_1201 = arith.cmpi slt, %select_n3A_1194, %lt3A_1200 : i32
        %ne3A_1202 = arith.xori %lt3A_1199, %lt3A_1201 : i1
        %and3A_1203 = arith.andi %ne3A_1202, %ne3A_1197 : i1
        %add3A_1204 = arith.addi %rem3A_1195, %select_n3A_1194 : i32
        %select_n3A_1205 = arith.select %and3A_1203, %add3A_1204, %rem3A_1195 : i32
        %dma_start3A_1206 = arith.constant 14 : i32
        %dma_start3A_1207 = arith.constant 0 : i32
        %dma_start3A_1208 = tpu.memref_slice %arg7[%select_n3A_1205, %dma_start3A_1206, %dma_start3A_1207] : memref<2x16x128xi32, #tpu.memory_space<vmem>> -> memref<1x1x128xi32, #tpu.memory_space<vmem>>
        %dma_start3A_1209 = tpu.memref_squeeze %dma_start3A_1208 : memref<1x1x128xi32, #tpu.memory_space<vmem>> -> memref<128xi32, #tpu.memory_space<vmem>>
        %dma_start3A_1210 = arith.constant 0 : i32
        %dma_start3A_1211 = tpu.memref_slice %arg13[%dma_start3A_1210] : memref<10240xf32, #tpu.memory_space<vmem_shared>> -> memref<10240xf32, #tpu.memory_space<vmem_shared>>
        tpu.enqueue_indirect_dma source(%arg10 : memref<128xf32, #tpu.memory_space<vmem>>) target(%dma_start3A_1211 : memref<10240xf32, #tpu.memory_space<vmem_shared>>) offsets(%dma_start3A_1209 : memref<128xi32, #tpu.memory_space<vmem>>) semaphore(%arg18 : memref<!tpu.dma_semaphore, #tpu.memory_space<semaphore_mem>>) {add = true}
        %jit3A_1212 = arith.constant 2 : i32
        %eq3A_1213 = arith.constant 0 : i32
        %eq3A_1214 = arith.cmpi eq, %jit3A_1212, %eq3A_1213 : i32
        %jit3A_1215 = arith.constant 1 : i32
        %select_n3A_1216 = arith.select %eq3A_1214, %jit3A_1215, %jit3A_1212 : i32
        %rem3A_1217 = arith.remsi %select_n3A_881, %select_n3A_1216 : i32
        %ne3A_1218 = arith.constant 0 : i32
        %ne3A_1219 = arith.cmpi ne, %rem3A_1217, %ne3A_1218 : i32
        %lt3A_1220 = arith.constant 0 : i32
        %lt3A_1221 = arith.cmpi slt, %rem3A_1217, %lt3A_1220 : i32
        %lt3A_1222 = arith.constant 0 : i32
        %lt3A_1223 = arith.cmpi slt, %select_n3A_1216, %lt3A_1222 : i32
        %ne3A_1224 = arith.xori %lt3A_1221, %lt3A_1223 : i1
        %and3A_1225 = arith.andi %ne3A_1224, %ne3A_1219 : i1
        %add3A_1226 = arith.addi %rem3A_1217, %select_n3A_1216 : i32
        %select_n3A_1227 = arith.select %and3A_1225, %add3A_1226, %rem3A_1217 : i32
        %dma_start3A_1228 = arith.constant 15 : i32
        %dma_start3A_1229 = arith.constant 0 : i32
        %dma_start3A_1230 = tpu.memref_slice %arg7[%select_n3A_1227, %dma_start3A_1228, %dma_start3A_1229] : memref<2x16x128xi32, #tpu.memory_space<vmem>> -> memref<1x1x128xi32, #tpu.memory_space<vmem>>
        %dma_start3A_1231 = tpu.memref_squeeze %dma_start3A_1230 : memref<1x1x128xi32, #tpu.memory_space<vmem>> -> memref<128xi32, #tpu.memory_space<vmem>>
        %dma_start3A_1232 = arith.constant 0 : i32
        %dma_start3A_1233 = tpu.memref_slice %arg13[%dma_start3A_1232] : memref<10240xf32, #tpu.memory_space<vmem_shared>> -> memref<10240xf32, #tpu.memory_space<vmem_shared>>
        tpu.enqueue_indirect_dma source(%arg10 : memref<128xf32, #tpu.memory_space<vmem>>) target(%dma_start3A_1233 : memref<10240xf32, #tpu.memory_space<vmem_shared>>) offsets(%dma_start3A_1231 : memref<128xi32, #tpu.memory_space<vmem>>) semaphore(%arg18 : memref<!tpu.dma_semaphore, #tpu.memory_space<semaphore_mem>>) {add = true}
      } else {
      }
      %add3A_497 = arith.constant 1 : i32
      %add3A_498 = arith.addi %mul3A_409, %add3A_497 : i32
      %jit3A_499 = arith.constant 16 : i32
      %div3A_500 = arith.divsi %add3A_498, %jit3A_499 : i32
      %sign3A_501 = arith.constant 0 : i32
      %sign3A_502 = arith.cmpi sgt, %add3A_498, %sign3A_501 : i32
      %sign3A_503 = arith.extui %sign3A_502 : i1 to i32
      %sign3A_504 = arith.constant 0 : i32
      %sign3A_505 = arith.cmpi slt, %add3A_498, %sign3A_504 : i32
      %sign3A_506 = arith.extui %sign3A_505 : i1 to i32
      %sign3A_507 = arith.subi %sign3A_503, %sign3A_506 : i32
      %sign3A_508 = arith.constant 0 : i32
      %sign3A_509 = arith.cmpi sgt, %jit3A_499, %sign3A_508 : i32
      %sign3A_510 = arith.extui %sign3A_509 : i1 to i32
      %sign3A_511 = arith.constant 0 : i32
      %sign3A_512 = arith.cmpi slt, %jit3A_499, %sign3A_511 : i32
      %sign3A_513 = arith.extui %sign3A_512 : i1 to i32
      %sign3A_514 = arith.subi %sign3A_510, %sign3A_513 : i32
      %ne3A_515 = arith.cmpi ne, %sign3A_507, %sign3A_514 : i32
      %rem3A_516 = arith.remsi %add3A_498, %jit3A_499 : i32
      %ne3A_517 = arith.constant 0 : i32
      %ne3A_518 = arith.cmpi ne, %rem3A_516, %ne3A_517 : i32
      %and3A_519 = arith.andi %ne3A_515, %ne3A_518 : i1
      %sub3A_520 = arith.constant 1 : i32
      %sub3A_521 = arith.subi %div3A_500, %sub3A_520 : i32
      %select_n3A_522 = arith.select %and3A_519, %sub3A_521, %div3A_500 : i32
      %jit3A_523 = arith.constant 2 : i32
      %eq3A_524 = arith.constant 0 : i32
      %eq3A_525 = arith.cmpi eq, %jit3A_523, %eq3A_524 : i32
      %jit3A_526 = arith.constant 1 : i32
      %select_n3A_527 = arith.select %eq3A_525, %jit3A_526, %jit3A_523 : i32
      %rem3A_528 = arith.remsi %select_n3A_522, %select_n3A_527 : i32
      %ne3A_529 = arith.constant 0 : i32
      %ne3A_530 = arith.cmpi ne, %rem3A_528, %ne3A_529 : i32
      %lt3A_531 = arith.constant 0 : i32
      %lt3A_532 = arith.cmpi slt, %rem3A_528, %lt3A_531 : i32
      %lt3A_533 = arith.constant 0 : i32
      %lt3A_534 = arith.cmpi slt, %select_n3A_527, %lt3A_533 : i32
      %ne3A_535 = arith.xori %lt3A_532, %lt3A_534 : i1
      %and3A_536 = arith.andi %ne3A_535, %ne3A_530 : i1
      %add3A_537 = arith.addi %rem3A_528, %select_n3A_527 : i32
      %select_n3A_538 = arith.select %and3A_536, %add3A_537, %rem3A_528 : i32
      %jit3A_539 = arith.constant 16 : i32
      %eq3A_540 = arith.constant 0 : i32
      %eq3A_541 = arith.cmpi eq, %jit3A_539, %eq3A_540 : i32
      %jit3A_542 = arith.constant 1 : i32
      %select_n3A_543 = arith.select %eq3A_541, %jit3A_542, %jit3A_539 : i32
      %rem3A_544 = arith.remsi %add3A_498, %select_n3A_543 : i32
      %ne3A_545 = arith.constant 0 : i32
      %ne3A_546 = arith.cmpi ne, %rem3A_544, %ne3A_545 : i32
      %lt3A_547 = arith.constant 0 : i32
      %lt3A_548 = arith.cmpi slt, %rem3A_544, %lt3A_547 : i32
      %lt3A_549 = arith.constant 0 : i32
      %lt3A_550 = arith.cmpi slt, %select_n3A_543, %lt3A_549 : i32
      %ne3A_551 = arith.xori %lt3A_548, %lt3A_550 : i1
      %and3A_552 = arith.andi %ne3A_551, %ne3A_546 : i1
      %add3A_553 = arith.addi %rem3A_544, %select_n3A_543 : i32
      %select_n3A_554 = arith.select %and3A_552, %add3A_553, %rem3A_544 : i32
      %dma_start3A_555 = arith.constant 0 : i32
      %dma_start3A_556 = tpu.memref_slice %arg6[%select_n3A_538, %select_n3A_554, %dma_start3A_555] : memref<2x16x128xi32, #tpu.memory_space<vmem>> -> memref<1x1x128xi32, #tpu.memory_space<vmem>>
      %dma_start3A_557 = tpu.memref_squeeze %dma_start3A_556 : memref<1x1x128xi32, #tpu.memory_space<vmem>> -> memref<128xi32, #tpu.memory_space<vmem>>
      %dma_start3A_558 = arith.constant 0 : i32
      %dma_start3A_559 = arith.constant 0 : i32
      %dma_start3A_560 = tpu.memref_slice %arg2[%dma_start3A_558, %dma_start3A_559] : memref<10000x128xf32, #tpu.memory_space<hbm>> -> memref<10000x128xf32, #tpu.memory_space<hbm>>
      tpu.enqueue_indirect_dma source(%dma_start3A_560 : memref<10000x128xf32, #tpu.memory_space<hbm>>) target(%arg9 : memref<128x128xf32, #tpu.memory_space<vmem>>) offsets(%dma_start3A_557 : memref<128xi32, #tpu.memory_space<vmem>>) semaphore(%arg15 : memref<!tpu.dma_semaphore, #tpu.memory_space<semaphore_mem>>)
      %mul3A_561 = arith.constant 2 : i32
      %mul3A_562 = arith.muli %mul3A_561, %add3A_407 : i32
      %add3A_563 = arith.constant 1 : i32
      %add3A_564 = arith.addi %mul3A_562, %add3A_563 : i32
      %dma_wait3A_565 = arith.constant 0 : i32
      %dma_wait3A_566 = arith.constant 0 : i32
      %dma_wait3A_567 = arith.constant 0 : i32
      %dma_wait3A_568 = tpu.memref_slice %arg6[%dma_wait3A_565, %dma_wait3A_566, %dma_wait3A_567] : memref<2x16x128xi32, #tpu.memory_space<vmem>> -> memref<1x1x128xi32, #tpu.memory_space<vmem>>
      %dma_wait3A_569 = tpu.memref_squeeze %dma_wait3A_568 : memref<1x1x128xi32, #tpu.memory_space<vmem>> -> memref<128xi32, #tpu.memory_space<vmem>>
      %dma_wait3A_570 = arith.constant 0 : i32
      %dma_wait3A_571 = arith.constant 0 : i32
      %dma_wait3A_572 = tpu.memref_slice %arg2[%dma_wait3A_570, %dma_wait3A_571] : memref<10000x128xf32, #tpu.memory_space<hbm>> -> memref<10000x128xf32, #tpu.memory_space<hbm>>
      tpu.wait_indirect_dma semaphore(%arg15 : memref<!tpu.dma_semaphore, #tpu.memory_space<semaphore_mem>>) src(%dma_wait3A_572 : memref<10000x128xf32, #tpu.memory_space<hbm>>) dst(%arg9 : memref<128x128xf32, #tpu.memory_space<vmem>>)
      %jit3A_573 = arith.constant 16 : i32
      %div3A_574 = arith.divsi %add3A_564, %jit3A_573 : i32
      %sign3A_575 = arith.constant 0 : i32
      %sign3A_576 = arith.cmpi sgt, %add3A_564, %sign3A_575 : i32
      %sign3A_577 = arith.extui %sign3A_576 : i1 to i32
      %sign3A_578 = arith.constant 0 : i32
      %sign3A_579 = arith.cmpi slt, %add3A_564, %sign3A_578 : i32
      %sign3A_580 = arith.extui %sign3A_579 : i1 to i32
      %sign3A_581 = arith.subi %sign3A_577, %sign3A_580 : i32
      %sign3A_582 = arith.constant 0 : i32
      %sign3A_583 = arith.cmpi sgt, %jit3A_573, %sign3A_582 : i32
      %sign3A_584 = arith.extui %sign3A_583 : i1 to i32
      %sign3A_585 = arith.constant 0 : i32
      %sign3A_586 = arith.cmpi slt, %jit3A_573, %sign3A_585 : i32
      %sign3A_587 = arith.extui %sign3A_586 : i1 to i32
      %sign3A_588 = arith.subi %sign3A_584, %sign3A_587 : i32
      %ne3A_589 = arith.cmpi ne, %sign3A_581, %sign3A_588 : i32
      %rem3A_590 = arith.remsi %add3A_564, %jit3A_573 : i32
      %ne3A_591 = arith.constant 0 : i32
      %ne3A_592 = arith.cmpi ne, %rem3A_590, %ne3A_591 : i32
      %and3A_593 = arith.andi %ne3A_589, %ne3A_592 : i1
      %sub3A_594 = arith.constant 1 : i32
      %sub3A_595 = arith.subi %div3A_574, %sub3A_594 : i32
      %select_n3A_596 = arith.select %and3A_593, %sub3A_595, %div3A_574 : i32
      %jit3A_597 = arith.constant 2 : i32
      %eq3A_598 = arith.constant 0 : i32
      %eq3A_599 = arith.cmpi eq, %jit3A_597, %eq3A_598 : i32
      %jit3A_600 = arith.constant 1 : i32
      %select_n3A_601 = arith.select %eq3A_599, %jit3A_600, %jit3A_597 : i32
      %rem3A_602 = arith.remsi %select_n3A_596, %select_n3A_601 : i32
      %ne3A_603 = arith.constant 0 : i32
      %ne3A_604 = arith.cmpi ne, %rem3A_602, %ne3A_603 : i32
      %lt3A_605 = arith.constant 0 : i32
      %lt3A_606 = arith.cmpi slt, %rem3A_602, %lt3A_605 : i32
      %lt3A_607 = arith.constant 0 : i32
      %lt3A_608 = arith.cmpi slt, %select_n3A_601, %lt3A_607 : i32
      %ne3A_609 = arith.xori %lt3A_606, %lt3A_608 : i1
      %and3A_610 = arith.andi %ne3A_609, %ne3A_604 : i1
      %add3A_611 = arith.addi %rem3A_602, %select_n3A_601 : i32
      %select_n3A_612 = arith.select %and3A_610, %add3A_611, %rem3A_602 : i32
      %jit3A_613 = arith.constant 16 : i32
      %eq3A_614 = arith.constant 0 : i32
      %eq3A_615 = arith.cmpi eq, %jit3A_613, %eq3A_614 : i32
      %jit3A_616 = arith.constant 1 : i32
      %select_n3A_617 = arith.select %eq3A_615, %jit3A_616, %jit3A_613 : i32
      %rem3A_618 = arith.remsi %add3A_564, %select_n3A_617 : i32
      %ne3A_619 = arith.constant 0 : i32
      %ne3A_620 = arith.cmpi ne, %rem3A_618, %ne3A_619 : i32
      %lt3A_621 = arith.constant 0 : i32
      %lt3A_622 = arith.cmpi slt, %rem3A_618, %lt3A_621 : i32
      %lt3A_623 = arith.constant 0 : i32
      %lt3A_624 = arith.cmpi slt, %select_n3A_617, %lt3A_623 : i32
      %ne3A_625 = arith.xori %lt3A_622, %lt3A_624 : i1
      %and3A_626 = arith.andi %ne3A_625, %ne3A_620 : i1
      %add3A_627 = arith.addi %rem3A_618, %select_n3A_617 : i32
      %select_n3A_628 = arith.select %and3A_626, %add3A_627, %rem3A_618 : i32
      %dma_start3A_629 = arith.constant 0 : i32
      %dma_start3A_630 = tpu.memref_slice %arg7[%select_n3A_612, %select_n3A_628, %dma_start3A_629] : memref<2x16x128xi32, #tpu.memory_space<vmem>> -> memref<1x1x128xi32, #tpu.memory_space<vmem>>
      %dma_start3A_631 = tpu.memref_squeeze %dma_start3A_630 : memref<1x1x128xi32, #tpu.memory_space<vmem>> -> memref<128xi32, #tpu.memory_space<vmem>>
      %dma_start3A_632 = arith.constant 0 : i32
      %dma_start3A_633 = arith.constant 0 : i32
      %dma_start3A_634 = tpu.memref_slice %arg12[%dma_start3A_632, %dma_start3A_633] : memref<10240x128xf32, #tpu.memory_space<vmem_shared>> -> memref<10240x128xf32, #tpu.memory_space<vmem_shared>>
      tpu.enqueue_indirect_dma source(%arg9 : memref<128x128xf32, #tpu.memory_space<vmem>>) target(%dma_start3A_634 : memref<10240x128xf32, #tpu.memory_space<vmem_shared>>) offsets(%dma_start3A_631 : memref<128xi32, #tpu.memory_space<vmem>>) semaphore(%arg17 : memref<!tpu.dma_semaphore, #tpu.memory_space<semaphore_mem>>) {add = true}
      %dma_wait3A_635 = arith.constant 0 : i32
      %dma_wait3A_636 = arith.constant 0 : i32
      %dma_wait3A_637 = arith.constant 0 : i32
      %dma_wait3A_638 = tpu.memref_slice %arg7[%dma_wait3A_635, %dma_wait3A_636, %dma_wait3A_637] : memref<2x16x128xi32, #tpu.memory_space<vmem>> -> memref<1x1x128xi32, #tpu.memory_space<vmem>>
      %dma_wait3A_639 = tpu.memref_squeeze %dma_wait3A_638 : memref<1x1x128xi32, #tpu.memory_space<vmem>> -> memref<128xi32, #tpu.memory_space<vmem>>
      %dma_wait3A_640 = arith.constant 0 : i32
      %dma_wait3A_641 = arith.constant 0 : i32
      %dma_wait3A_642 = tpu.memref_slice %arg12[%dma_wait3A_640, %dma_wait3A_641] : memref<10240x128xf32, #tpu.memory_space<vmem_shared>> -> memref<10240x128xf32, #tpu.memory_space<vmem_shared>>
      tpu.wait_indirect_dma semaphore(%arg16 : memref<!tpu.dma_semaphore, #tpu.memory_space<semaphore_mem>>) src(%arg8 : memref<128x128xf32, #tpu.memory_space<vmem>>) dst(%dma_wait3A_642 : memref<10240x128xf32, #tpu.memory_space<vmem_shared>>)
      %add3A_643 = arith.constant 1 : i32
      %add3A_644 = arith.addi %add3A_564, %add3A_643 : i32
      %jit3A_645 = arith.constant 16 : i32
      %eq3A_646 = arith.constant 0 : i32
      %eq3A_647 = arith.cmpi eq, %jit3A_645, %eq3A_646 : i32
      %jit3A_648 = arith.constant 1 : i32
      %select_n3A_649 = arith.select %eq3A_647, %jit3A_648, %jit3A_645 : i32
      %rem3A_650 = arith.remsi %add3A_644, %select_n3A_649 : i32
      %ne3A_651 = arith.constant 0 : i32
      %ne3A_652 = arith.cmpi ne, %rem3A_650, %ne3A_651 : i32
      %lt3A_653 = arith.constant 0 : i32
      %lt3A_654 = arith.cmpi slt, %rem3A_650, %lt3A_653 : i32
      %lt3A_655 = arith.constant 0 : i32
      %lt3A_656 = arith.cmpi slt, %select_n3A_649, %lt3A_655 : i32
      %ne3A_657 = arith.xori %lt3A_654, %lt3A_656 : i1
      %and3A_658 = arith.andi %ne3A_657, %ne3A_652 : i1
      %add3A_659 = arith.addi %rem3A_650, %select_n3A_649 : i32
      %select_n3A_660 = arith.select %and3A_658, %add3A_659, %rem3A_650 : i32
      %eq3A_661 = arith.constant 0 : i32
      %eq3A_662 = arith.cmpi eq, %select_n3A_660, %eq3A_661 : i32
      %add3A_663 = arith.constant 1 : i32
      %add3A_664 = arith.addi %add3A_564, %add3A_663 : i32
      %ge3A = arith.constant 32 : i32
      %ge3A_665 = arith.cmpi sge, %add3A_664, %ge3A : i32
      %add3A_666 = arith.constant 1 : i32
      %add3A_667 = arith.addi %add3A_564, %add3A_666 : i32
      %lt3A_668 = arith.constant 80 : i32
      %lt3A_669 = arith.cmpi slt, %add3A_667, %lt3A_668 : i32
      %and3A_670 = arith.andi %ge3A_665, %lt3A_669 : i1
      %and3A_671 = arith.andi %eq3A_662, %and3A_670 : i1
      %convert_element_type3A_672 = arith.extui %and3A_671 : i1 to i32
      %cond3A_673 = arith.constant 0 : i32
      %cond3A_674 = arith.cmpi ne, %convert_element_type3A_672, %cond3A_673 : i32
      scf.if %cond3A_674 {
        %dma_wait3A_739 = arith.constant 0 : i32
        %dma_wait3A_740 = arith.constant 0 : i32
        %dma_wait3A_741 = arith.constant 0 : i32
        %dma_wait3A_742 = arith.constant 0 : i32
        %dma_wait3A_743 = tpu.memref_slice %arg6[%dma_wait3A_740, %dma_wait3A_741, %dma_wait3A_742] : memref<2x16x128xi32, #tpu.memory_space<vmem>> -> memref<1x16x128xi32, #tpu.memory_space<vmem>>
        %dma_wait3A_744 = tpu.memref_squeeze %dma_wait3A_743 : memref<1x16x128xi32, #tpu.memory_space<vmem>> -> memref<16x128xi32, #tpu.memory_space<vmem>>
        %dma_wait3A_745 = arith.constant 0 : i32
        %dma_wait3A_746 = tpu.memref_slice %arg3[%dma_wait3A_739, %mul3A_4, %dma_wait3A_745] : memref<2x2560x128xi32, #tpu.memory_space<hbm>> -> memref<1x16x128xi32, #tpu.memory_space<hbm>>
        %dma_wait3A_747 = tpu.memref_squeeze %dma_wait3A_746 : memref<1x16x128xi32, #tpu.memory_space<hbm>> -> memref<16x128xi32, #tpu.memory_space<hbm>>
        %dma_wait3A_748 = arith.constant 0 : i32
        %dma_wait3A_749 = arith.constant 0 : i32
        %dma_wait3A_750 = tpu.memref_slice %arg6[%dma_wait3A_740, %dma_wait3A_748, %dma_wait3A_749] : memref<2x16x128xi32, #tpu.memory_space<vmem>> -> memref<1x16x128xi32, #tpu.memory_space<vmem>>
        %dma_wait3A_751 = tpu.memref_squeeze %dma_wait3A_750 : memref<1x16x128xi32, #tpu.memory_space<vmem>> -> memref<16x128xi32, #tpu.memory_space<vmem>>
        %dma_wait3A_752 = arith.constant 0 : i32
        %dma_wait3A_753 = tpu.memref_slice %arg3[%dma_wait3A_739, %mul3A_4, %dma_wait3A_752] : memref<2x2560x128xi32, #tpu.memory_space<hbm>> -> memref<1x16x128xi32, #tpu.memory_space<hbm>>
        %dma_wait3A_754 = tpu.memref_squeeze %dma_wait3A_753 : memref<1x16x128xi32, #tpu.memory_space<hbm>> -> memref<16x128xi32, #tpu.memory_space<hbm>>
        tpu.wait_dma2 semaphore(%arg19 : memref<!tpu.dma_semaphore, #tpu.memory_space<semaphore_mem>>) src(%dma_wait3A_754 : memref<16x128xi32, #tpu.memory_space<hbm>>) dst(%dma_wait3A_751 : memref<16x128xi32, #tpu.memory_space<vmem>>)
        %dma_wait3A_755 = arith.constant 1 : i32
        %dma_wait3A_756 = arith.constant 0 : i32
        %dma_wait3A_757 = arith.constant 0 : i32
        %dma_wait3A_758 = arith.constant 0 : i32
        %dma_wait3A_759 = tpu.memref_slice %arg7[%dma_wait3A_756, %dma_wait3A_757, %dma_wait3A_758] : memref<2x16x128xi32, #tpu.memory_space<vmem>> -> memref<1x16x128xi32, #tpu.memory_space<vmem>>
        %dma_wait3A_760 = tpu.memref_squeeze %dma_wait3A_759 : memref<1x16x128xi32, #tpu.memory_space<vmem>> -> memref<16x128xi32, #tpu.memory_space<vmem>>
        %dma_wait3A_761 = arith.constant 0 : i32
        %dma_wait3A_762 = tpu.memref_slice %arg3[%dma_wait3A_755, %mul3A_4, %dma_wait3A_761] : memref<2x2560x128xi32, #tpu.memory_space<hbm>> -> memref<1x16x128xi32, #tpu.memory_space<hbm>>
        %dma_wait3A_763 = tpu.memref_squeeze %dma_wait3A_762 : memref<1x16x128xi32, #tpu.memory_space<hbm>> -> memref<16x128xi32, #tpu.memory_space<hbm>>
        %dma_wait3A_764 = arith.constant 0 : i32
        %dma_wait3A_765 = arith.constant 0 : i32
        %dma_wait3A_766 = tpu.memref_slice %arg7[%dma_wait3A_756, %dma_wait3A_764, %dma_wait3A_765] : memref<2x16x128xi32, #tpu.memory_space<vmem>> -> memref<1x16x128xi32, #tpu.memory_space<vmem>>
        %dma_wait3A_767 = tpu.memref_squeeze %dma_wait3A_766 : memref<1x16x128xi32, #tpu.memory_space<vmem>> -> memref<16x128xi32, #tpu.memory_space<vmem>>
        %dma_wait3A_768 = arith.constant 0 : i32
        %dma_wait3A_769 = tpu.memref_slice %arg3[%dma_wait3A_755, %mul3A_4, %dma_wait3A_768] : memref<2x2560x128xi32, #tpu.memory_space<hbm>> -> memref<1x16x128xi32, #tpu.memory_space<hbm>>
        %dma_wait3A_770 = tpu.memref_squeeze %dma_wait3A_769 : memref<1x16x128xi32, #tpu.memory_space<hbm>> -> memref<16x128xi32, #tpu.memory_space<hbm>>
        tpu.wait_dma2 semaphore(%arg19 : memref<!tpu.dma_semaphore, #tpu.memory_space<semaphore_mem>>) src(%dma_wait3A_770 : memref<16x128xi32, #tpu.memory_space<hbm>>) dst(%dma_wait3A_767 : memref<16x128xi32, #tpu.memory_space<vmem>>)
      } else {
      }
      %add3A_675 = arith.constant 1 : i32
      %add3A_676 = arith.addi %add3A_564, %add3A_675 : i32
      %jit3A_677 = arith.constant 16 : i32
      %div3A_678 = arith.divsi %add3A_676, %jit3A_677 : i32
      %sign3A_679 = arith.constant 0 : i32
      %sign3A_680 = arith.cmpi sgt, %add3A_676, %sign3A_679 : i32
      %sign3A_681 = arith.extui %sign3A_680 : i1 to i32
      %sign3A_682 = arith.constant 0 : i32
      %sign3A_683 = arith.cmpi slt, %add3A_676, %sign3A_682 : i32
      %sign3A_684 = arith.extui %sign3A_683 : i1 to i32
      %sign3A_685 = arith.subi %sign3A_681, %sign3A_684 : i32
      %sign3A_686 = arith.constant 0 : i32
      %sign3A_687 = arith.cmpi sgt, %jit3A_677, %sign3A_686 : i32
      %sign3A_688 = arith.extui %sign3A_687 : i1 to i32
      %sign3A_689 = arith.constant 0 : i32
      %sign3A_690 = arith.cmpi slt, %jit3A_677, %sign3A_689 : i32
      %sign3A_691 = arith.extui %sign3A_690 : i1 to i32
      %sign3A_692 = arith.subi %sign3A_688, %sign3A_691 : i32
      %ne3A_693 = arith.cmpi ne, %sign3A_685, %sign3A_692 : i32
      %rem3A_694 = arith.remsi %add3A_676, %jit3A_677 : i32
      %ne3A_695 = arith.constant 0 : i32
      %ne3A_696 = arith.cmpi ne, %rem3A_694, %ne3A_695 : i32
      %and3A_697 = arith.andi %ne3A_693, %ne3A_696 : i1
      %sub3A_698 = arith.constant 1 : i32
      %sub3A_699 = arith.subi %div3A_678, %sub3A_698 : i32
      %select_n3A_700 = arith.select %and3A_697, %sub3A_699, %div3A_678 : i32
      %jit3A_701 = arith.constant 2 : i32
      %eq3A_702 = arith.constant 0 : i32
      %eq3A_703 = arith.cmpi eq, %jit3A_701, %eq3A_702 : i32
      %jit3A_704 = arith.constant 1 : i32
      %select_n3A_705 = arith.select %eq3A_703, %jit3A_704, %jit3A_701 : i32
      %rem3A_706 = arith.remsi %select_n3A_700, %select_n3A_705 : i32
      %ne3A_707 = arith.constant 0 : i32
      %ne3A_708 = arith.cmpi ne, %rem3A_706, %ne3A_707 : i32
      %lt3A_709 = arith.constant 0 : i32
      %lt3A_710 = arith.cmpi slt, %rem3A_706, %lt3A_709 : i32
      %lt3A_711 = arith.constant 0 : i32
      %lt3A_712 = arith.cmpi slt, %select_n3A_705, %lt3A_711 : i32
      %ne3A_713 = arith.xori %lt3A_710, %lt3A_712 : i1
      %and3A_714 = arith.andi %ne3A_713, %ne3A_708 : i1
      %add3A_715 = arith.addi %rem3A_706, %select_n3A_705 : i32
      %select_n3A_716 = arith.select %and3A_714, %add3A_715, %rem3A_706 : i32
      %jit3A_717 = arith.constant 16 : i32
      %eq3A_718 = arith.constant 0 : i32
      %eq3A_719 = arith.cmpi eq, %jit3A_717, %eq3A_718 : i32
      %jit3A_720 = arith.constant 1 : i32
      %select_n3A_721 = arith.select %eq3A_719, %jit3A_720, %jit3A_717 : i32
      %rem3A_722 = arith.remsi %add3A_676, %select_n3A_721 : i32
      %ne3A_723 = arith.constant 0 : i32
      %ne3A_724 = arith.cmpi ne, %rem3A_722, %ne3A_723 : i32
      %lt3A_725 = arith.constant 0 : i32
      %lt3A_726 = arith.cmpi slt, %rem3A_722, %lt3A_725 : i32
      %lt3A_727 = arith.constant 0 : i32
      %lt3A_728 = arith.cmpi slt, %select_n3A_721, %lt3A_727 : i32
      %ne3A_729 = arith.xori %lt3A_726, %lt3A_728 : i1
      %and3A_730 = arith.andi %ne3A_729, %ne3A_724 : i1
      %add3A_731 = arith.addi %rem3A_722, %select_n3A_721 : i32
      %select_n3A_732 = arith.select %and3A_730, %add3A_731, %rem3A_722 : i32
      %dma_start3A_733 = arith.constant 0 : i32
      %dma_start3A_734 = tpu.memref_slice %arg6[%select_n3A_716, %select_n3A_732, %dma_start3A_733] : memref<2x16x128xi32, #tpu.memory_space<vmem>> -> memref<1x1x128xi32, #tpu.memory_space<vmem>>
      %dma_start3A_735 = tpu.memref_squeeze %dma_start3A_734 : memref<1x1x128xi32, #tpu.memory_space<vmem>> -> memref<128xi32, #tpu.memory_space<vmem>>
      %dma_start3A_736 = arith.constant 0 : i32
      %dma_start3A_737 = arith.constant 0 : i32
      %dma_start3A_738 = tpu.memref_slice %arg2[%dma_start3A_736, %dma_start3A_737] : memref<10000x128xf32, #tpu.memory_space<hbm>> -> memref<10000x128xf32, #tpu.memory_space<hbm>>
      tpu.enqueue_indirect_dma source(%dma_start3A_738 : memref<10000x128xf32, #tpu.memory_space<hbm>>) target(%arg8 : memref<128x128xf32, #tpu.memory_space<vmem>>) offsets(%dma_start3A_735 : memref<128xi32, #tpu.memory_space<vmem>>) semaphore(%arg14 : memref<!tpu.dma_semaphore, #tpu.memory_space<semaphore_mem>>)
    }
    %scan3A_222 = arith.constant 38 : i32
    %dma_wait3A_223 = arith.constant 0 : i32
    %dma_wait3A_224 = arith.constant 0 : i32
    %dma_wait3A_225 = arith.constant 0 : i32
    %dma_wait3A_226 = tpu.memref_slice %arg6[%dma_wait3A_223, %dma_wait3A_224, %dma_wait3A_225] : memref<2x16x128xi32, #tpu.memory_space<vmem>> -> memref<1x1x128xi32, #tpu.memory_space<vmem>>
    %dma_wait3A_227 = tpu.memref_squeeze %dma_wait3A_226 : memref<1x1x128xi32, #tpu.memory_space<vmem>> -> memref<128xi32, #tpu.memory_space<vmem>>
    %dma_wait3A_228 = arith.constant 0 : i32
    %dma_wait3A_229 = arith.constant 0 : i32
    %dma_wait3A_230 = tpu.memref_slice %arg2[%dma_wait3A_228, %dma_wait3A_229] : memref<10000x128xf32, #tpu.memory_space<hbm>> -> memref<10000x128xf32, #tpu.memory_space<hbm>>
    tpu.wait_indirect_dma semaphore(%arg14 : memref<!tpu.dma_semaphore, #tpu.memory_space<semaphore_mem>>) src(%dma_wait3A_230 : memref<10000x128xf32, #tpu.memory_space<hbm>>) dst(%arg8 : memref<128x128xf32, #tpu.memory_space<vmem>>)
    %dma_start3A_231 = arith.constant 0 : i32
    %dma_start3A_232 = arith.constant 14 : i32
    %dma_start3A_233 = arith.constant 0 : i32
    %dma_start3A_234 = tpu.memref_slice %arg7[%dma_start3A_231, %dma_start3A_232, %dma_start3A_233] : memref<2x16x128xi32, #tpu.memory_space<vmem>> -> memref<1x1x128xi32, #tpu.memory_space<vmem>>
    %dma_start3A_235 = tpu.memref_squeeze %dma_start3A_234 : memref<1x1x128xi32, #tpu.memory_space<vmem>> -> memref<128xi32, #tpu.memory_space<vmem>>
    %dma_start3A_236 = arith.constant 0 : i32
    %dma_start3A_237 = arith.constant 0 : i32
    %dma_start3A_238 = tpu.memref_slice %arg12[%dma_start3A_236, %dma_start3A_237] : memref<10240x128xf32, #tpu.memory_space<vmem_shared>> -> memref<10240x128xf32, #tpu.memory_space<vmem_shared>>
    tpu.enqueue_indirect_dma source(%arg8 : memref<128x128xf32, #tpu.memory_space<vmem>>) target(%dma_start3A_238 : memref<10240x128xf32, #tpu.memory_space<vmem_shared>>) offsets(%dma_start3A_235 : memref<128xi32, #tpu.memory_space<vmem>>) semaphore(%arg16 : memref<!tpu.dma_semaphore, #tpu.memory_space<semaphore_mem>>) {add = true}
    %dma_wait3A_239 = arith.constant 0 : i32
    %dma_wait3A_240 = arith.constant 0 : i32
    %dma_wait3A_241 = arith.constant 0 : i32
    %dma_wait3A_242 = tpu.memref_slice %arg7[%dma_wait3A_239, %dma_wait3A_240, %dma_wait3A_241] : memref<2x16x128xi32, #tpu.memory_space<vmem>> -> memref<1x1x128xi32, #tpu.memory_space<vmem>>
    %dma_wait3A_243 = tpu.memref_squeeze %dma_wait3A_242 : memref<1x1x128xi32, #tpu.memory_space<vmem>> -> memref<128xi32, #tpu.memory_space<vmem>>
    %dma_wait3A_244 = arith.constant 0 : i32
    %dma_wait3A_245 = arith.constant 0 : i32
    %dma_wait3A_246 = tpu.memref_slice %arg12[%dma_wait3A_244, %dma_wait3A_245] : memref<10240x128xf32, #tpu.memory_space<vmem_shared>> -> memref<10240x128xf32, #tpu.memory_space<vmem_shared>>
    tpu.wait_indirect_dma semaphore(%arg17 : memref<!tpu.dma_semaphore, #tpu.memory_space<semaphore_mem>>) src(%arg9 : memref<128x128xf32, #tpu.memory_space<vmem>>) dst(%dma_wait3A_246 : memref<10240x128xf32, #tpu.memory_space<vmem_shared>>)
    %dma_start3A_247 = arith.constant 0 : i32
    %dma_start3A_248 = arith.constant 15 : i32
    %dma_start3A_249 = arith.constant 0 : i32
    %dma_start3A_250 = tpu.memref_slice %arg6[%dma_start3A_247, %dma_start3A_248, %dma_start3A_249] : memref<2x16x128xi32, #tpu.memory_space<vmem>> -> memref<1x1x128xi32, #tpu.memory_space<vmem>>
    %dma_start3A_251 = tpu.memref_squeeze %dma_start3A_250 : memref<1x1x128xi32, #tpu.memory_space<vmem>> -> memref<128xi32, #tpu.memory_space<vmem>>
    %dma_start3A_252 = arith.constant 0 : i32
    %dma_start3A_253 = arith.constant 0 : i32
    %dma_start3A_254 = tpu.memref_slice %arg2[%dma_start3A_252, %dma_start3A_253] : memref<10000x128xf32, #tpu.memory_space<hbm>> -> memref<10000x128xf32, #tpu.memory_space<hbm>>
    tpu.enqueue_indirect_dma source(%dma_start3A_254 : memref<10000x128xf32, #tpu.memory_space<hbm>>) target(%arg9 : memref<128x128xf32, #tpu.memory_space<vmem>>) offsets(%dma_start3A_251 : memref<128xi32, #tpu.memory_space<vmem>>) semaphore(%arg15 : memref<!tpu.dma_semaphore, #tpu.memory_space<semaphore_mem>>)
    %dma_wait3A_255 = arith.constant 0 : i32
    %dma_wait3A_256 = arith.constant 0 : i32
    %dma_wait3A_257 = arith.constant 0 : i32
    %dma_wait3A_258 = tpu.memref_slice %arg6[%dma_wait3A_255, %dma_wait3A_256, %dma_wait3A_257] : memref<2x16x128xi32, #tpu.memory_space<vmem>> -> memref<1x1x128xi32, #tpu.memory_space<vmem>>
    %dma_wait3A_259 = tpu.memref_squeeze %dma_wait3A_258 : memref<1x1x128xi32, #tpu.memory_space<vmem>> -> memref<128xi32, #tpu.memory_space<vmem>>
    %dma_wait3A_260 = arith.constant 0 : i32
    %dma_wait3A_261 = arith.constant 0 : i32
    %dma_wait3A_262 = tpu.memref_slice %arg2[%dma_wait3A_260, %dma_wait3A_261] : memref<10000x128xf32, #tpu.memory_space<hbm>> -> memref<10000x128xf32, #tpu.memory_space<hbm>>
    tpu.wait_indirect_dma semaphore(%arg15 : memref<!tpu.dma_semaphore, #tpu.memory_space<semaphore_mem>>) src(%dma_wait3A_262 : memref<10000x128xf32, #tpu.memory_space<hbm>>) dst(%arg9 : memref<128x128xf32, #tpu.memory_space<vmem>>)
    %dma_start3A_263 = arith.constant 0 : i32
    %dma_start3A_264 = arith.constant 15 : i32
    %dma_start3A_265 = arith.constant 0 : i32
    %dma_start3A_266 = tpu.memref_slice %arg7[%dma_start3A_263, %dma_start3A_264, %dma_start3A_265] : memref<2x16x128xi32, #tpu.memory_space<vmem>> -> memref<1x1x128xi32, #tpu.memory_space<vmem>>
    %dma_start3A_267 = tpu.memref_squeeze %dma_start3A_266 : memref<1x1x128xi32, #tpu.memory_space<vmem>> -> memref<128xi32, #tpu.memory_space<vmem>>
    %dma_start3A_268 = arith.constant 0 : i32
    %dma_start3A_269 = arith.constant 0 : i32
    %dma_start3A_270 = tpu.memref_slice %arg12[%dma_start3A_268, %dma_start3A_269] : memref<10240x128xf32, #tpu.memory_space<vmem_shared>> -> memref<10240x128xf32, #tpu.memory_space<vmem_shared>>
    tpu.enqueue_indirect_dma source(%arg9 : memref<128x128xf32, #tpu.memory_space<vmem>>) target(%dma_start3A_270 : memref<10240x128xf32, #tpu.memory_space<vmem_shared>>) offsets(%dma_start3A_267 : memref<128xi32, #tpu.memory_space<vmem>>) semaphore(%arg17 : memref<!tpu.dma_semaphore, #tpu.memory_space<semaphore_mem>>) {add = true}
    %dma_wait3A_271 = arith.constant 0 : i32
    %dma_wait3A_272 = arith.constant 0 : i32
    %dma_wait3A_273 = arith.constant 0 : i32
    %dma_wait3A_274 = tpu.memref_slice %arg7[%dma_wait3A_271, %dma_wait3A_272, %dma_wait3A_273] : memref<2x16x128xi32, #tpu.memory_space<vmem>> -> memref<1x1x128xi32, #tpu.memory_space<vmem>>
    %dma_wait3A_275 = tpu.memref_squeeze %dma_wait3A_274 : memref<1x1x128xi32, #tpu.memory_space<vmem>> -> memref<128xi32, #tpu.memory_space<vmem>>
    %dma_wait3A_276 = arith.constant 0 : i32
    %dma_wait3A_277 = arith.constant 0 : i32
    %dma_wait3A_278 = tpu.memref_slice %arg12[%dma_wait3A_276, %dma_wait3A_277] : memref<10240x128xf32, #tpu.memory_space<vmem_shared>> -> memref<10240x128xf32, #tpu.memory_space<vmem_shared>>
    tpu.wait_indirect_dma semaphore(%arg16 : memref<!tpu.dma_semaphore, #tpu.memory_space<semaphore_mem>>) src(%arg8 : memref<128x128xf32, #tpu.memory_space<vmem>>) dst(%dma_wait3A_278 : memref<10240x128xf32, #tpu.memory_space<vmem_shared>>)
    %dma_wait3A_279 = arith.constant 0 : i32
    %dma_wait3A_280 = arith.constant 0 : i32
    %dma_wait3A_281 = arith.constant 0 : i32
    %dma_wait3A_282 = tpu.memref_slice %arg7[%dma_wait3A_279, %dma_wait3A_280, %dma_wait3A_281] : memref<2x16x128xi32, #tpu.memory_space<vmem>> -> memref<1x1x128xi32, #tpu.memory_space<vmem>>
    %dma_wait3A_283 = tpu.memref_squeeze %dma_wait3A_282 : memref<1x1x128xi32, #tpu.memory_space<vmem>> -> memref<128xi32, #tpu.memory_space<vmem>>
    %dma_wait3A_284 = arith.constant 0 : i32
    %dma_wait3A_285 = arith.constant 0 : i32
    %dma_wait3A_286 = tpu.memref_slice %arg12[%dma_wait3A_284, %dma_wait3A_285] : memref<10240x128xf32, #tpu.memory_space<vmem_shared>> -> memref<10240x128xf32, #tpu.memory_space<vmem_shared>>
    tpu.wait_indirect_dma semaphore(%arg17 : memref<!tpu.dma_semaphore, #tpu.memory_space<semaphore_mem>>) src(%arg9 : memref<128x128xf32, #tpu.memory_space<vmem>>) dst(%dma_wait3A_286 : memref<10240x128xf32, #tpu.memory_space<vmem_shared>>)
    %dma_wait3A_287 = arith.constant 0 : i32
    %dma_wait3A_288 = arith.constant 0 : i32
    %dma_wait3A_289 = arith.constant 0 : i32
    %dma_wait3A_290 = tpu.memref_slice %arg7[%dma_wait3A_287, %dma_wait3A_288, %dma_wait3A_289] : memref<2x16x128xi32, #tpu.memory_space<vmem>> -> memref<1x1x128xi32, #tpu.memory_space<vmem>>
    %dma_wait3A_291 = tpu.memref_squeeze %dma_wait3A_290 : memref<1x1x128xi32, #tpu.memory_space<vmem>> -> memref<128xi32, #tpu.memory_space<vmem>>
    %dma_wait3A_292 = arith.constant 0 : i32
    %dma_wait3A_293 = tpu.memref_slice %arg13[%dma_wait3A_292] : memref<10240xf32, #tpu.memory_space<vmem_shared>> -> memref<10240xf32, #tpu.memory_space<vmem_shared>>
    tpu.wait_indirect_dma semaphore(%arg18 : memref<!tpu.dma_semaphore, #tpu.memory_space<semaphore_mem>>) src(%arg10 : memref<128xf32, #tpu.memory_space<vmem>>) dst(%dma_wait3A_293 : memref<10240xf32, #tpu.memory_space<vmem_shared>>)
    %dma_wait3A_294 = arith.constant 0 : i32
    %dma_wait3A_295 = arith.constant 0 : i32
    %dma_wait3A_296 = arith.constant 0 : i32
    %dma_wait3A_297 = tpu.memref_slice %arg7[%dma_wait3A_294, %dma_wait3A_295, %dma_wait3A_296] : memref<2x16x128xi32, #tpu.memory_space<vmem>> -> memref<1x1x128xi32, #tpu.memory_space<vmem>>
    %dma_wait3A_298 = tpu.memref_squeeze %dma_wait3A_297 : memref<1x1x128xi32, #tpu.memory_space<vmem>> -> memref<128xi32, #tpu.memory_space<vmem>>
    %dma_wait3A_299 = arith.constant 0 : i32
    %dma_wait3A_300 = tpu.memref_slice %arg13[%dma_wait3A_299] : memref<10240xf32, #tpu.memory_space<vmem_shared>> -> memref<10240xf32, #tpu.memory_space<vmem_shared>>
    tpu.wait_indirect_dma semaphore(%arg18 : memref<!tpu.dma_semaphore, #tpu.memory_space<semaphore_mem>>) src(%arg10 : memref<128xf32, #tpu.memory_space<vmem>>) dst(%dma_wait3A_300 : memref<10240xf32, #tpu.memory_space<vmem_shared>>)
    %dma_wait3A_301 = arith.constant 0 : i32
    %dma_wait3A_302 = arith.constant 0 : i32
    %dma_wait3A_303 = arith.constant 0 : i32
    %dma_wait3A_304 = tpu.memref_slice %arg7[%dma_wait3A_301, %dma_wait3A_302, %dma_wait3A_303] : memref<2x16x128xi32, #tpu.memory_space<vmem>> -> memref<1x1x128xi32, #tpu.memory_space<vmem>>
    %dma_wait3A_305 = tpu.memref_squeeze %dma_wait3A_304 : memref<1x1x128xi32, #tpu.memory_space<vmem>> -> memref<128xi32, #tpu.memory_space<vmem>>
    %dma_wait3A_306 = arith.constant 0 : i32
    %dma_wait3A_307 = tpu.memref_slice %arg13[%dma_wait3A_306] : memref<10240xf32, #tpu.memory_space<vmem_shared>> -> memref<10240xf32, #tpu.memory_space<vmem_shared>>
    tpu.wait_indirect_dma semaphore(%arg18 : memref<!tpu.dma_semaphore, #tpu.memory_space<semaphore_mem>>) src(%arg10 : memref<128xf32, #tpu.memory_space<vmem>>) dst(%dma_wait3A_307 : memref<10240xf32, #tpu.memory_space<vmem_shared>>)
    %dma_wait3A_308 = arith.constant 0 : i32
    %dma_wait3A_309 = arith.constant 0 : i32
    %dma_wait3A_310 = arith.constant 0 : i32
    %dma_wait3A_311 = tpu.memref_slice %arg7[%dma_wait3A_308, %dma_wait3A_309, %dma_wait3A_310] : memref<2x16x128xi32, #tpu.memory_space<vmem>> -> memref<1x1x128xi32, #tpu.memory_space<vmem>>
    %dma_wait3A_312 = tpu.memref_squeeze %dma_wait3A_311 : memref<1x1x128xi32, #tpu.memory_space<vmem>> -> memref<128xi32, #tpu.memory_space<vmem>>
    %dma_wait3A_313 = arith.constant 0 : i32
    %dma_wait3A_314 = tpu.memref_slice %arg13[%dma_wait3A_313] : memref<10240xf32, #tpu.memory_space<vmem_shared>> -> memref<10240xf32, #tpu.memory_space<vmem_shared>>
    tpu.wait_indirect_dma semaphore(%arg18 : memref<!tpu.dma_semaphore, #tpu.memory_space<semaphore_mem>>) src(%arg10 : memref<128xf32, #tpu.memory_space<vmem>>) dst(%dma_wait3A_314 : memref<10240xf32, #tpu.memory_space<vmem_shared>>)
    %dma_wait3A_315 = arith.constant 0 : i32
    %dma_wait3A_316 = arith.constant 0 : i32
    %dma_wait3A_317 = arith.constant 0 : i32
    %dma_wait3A_318 = tpu.memref_slice %arg7[%dma_wait3A_315, %dma_wait3A_316, %dma_wait3A_317] : memref<2x16x128xi32, #tpu.memory_space<vmem>> -> memref<1x1x128xi32, #tpu.memory_space<vmem>>
    %dma_wait3A_319 = tpu.memref_squeeze %dma_wait3A_318 : memref<1x1x128xi32, #tpu.memory_space<vmem>> -> memref<128xi32, #tpu.memory_space<vmem>>
    %dma_wait3A_320 = arith.constant 0 : i32
    %dma_wait3A_321 = tpu.memref_slice %arg13[%dma_wait3A_320] : memref<10240xf32, #tpu.memory_space<vmem_shared>> -> memref<10240xf32, #tpu.memory_space<vmem_shared>>
    tpu.wait_indirect_dma semaphore(%arg18 : memref<!tpu.dma_semaphore, #tpu.memory_space<semaphore_mem>>) src(%arg10 : memref<128xf32, #tpu.memory_space<vmem>>) dst(%dma_wait3A_321 : memref<10240xf32, #tpu.memory_space<vmem_shared>>)
    %dma_wait3A_322 = arith.constant 0 : i32
    %dma_wait3A_323 = arith.constant 0 : i32
    %dma_wait3A_324 = arith.constant 0 : i32
    %dma_wait3A_325 = tpu.memref_slice %arg7[%dma_wait3A_322, %dma_wait3A_323, %dma_wait3A_324] : memref<2x16x128xi32, #tpu.memory_space<vmem>> -> memref<1x1x128xi32, #tpu.memory_space<vmem>>
    %dma_wait3A_326 = tpu.memref_squeeze %dma_wait3A_325 : memref<1x1x128xi32, #tpu.memory_space<vmem>> -> memref<128xi32, #tpu.memory_space<vmem>>
    %dma_wait3A_327 = arith.constant 0 : i32
    %dma_wait3A_328 = tpu.memref_slice %arg13[%dma_wait3A_327] : memref<10240xf32, #tpu.memory_space<vmem_shared>> -> memref<10240xf32, #tpu.memory_space<vmem_shared>>
    tpu.wait_indirect_dma semaphore(%arg18 : memref<!tpu.dma_semaphore, #tpu.memory_space<semaphore_mem>>) src(%arg10 : memref<128xf32, #tpu.memory_space<vmem>>) dst(%dma_wait3A_328 : memref<10240xf32, #tpu.memory_space<vmem_shared>>)
    %dma_wait3A_329 = arith.constant 0 : i32
    %dma_wait3A_330 = arith.constant 0 : i32
    %dma_wait3A_331 = arith.constant 0 : i32
    %dma_wait3A_332 = tpu.memref_slice %arg7[%dma_wait3A_329, %dma_wait3A_330, %dma_wait3A_331] : memref<2x16x128xi32, #tpu.memory_space<vmem>> -> memref<1x1x128xi32, #tpu.memory_space<vmem>>
    %dma_wait3A_333 = tpu.memref_squeeze %dma_wait3A_332 : memref<1x1x128xi32, #tpu.memory_space<vmem>> -> memref<128xi32, #tpu.memory_space<vmem>>
    %dma_wait3A_334 = arith.constant 0 : i32
    %dma_wait3A_335 = tpu.memref_slice %arg13[%dma_wait3A_334] : memref<10240xf32, #tpu.memory_space<vmem_shared>> -> memref<10240xf32, #tpu.memory_space<vmem_shared>>
    tpu.wait_indirect_dma semaphore(%arg18 : memref<!tpu.dma_semaphore, #tpu.memory_space<semaphore_mem>>) src(%arg10 : memref<128xf32, #tpu.memory_space<vmem>>) dst(%dma_wait3A_335 : memref<10240xf32, #tpu.memory_space<vmem_shared>>)
    %dma_wait3A_336 = arith.constant 0 : i32
    %dma_wait3A_337 = arith.constant 0 : i32
    %dma_wait3A_338 = arith.constant 0 : i32
    %dma_wait3A_339 = tpu.memref_slice %arg7[%dma_wait3A_336, %dma_wait3A_337, %dma_wait3A_338] : memref<2x16x128xi32, #tpu.memory_space<vmem>> -> memref<1x1x128xi32, #tpu.memory_space<vmem>>
    %dma_wait3A_340 = tpu.memref_squeeze %dma_wait3A_339 : memref<1x1x128xi32, #tpu.memory_space<vmem>> -> memref<128xi32, #tpu.memory_space<vmem>>
    %dma_wait3A_341 = arith.constant 0 : i32
    %dma_wait3A_342 = tpu.memref_slice %arg13[%dma_wait3A_341] : memref<10240xf32, #tpu.memory_space<vmem_shared>> -> memref<10240xf32, #tpu.memory_space<vmem_shared>>
    tpu.wait_indirect_dma semaphore(%arg18 : memref<!tpu.dma_semaphore, #tpu.memory_space<semaphore_mem>>) src(%arg10 : memref<128xf32, #tpu.memory_space<vmem>>) dst(%dma_wait3A_342 : memref<10240xf32, #tpu.memory_space<vmem_shared>>)
    %dma_wait3A_343 = arith.constant 0 : i32
    %dma_wait3A_344 = arith.constant 0 : i32
    %dma_wait3A_345 = arith.constant 0 : i32
    %dma_wait3A_346 = tpu.memref_slice %arg7[%dma_wait3A_343, %dma_wait3A_344, %dma_wait3A_345] : memref<2x16x128xi32, #tpu.memory_space<vmem>> -> memref<1x1x128xi32, #tpu.memory_space<vmem>>
    %dma_wait3A_347 = tpu.memref_squeeze %dma_wait3A_346 : memref<1x1x128xi32, #tpu.memory_space<vmem>> -> memref<128xi32, #tpu.memory_space<vmem>>
    %dma_wait3A_348 = arith.constant 0 : i32
    %dma_wait3A_349 = tpu.memref_slice %arg13[%dma_wait3A_348] : memref<10240xf32, #tpu.memory_space<vmem_shared>> -> memref<10240xf32, #tpu.memory_space<vmem_shared>>
    tpu.wait_indirect_dma semaphore(%arg18 : memref<!tpu.dma_semaphore, #tpu.memory_space<semaphore_mem>>) src(%arg10 : memref<128xf32, #tpu.memory_space<vmem>>) dst(%dma_wait3A_349 : memref<10240xf32, #tpu.memory_space<vmem_shared>>)
    %dma_wait3A_350 = arith.constant 0 : i32
    %dma_wait3A_351 = arith.constant 0 : i32
    %dma_wait3A_352 = arith.constant 0 : i32
    %dma_wait3A_353 = tpu.memref_slice %arg7[%dma_wait3A_350, %dma_wait3A_351, %dma_wait3A_352] : memref<2x16x128xi32, #tpu.memory_space<vmem>> -> memref<1x1x128xi32, #tpu.memory_space<vmem>>
    %dma_wait3A_354 = tpu.memref_squeeze %dma_wait3A_353 : memref<1x1x128xi32, #tpu.memory_space<vmem>> -> memref<128xi32, #tpu.memory_space<vmem>>
    %dma_wait3A_355 = arith.constant 0 : i32
    %dma_wait3A_356 = tpu.memref_slice %arg13[%dma_wait3A_355] : memref<10240xf32, #tpu.memory_space<vmem_shared>> -> memref<10240xf32, #tpu.memory_space<vmem_shared>>
    tpu.wait_indirect_dma semaphore(%arg18 : memref<!tpu.dma_semaphore, #tpu.memory_space<semaphore_mem>>) src(%arg10 : memref<128xf32, #tpu.memory_space<vmem>>) dst(%dma_wait3A_356 : memref<10240xf32, #tpu.memory_space<vmem_shared>>)
    %dma_wait3A_357 = arith.constant 0 : i32
    %dma_wait3A_358 = arith.constant 0 : i32
    %dma_wait3A_359 = arith.constant 0 : i32
    %dma_wait3A_360 = tpu.memref_slice %arg7[%dma_wait3A_357, %dma_wait3A_358, %dma_wait3A_359] : memref<2x16x128xi32, #tpu.memory_space<vmem>> -> memref<1x1x128xi32, #tpu.memory_space<vmem>>
    %dma_wait3A_361 = tpu.memref_squeeze %dma_wait3A_360 : memref<1x1x128xi32, #tpu.memory_space<vmem>> -> memref<128xi32, #tpu.memory_space<vmem>>
    %dma_wait3A_362 = arith.constant 0 : i32
    %dma_wait3A_363 = tpu.memref_slice %arg13[%dma_wait3A_362] : memref<10240xf32, #tpu.memory_space<vmem_shared>> -> memref<10240xf32, #tpu.memory_space<vmem_shared>>
    tpu.wait_indirect_dma semaphore(%arg18 : memref<!tpu.dma_semaphore, #tpu.memory_space<semaphore_mem>>) src(%arg10 : memref<128xf32, #tpu.memory_space<vmem>>) dst(%dma_wait3A_363 : memref<10240xf32, #tpu.memory_space<vmem_shared>>)
    %dma_wait3A_364 = arith.constant 0 : i32
    %dma_wait3A_365 = arith.constant 0 : i32
    %dma_wait3A_366 = arith.constant 0 : i32
    %dma_wait3A_367 = tpu.memref_slice %arg7[%dma_wait3A_364, %dma_wait3A_365, %dma_wait3A_366] : memref<2x16x128xi32, #tpu.memory_space<vmem>> -> memref<1x1x128xi32, #tpu.memory_space<vmem>>
    %dma_wait3A_368 = tpu.memref_squeeze %dma_wait3A_367 : memref<1x1x128xi32, #tpu.memory_space<vmem>> -> memref<128xi32, #tpu.memory_space<vmem>>
    %dma_wait3A_369 = arith.constant 0 : i32
    %dma_wait3A_370 = tpu.memref_slice %arg13[%dma_wait3A_369] : memref<10240xf32, #tpu.memory_space<vmem_shared>> -> memref<10240xf32, #tpu.memory_space<vmem_shared>>
    tpu.wait_indirect_dma semaphore(%arg18 : memref<!tpu.dma_semaphore, #tpu.memory_space<semaphore_mem>>) src(%arg10 : memref<128xf32, #tpu.memory_space<vmem>>) dst(%dma_wait3A_370 : memref<10240xf32, #tpu.memory_space<vmem_shared>>)
    %dma_wait3A_371 = arith.constant 0 : i32
    %dma_wait3A_372 = arith.constant 0 : i32
    %dma_wait3A_373 = arith.constant 0 : i32
    %dma_wait3A_374 = tpu.memref_slice %arg7[%dma_wait3A_371, %dma_wait3A_372, %dma_wait3A_373] : memref<2x16x128xi32, #tpu.memory_space<vmem>> -> memref<1x1x128xi32, #tpu.memory_space<vmem>>
    %dma_wait3A_375 = tpu.memref_squeeze %dma_wait3A_374 : memref<1x1x128xi32, #tpu.memory_space<vmem>> -> memref<128xi32, #tpu.memory_space<vmem>>
    %dma_wait3A_376 = arith.constant 0 : i32
    %dma_wait3A_377 = tpu.memref_slice %arg13[%dma_wait3A_376] : memref<10240xf32, #tpu.memory_space<vmem_shared>> -> memref<10240xf32, #tpu.memory_space<vmem_shared>>
    tpu.wait_indirect_dma semaphore(%arg18 : memref<!tpu.dma_semaphore, #tpu.memory_space<semaphore_mem>>) src(%arg10 : memref<128xf32, #tpu.memory_space<vmem>>) dst(%dma_wait3A_377 : memref<10240xf32, #tpu.memory_space<vmem_shared>>)
    %dma_wait3A_378 = arith.constant 0 : i32
    %dma_wait3A_379 = arith.constant 0 : i32
    %dma_wait3A_380 = arith.constant 0 : i32
    %dma_wait3A_381 = tpu.memref_slice %arg7[%dma_wait3A_378, %dma_wait3A_379, %dma_wait3A_380] : memref<2x16x128xi32, #tpu.memory_space<vmem>> -> memref<1x1x128xi32, #tpu.memory_space<vmem>>
    %dma_wait3A_382 = tpu.memref_squeeze %dma_wait3A_381 : memref<1x1x128xi32, #tpu.memory_space<vmem>> -> memref<128xi32, #tpu.memory_space<vmem>>
    %dma_wait3A_383 = arith.constant 0 : i32
    %dma_wait3A_384 = tpu.memref_slice %arg13[%dma_wait3A_383] : memref<10240xf32, #tpu.memory_space<vmem_shared>> -> memref<10240xf32, #tpu.memory_space<vmem_shared>>
    tpu.wait_indirect_dma semaphore(%arg18 : memref<!tpu.dma_semaphore, #tpu.memory_space<semaphore_mem>>) src(%arg10 : memref<128xf32, #tpu.memory_space<vmem>>) dst(%dma_wait3A_384 : memref<10240xf32, #tpu.memory_space<vmem_shared>>)
    %dma_wait3A_385 = arith.constant 0 : i32
    %dma_wait3A_386 = arith.constant 0 : i32
    %dma_wait3A_387 = arith.constant 0 : i32
    %dma_wait3A_388 = tpu.memref_slice %arg7[%dma_wait3A_385, %dma_wait3A_386, %dma_wait3A_387] : memref<2x16x128xi32, #tpu.memory_space<vmem>> -> memref<1x1x128xi32, #tpu.memory_space<vmem>>
    %dma_wait3A_389 = tpu.memref_squeeze %dma_wait3A_388 : memref<1x1x128xi32, #tpu.memory_space<vmem>> -> memref<128xi32, #tpu.memory_space<vmem>>
    %dma_wait3A_390 = arith.constant 0 : i32
    %dma_wait3A_391 = tpu.memref_slice %arg13[%dma_wait3A_390] : memref<10240xf32, #tpu.memory_space<vmem_shared>> -> memref<10240xf32, #tpu.memory_space<vmem_shared>>
    tpu.wait_indirect_dma semaphore(%arg18 : memref<!tpu.dma_semaphore, #tpu.memory_space<semaphore_mem>>) src(%arg10 : memref<128xf32, #tpu.memory_space<vmem>>) dst(%dma_wait3A_391 : memref<10240xf32, #tpu.memory_space<vmem_shared>>)
    %dma_wait3A_392 = arith.constant 0 : i32
    %dma_wait3A_393 = arith.constant 0 : i32
    %dma_wait3A_394 = arith.constant 0 : i32
    %dma_wait3A_395 = tpu.memref_slice %arg7[%dma_wait3A_392, %dma_wait3A_393, %dma_wait3A_394] : memref<2x16x128xi32, #tpu.memory_space<vmem>> -> memref<1x1x128xi32, #tpu.memory_space<vmem>>
    %dma_wait3A_396 = tpu.memref_squeeze %dma_wait3A_395 : memref<1x1x128xi32, #tpu.memory_space<vmem>> -> memref<128xi32, #tpu.memory_space<vmem>>
    %dma_wait3A_397 = arith.constant 0 : i32
    %dma_wait3A_398 = tpu.memref_slice %arg13[%dma_wait3A_397] : memref<10240xf32, #tpu.memory_space<vmem_shared>> -> memref<10240xf32, #tpu.memory_space<vmem_shared>>
    tpu.wait_indirect_dma semaphore(%arg18 : memref<!tpu.dma_semaphore, #tpu.memory_space<semaphore_mem>>) src(%arg10 : memref<128xf32, #tpu.memory_space<vmem>>) dst(%dma_wait3A_398 : memref<10240xf32, #tpu.memory_space<vmem_shared>>)
    %barrier3A_399 = arith.constant 0 : index
    tpu.barrier barrier_id(%barrier3A_399)
    "tpu.region"() ({
      %run_scoped3A_403 = tpu.sem_alloc : memref<!tpu.dma_semaphore, #tpu.memory_space<semaphore_mem>>
      %dma_start3A_404 = arith.constant 0 : i32
      %dma_start3A_405 = tpu.memref_slice %arg4[%arg0, %mul3A_2, %dma_start3A_404] : memref<2x10240x128xf32, #tpu.memory_space<hbm>> -> memref<1x640x128xf32, #tpu.memory_space<hbm>>
      %dma_start3A_406 = tpu.memref_squeeze %dma_start3A_405 : memref<1x640x128xf32, #tpu.memory_space<hbm>> -> memref<640x128xf32, #tpu.memory_space<hbm>>
      %dma_start3A_407 = arith.constant 0 : i32
      %dma_start3A_408 = tpu.memref_slice %arg12[%mul3A_2, %dma_start3A_407] : memref<10240x128xf32, #tpu.memory_space<vmem_shared>> -> memref<640x128xf32, #tpu.memory_space<vmem_shared>>
      tpu.enqueue_dma source(%dma_start3A_408 : memref<640x128xf32, #tpu.memory_space<vmem_shared>>) target(%dma_start3A_406 : memref<640x128xf32, #tpu.memory_space<hbm>>) target_semaphore(%run_scoped3A_403 : memref<!tpu.dma_semaphore, #tpu.memory_space<semaphore_mem>>)
      %dma_wait3A_409 = arith.constant 0 : i32
      %dma_wait3A_410 = tpu.memref_slice %arg4[%arg0, %mul3A_2, %dma_wait3A_409] : memref<2x10240x128xf32, #tpu.memory_space<hbm>> -> memref<1x640x128xf32, #tpu.memory_space<hbm>>
      %dma_wait3A_411 = tpu.memref_squeeze %dma_wait3A_410 : memref<1x640x128xf32, #tpu.memory_space<hbm>> -> memref<640x128xf32, #tpu.memory_space<hbm>>
      %dma_wait3A_412 = arith.constant 0 : i32
      %dma_wait3A_413 = tpu.memref_slice %arg12[%mul3A_2, %dma_wait3A_412] : memref<10240x128xf32, #tpu.memory_space<vmem_shared>> -> memref<640x128xf32, #tpu.memory_space<vmem_shared>>
      tpu.wait_dma2 semaphore(%run_scoped3A_403 : memref<!tpu.dma_semaphore, #tpu.memory_space<semaphore_mem>>) src(%dma_wait3A_413 : memref<640x128xf32, #tpu.memory_space<vmem_shared>>) dst(%dma_wait3A_411 : memref<640x128xf32, #tpu.memory_space<hbm>>)
      tpu.yield
    }) : () -> ()
    %mul3A_400 = arith.constant 10240 : i32
    %mul3A_401 = arith.muli %arg0, %mul3A_400 : i32
    %add3A_402 = arith.addi %mul3A_401, %mul3A_2 : i32
    "tpu.region"() ({
      %run_scoped3A_403 = tpu.sem_alloc : memref<!tpu.dma_semaphore, #tpu.memory_space<semaphore_mem>>
      %dma_start3A_404 = tpu.memref_slice %arg5[%add3A_402] : memref<20480xf32, #tpu.memory_space<hbm>> -> memref<640xf32, #tpu.memory_space<hbm>>
      %dma_start3A_405 = tpu.memref_slice %arg13[%mul3A_2] : memref<10240xf32, #tpu.memory_space<vmem_shared>> -> memref<640xf32, #tpu.memory_space<vmem_shared>>
      tpu.enqueue_dma source(%dma_start3A_405 : memref<640xf32, #tpu.memory_space<vmem_shared>>) target(%dma_start3A_404 : memref<640xf32, #tpu.memory_space<hbm>>) target_semaphore(%run_scoped3A_403 : memref<!tpu.dma_semaphore, #tpu.memory_space<semaphore_mem>>)
      %dma_wait3A_406 = tpu.memref_slice %arg5[%add3A_402] : memref<20480xf32, #tpu.memory_space<hbm>> -> memref<640xf32, #tpu.memory_space<hbm>>
      %dma_wait3A_407 = tpu.memref_slice %arg13[%mul3A_2] : memref<10240xf32, #tpu.memory_space<vmem_shared>> -> memref<640xf32, #tpu.memory_space<vmem_shared>>
      tpu.wait_dma2 semaphore(%run_scoped3A_403 : memref<!tpu.dma_semaphore, #tpu.memory_space<semaphore_mem>>) src(%dma_wait3A_407 : memref<640xf32, #tpu.memory_space<vmem_shared>>) dst(%dma_wait3A_406 : memref<640xf32, #tpu.memory_space<hbm>>)
      tpu.yield
    }) : () -> ()
    return
  }
}

module attributes {stable_mosaic.version = 14 : i64} {
  func.func @body(%arg0: memref<2x2500x128xi32, #tpu.memory_space<vmem>>, %arg1: memref<2x2560x128xi32, #tpu.memory_space<vmem>>) attributes {dimension_semantics = [], scalar_prefetch = 0 : i64, scratch_operands = 0 : i64, tpu.core_type = #tpu.core_type<tc>} {
    %get3A = arith.constant 0 : index
    %get3A_0 = arith.constant 0 : index
    %get3A_1 = arith.constant 0 : index
    %get3A_2 = vector.load %arg0[%get3A, %get3A_0, %get3A_1] : memref<2x2500x128xi32, #tpu.memory_space<vmem>>, vector<2x2500x128xi32>
    %swap3A = arith.constant 0 : index
    %swap3A_3 = arith.constant 0 : index
    %swap3A_4 = arith.constant 0 : index
    %swap3A_5 = vector.load %arg1[%swap3A, %swap3A_3, %swap3A_4] : memref<2x2560x128xi32, #tpu.memory_space<vmem>>, vector<2x2500x128xi32>
    tpu.vector_store %arg1[%swap3A, %swap3A_3, %swap3A_4], %get3A_2 {strides = array<i32>} : memref<2x2560x128xi32, #tpu.memory_space<vmem>>, vector<2x2500x128xi32>,
    %broadcast_in_dim3A = arith.constant 0 : i32
    %broadcast_in_dim3A_6 = vector.broadcast %broadcast_in_dim3A : i32 to vector<1x60x128xi32>
    %swap3A_7 = arith.constant 0 : index
    %swap3A_8 = arith.constant 2500 : index
    %swap3A_9 = arith.constant 0 : index
    %swap3A_10 = vector.load %arg1[%swap3A_7, %swap3A_8, %swap3A_9] : memref<2x2560x128xi32, #tpu.memory_space<vmem>>, vector<1x60x128xi32>
    tpu.vector_store %arg1[%swap3A_7, %swap3A_8, %swap3A_9], %broadcast_in_dim3A_6 {strides = array<i32>} : memref<2x2560x128xi32, #tpu.memory_space<vmem>>, vector<1x60x128xi32>,
    %broadcast_in_dim3A_11 = arith.constant 10239 : i32
    %broadcast_in_dim3A_12 = vector.broadcast %broadcast_in_dim3A_11 : i32 to vector<1x60x128xi32>
    %swap3A_13 = arith.constant 1 : index
    %swap3A_14 = arith.constant 2500 : index
    %swap3A_15 = arith.constant 0 : index
    %swap3A_16 = vector.load %arg1[%swap3A_13, %swap3A_14, %swap3A_15] : memref<2x2560x128xi32, #tpu.memory_space<vmem>>, vector<1x60x128xi32>
    tpu.vector_store %arg1[%swap3A_13, %swap3A_14, %swap3A_15], %broadcast_in_dim3A_12 {strides = array<i32>} : memref<2x2560x128xi32, #tpu.memory_space<vmem>>, vector<1x60x128xi32>,
    return
  }
}

module attributes {stable_mosaic.version = 14 : i64} {
  func.func @_dense_r_body(%arg0: i32, %arg1: memref<400x128xf32, #tpu.memory_space<vmem>>, %arg2: memref<128x128xf32, #tpu.memory_space<vmem>>, %arg3: memref<1x128xf32, #tpu.memory_space<vmem>>, %arg4: memref<400x128xf32, #tpu.memory_space<vmem>>) attributes {dimension_semantics = [#tpu.dimension_semantics<arbitrary>], iteration_bounds = array<i64: 25>, scalar_prefetch = 0 : i64, scratch_operands = 0 : i64, tpu.core_type = #tpu.core_type<tc>, window_params = [{transform_indices = @transform_0, window_bounds = array<i64: 400, 128>}, {pipeline_mode = #tpu.pipeline_mode<synchronous>, transform_indices = @transform_1, window_bounds = array<i64: 128, 128>}, {pipeline_mode = #tpu.pipeline_mode<synchronous>, transform_indices = @transform_2, window_bounds = array<i64: 1, 128>}, {transform_indices = @transform_3, window_bounds = array<i64: 400, 128>}]} {
    %get3A = arith.constant 0 : index
    %get3A_0 = arith.constant 0 : index
    %get3A_1 = vector.load %arg1[%get3A, %get3A_0] : memref<400x128xf32, #tpu.memory_space<vmem>>, vector<400x128xf32>
    %get3A_2 = arith.constant 0 : index
    %get3A_3 = arith.constant 0 : index
    %get3A_4 = vector.load %arg2[%get3A_2, %get3A_3] : memref<128x128xf32, #tpu.memory_space<vmem>>, vector<128x128xf32>
    %dot_general3A = arith.constant dense<0.000000e+00> : vector<400x128xf32>
    %dot_general3A_5 = tpu.matmul %get3A_1, %get3A_4, %dot_general3A {dimension_numbers = #tpu.dot_dimension_numbers<[1], [1], [0], [0], [0, 0, 1, 0], [], []>, transpose_lhs_hint = false} : vector<400x128xf32>, vector<128x128xf32>, vector<400x128xf32> -> vector<400x128xf32>
    %get3A_6 = arith.constant 0 : index
    %get3A_7 = arith.constant 0 : index
    %get3A_8 = vector.load %arg3[%get3A_6, %get3A_7] : memref<1x128xf32, #tpu.memory_space<vmem>>, vector<1x128xf32>
    %add3A = vector.broadcast %get3A_8 : vector<1x128xf32> to vector<400x128xf32>
    %add3A_9 = arith.addf %dot_general3A_5, %add3A : vector<400x128xf32>
    %swap3A = arith.constant 0 : index
    %swap3A_10 = arith.constant 0 : index
    %swap3A_11 = vector.load %arg4[%swap3A, %swap3A_10] : memref<400x128xf32, #tpu.memory_space<vmem>>, vector<400x128xf32>
    tpu.vector_store %arg4[%swap3A, %swap3A_10], %add3A_9 {strides = array<i32>} : memref<400x128xf32, #tpu.memory_space<vmem>>, vector<400x128xf32>,
    return
  }
  func.func @transform_0(%arg0: i32) -> (i32, i32) {
    %c0_i32 = arith.constant 0 : i32
    %c0_i32_0 = arith.constant 0 : i32
    return %arg0, %c0_i32 : i32, i32
  }
  func.func @transform_1(%arg0: i32) -> (i32, i32) {
    %c0_i32 = arith.constant 0 : i32
    %c0_i32_0 = arith.constant 0 : i32
    %c0_i32_1 = arith.constant 0 : i32
    return %c0_i32, %c0_i32_0 : i32, i32
  }
  func.func @transform_2(%arg0: i32) -> (i32, i32) {
    %c0_i32 = arith.constant 0 : i32
    %c0_i32_0 = arith.constant 0 : i32
    %c0_i32_1 = arith.constant 0 : i32
    return %c0_i32, %c0_i32_0 : i32, i32
  }
  func.func @transform_3(%arg0: i32) -> (i32, i32) {
    %c0_i32 = arith.constant 0 : i32
    %c0_i32_0 = arith.constant 0 : i32
    return %arg0, %c0_i32 : i32, i32
  }
}

module attributes {stable_mosaic.version = 14 : i64} {
  func.func @_dense_body(%arg0: i32, %arg1: memref<2x400x128xf32, #tpu.memory_space<vmem>>, %arg2: memref<2x400x1xf32, #tpu.memory_space<vmem>>, %arg3: memref<400x128xf32, #tpu.memory_space<vmem>>, %arg4: memref<400x128xf32, #tpu.memory_space<vmem>>, %arg5: memref<128x128xf32, #tpu.memory_space<vmem>>, %arg6: memref<1x128xf32, #tpu.memory_space<vmem>>, %arg7: memref<1x128xf32, #tpu.memory_space<vmem>>, %arg8: memref<400x128xf32, #tpu.memory_space<vmem>>) attributes {dimension_semantics = [#tpu.dimension_semantics<arbitrary>], iteration_bounds = array<i64: 25>, scalar_prefetch = 0 : i64, scratch_operands = 0 : i64, tpu.core_type = #tpu.core_type<tc>, window_params = [{transform_indices = @transform_0, window_bounds = array<i64: 2, 400, 128>}, {transform_indices = @transform_1, window_bounds = array<i64: 2, 400, 1>}, {transform_indices = @transform_2, window_bounds = array<i64: 400, 128>}, {transform_indices = @transform_3, window_bounds = array<i64: 400, 128>}, {pipeline_mode = #tpu.pipeline_mode<synchronous>, transform_indices = @transform_4, window_bounds = array<i64: 128, 128>}, {pipeline_mode = #tpu.pipeline_mode<synchronous>, transform_indices = @transform_5, window_bounds = array<i64: 1, 128>}, {pipeline_mode = #tpu.pipeline_mode<synchronous>, transform_indices = @transform_6, window_bounds = array<i64: 1, 128>}, {transform_indices = @transform_7, window_bounds = array<i64: 400, 128>}]} {
    %get3A = arith.constant 0 : index
    %get3A_0 = arith.constant 0 : index
    %get3A_1 = arith.constant 0 : index
    %get3A_2 = vector.load %arg1[%get3A, %get3A_0, %get3A_1] : memref<2x400x128xf32, #tpu.memory_space<vmem>>, vector<1x400x128xf32>
    %get3A_3 = vector.shape_cast %get3A_2 : vector<1x400x128xf32> to vector<400x128xf32>
    %get3A_4 = arith.constant 1 : index
    %get3A_5 = arith.constant 0 : index
    %get3A_6 = arith.constant 0 : index
    %get3A_7 = vector.load %arg1[%get3A_4, %get3A_5, %get3A_6] : memref<2x400x128xf32, #tpu.memory_space<vmem>>, vector<1x400x128xf32>
    %get3A_8 = vector.shape_cast %get3A_7 : vector<1x400x128xf32> to vector<400x128xf32>
    %add3A = arith.addf %get3A_3, %get3A_8 : vector<400x128xf32>
    %get3A_9 = arith.constant 0 : index
    %get3A_10 = arith.constant 0 : index
    %get3A_11 = arith.constant 0 : index
    %get3A_12 = vector.load %arg2[%get3A_9, %get3A_10, %get3A_11] : memref<2x400x1xf32, #tpu.memory_space<vmem>>, vector<1x400x1xf32>
    %get3A_13 = vector.shape_cast %get3A_12 : vector<1x400x1xf32> to vector<400x1xf32>
    %get3A_14 = arith.constant 1 : index
    %get3A_15 = arith.constant 0 : index
    %get3A_16 = arith.constant 0 : index
    %get3A_17 = vector.load %arg2[%get3A_14, %get3A_15, %get3A_16] : memref<2x400x1xf32, #tpu.memory_space<vmem>>, vector<1x400x1xf32>
    %get3A_18 = vector.shape_cast %get3A_17 : vector<1x400x1xf32> to vector<400x1xf32>
    %add3A_19 = arith.addf %get3A_13, %get3A_18 : vector<400x1xf32>
    %max3A = arith.constant 1.000000e+00 : f32
    %max3A_20 = vector.broadcast %max3A : f32 to vector<400x1xf32>
    %max3A_21 = arith.maximumf %add3A_19, %max3A_20 : vector<400x1xf32>
    %div3A = vector.broadcast %max3A_21 : vector<400x1xf32> to vector<400x128xf32>
    %div3A_22 = arith.divf %add3A, %div3A : vector<400x128xf32>
    %get3A_23 = arith.constant 0 : index
    %get3A_24 = arith.constant 0 : index
    %get3A_25 = vector.load %arg4[%get3A_23, %get3A_24] : memref<400x128xf32, #tpu.memory_space<vmem>>, vector<400x128xf32>
    %get3A_26 = arith.constant 0 : index
    %get3A_27 = arith.constant 0 : index
    %get3A_28 = vector.load %arg5[%get3A_26, %get3A_27] : memref<128x128xf32, #tpu.memory_space<vmem>>, vector<128x128xf32>
    %dot_general3A = arith.constant dense<0.000000e+00> : vector<400x128xf32>
    %dot_general3A_29 = tpu.matmul %div3A_22, %get3A_28, %dot_general3A {dimension_numbers = #tpu.dot_dimension_numbers<[1], [1], [0], [0], [0, 0, 1, 0], [], []>, transpose_lhs_hint = false} : vector<400x128xf32>, vector<128x128xf32>, vector<400x128xf32> -> vector<400x128xf32>
    %get3A_30 = arith.constant 0 : index
    %get3A_31 = arith.constant 0 : index
    %get3A_32 = vector.load %arg3[%get3A_30, %get3A_31] : memref<400x128xf32, #tpu.memory_space<vmem>>, vector<400x128xf32>
    %add3A_33 = arith.addf %dot_general3A_29, %get3A_32 : vector<400x128xf32>
    %mul3A = arith.constant 5.000000e-01 : f32
    %mul3A_34 = vector.broadcast %mul3A : f32 to vector<400x128xf32>
    %mul3A_35 = arith.mulf %mul3A_34, %add3A_33 : vector<400x128xf32>
    %mul3A_36 = arith.constant 0.707106769 : f32
    %mul3A_37 = vector.broadcast %mul3A_36 : f32 to vector<400x128xf32>
    %mul3A_38 = arith.mulf %add3A_33, %mul3A_37 : vector<400x128xf32>
    %erf3A = math.erf %mul3A_38 : vector<400x128xf32>
    %add3A_39 = arith.constant 1.000000e+00 : f32
    %add3A_40 = vector.broadcast %add3A_39 : f32 to vector<400x128xf32>
    %add3A_41 = arith.addf %add3A_40, %erf3A : vector<400x128xf32>
    %mul3A_42 = arith.mulf %mul3A_35, %add3A_41 : vector<400x128xf32>
    %reduce_sum3A = arith.constant dense<0.000000e+00> : vector<400xf32>
    %reduce_sum3A_43 = vector.multi_reduction <add>, %mul3A_42, %reduce_sum3A [1] : vector<400x128xf32> to vector<400xf32>
    %broadcast_in_dim3A = vector.shape_cast %reduce_sum3A_43 : vector<400xf32> to vector<400x1xf32>
    %div3A_44 = arith.constant 1.280000e+02 : f32
    %div3A_45 = vector.broadcast %div3A_44 : f32 to vector<400x1xf32>
    %div3A_46 = arith.divf %broadcast_in_dim3A, %div3A_45 : vector<400x1xf32>
    %sub3A = vector.broadcast %div3A_46 : vector<400x1xf32> to vector<400x128xf32>
    %sub3A_47 = arith.subf %mul3A_42, %sub3A : vector<400x128xf32>
    %mul3A_48 = arith.mulf %sub3A_47, %sub3A_47 : vector<400x128xf32>
    %reduce_sum3A_49 = arith.constant dense<0.000000e+00> : vector<400xf32>
    %reduce_sum3A_50 = vector.multi_reduction <add>, %mul3A_48, %reduce_sum3A_49 [1] : vector<400x128xf32> to vector<400xf32>
    %broadcast_in_dim3A_51 = vector.shape_cast %reduce_sum3A_50 : vector<400xf32> to vector<400x1xf32>
    %div3A_52 = arith.constant 1.280000e+02 : f32
    %div3A_53 = vector.broadcast %div3A_52 : f32 to vector<400x1xf32>
    %div3A_54 = arith.divf %broadcast_in_dim3A_51, %div3A_53 : vector<400x1xf32>
    %add3A_55 = arith.constant 9.99999974E-6 : f32
    %add3A_56 = vector.broadcast %add3A_55 : f32 to vector<400x1xf32>
    %add3A_57 = arith.addf %div3A_54, %add3A_56 : vector<400x1xf32>
    %rsqrt3A = math.rsqrt %add3A_57 : vector<400x1xf32>
    %mul3A_58 = vector.broadcast %rsqrt3A : vector<400x1xf32> to vector<400x128xf32>
    %mul3A_59 = arith.mulf %sub3A_47, %mul3A_58 : vector<400x128xf32>
    %get3A_60 = arith.constant 0 : index
    %get3A_61 = arith.constant 0 : index
    %get3A_62 = vector.load %arg6[%get3A_60, %get3A_61] : memref<1x128xf32, #tpu.memory_space<vmem>>, vector<1x128xf32>
    %mul3A_63 = vector.broadcast %get3A_62 : vector<1x128xf32> to vector<400x128xf32>
    %mul3A_64 = arith.mulf %mul3A_59, %mul3A_63 : vector<400x128xf32>
    %get3A_65 = arith.constant 0 : index
    %get3A_66 = arith.constant 0 : index
    %get3A_67 = vector.load %arg7[%get3A_65, %get3A_66] : memref<1x128xf32, #tpu.memory_space<vmem>>, vector<1x128xf32>
    %add3A_68 = vector.broadcast %get3A_67 : vector<1x128xf32> to vector<400x128xf32>
    %add3A_69 = arith.addf %mul3A_64, %add3A_68 : vector<400x128xf32>
    %add3A_70 = arith.addf %add3A_69, %get3A_25 : vector<400x128xf32>
    %swap3A = arith.constant 0 : index
    %swap3A_71 = arith.constant 0 : index
    %swap3A_72 = vector.load %arg8[%swap3A, %swap3A_71] : memref<400x128xf32, #tpu.memory_space<vmem>>, vector<400x128xf32>
    tpu.vector_store %arg8[%swap3A, %swap3A_71], %add3A_70 {strides = array<i32>} : memref<400x128xf32, #tpu.memory_space<vmem>>, vector<400x128xf32>,
    return
  }
  func.func @transform_0(%arg0: i32) -> (i32, i32, i32) {
    %c0_i32 = arith.constant 0 : i32
    %c0_i32_0 = arith.constant 0 : i32
    %c0_i32_1 = arith.constant 0 : i32
    return %c0_i32, %arg0, %c0_i32_0 : i32, i32, i32
  }
  func.func @transform_1(%arg0: i32) -> (i32, i32, i32) {
    %c0_i32 = arith.constant 0 : i32
    %c0_i32_0 = arith.constant 0 : i32
    %c0_i32_1 = arith.constant 0 : i32
    return %c0_i32, %arg0, %c0_i32_0 : i32, i32, i32
  }
  func.func @transform_2(%arg0: i32) -> (i32, i32) {
    %c0_i32 = arith.constant 0 : i32
    %c0_i32_0 = arith.constant 0 : i32
    return %arg0, %c0_i32 : i32, i32
  }
  func.func @transform_3(%arg0: i32) -> (i32, i32) {
    %c0_i32 = arith.constant 0 : i32
    %c0_i32_0 = arith.constant 0 : i32
    return %arg0, %c0_i32 : i32, i32
  }
  func.func @transform_4(%arg0: i32) -> (i32, i32) {
    %c0_i32 = arith.constant 0 : i32
    %c0_i32_0 = arith.constant 0 : i32
    %c0_i32_1 = arith.constant 0 : i32
    return %c0_i32, %c0_i32_0 : i32, i32
  }
  func.func @transform_5(%arg0: i32) -> (i32, i32) {
    %c0_i32 = arith.constant 0 : i32
    %c0_i32_0 = arith.constant 0 : i32
    %c0_i32_1 = arith.constant 0 : i32
    return %c0_i32, %c0_i32_0 : i32, i32
  }
  func.func @transform_6(%arg0: i32) -> (i32, i32) {
    %c0_i32 = arith.constant 0 : i32
    %c0_i32_0 = arith.constant 0 : i32
    %c0_i32_1 = arith.constant 0 : i32
    return %c0_i32, %c0_i32_0 : i32, i32
  }
  func.func @transform_7(%arg0: i32) -> (i32, i32) {
    %c0_i32 = arith.constant 0 : i32
    %c0_i32_0 = arith.constant 0 : i32
    return %arg0, %c0_i32 : i32, i32
  }
}

</mosaic_0001>

<sc_bundles>
// kernel: kernel.6.cloned.1.call-start
scs
__scs_entry_jumppad:
0x0: {  	(pc) =	sbr.rel $0x88, $3  }
0x1: {  	(tag) =	ssettag $0x0;
	lr =	simm.s32 $0x1  }
0x2: {  	[smem:$0x3F9A] =	sst lr;
	_ =	strace $0xD0000000  }
0x3: {  	_ = 	snop  }
0x4: {  	_ = 	snop  }
0x5: {  	_ = 	snop  }
0x6: {  	_ = 	snop  }
0x7: {  	_ = 	snop  }
__scs_overlays_trampoline_lowered:
0x8: {  	[smem:$0x3FA9] =	sst s0  }
0x9: {  	[smem:$0x3FAA] =	sst s1  }
0xa: {  	[smem:$0x3FAB] =	sst s2  }
0xb: {  	[smem:$0x3FAC] =	sst s3  }
0xc: {  	[smem:$0x3FAD] =	sst s4  }
0xd: {  	[smem:$0x3FAE] =	sst s5  }
0xe: {  	[smem:$0x3FAF] =	sst s6  }
0xf: {  	[smem:$0x3FB0] =	sst s7  }
0x10: {  	[smem:$0x3FB1] =	sst s8  }
0x11: {  	[smem:$0x3FB2] =	sst s9;
	s0 =	simm.s32 @!p0 $0x0  }
0x12: {  	s1 =	sld [smem:$0x3F98];
	s0 =	simm.s32 @p0 $0x1  }
0x13: {  	[smem:$0x3FB3] =	sst s0;
	s0 =	simm.s32 @!p1 $0x0  }
0x14: {  	s2 =	sld [smem:$0x3F97];
	s0 =	simm.s32 @p1 $0x1  }
0x15: {  	[smem:$0x3FB4] =	sst s0;
	s0 =	simm.s32 @!p2 $0x0  }
0x16: {  	s3 =	sld [smem:$0x3FDB];
	s0 =	simm.s32 @p2 $0x1  }
0x17: {  	s4 =	simm.s32 $0x1BF5;
	[smem:$0x3FB6] =	sst s0  }
0x18: {  	s0 =	sld [smem:$0x3F99];
	_ =	swait.ge [sflag:s4], $0x0  }
0x19: {  	s7 =	sld [smem:$0x3F9A]  }
0x1a: {  	s8 =	sadd.s32 $0xFFFFE003, lr  }
0x1b: {  	s9 =	sadd.s32 $0xFFFFFEF7, lr;
	s5 =	simm.s32 $0xFFFFFFFF;
	p2 =	slt.u32 s8, $0xFFFFF086  }
0x1c: {  	p1 =	slt.u32 s9, $0xF7A;
	s5 =	simm.s32 @!p2 $0x0  }
0x1d: {  	s5 =	simm.s32 @p1 $0x1;
	p0 =	seq.s32 s7, s2  }
0x1e: {  	s7 =	smul.u32 @!p0 $0xF7A, s2;
	p2 =	seq.s32 @!p0 s5, $0x0  }
0x1f: {  	s9 =	smul.u32 $0xF7A, s1;
	s8 =	simm.s32 @!p0 $0x1BF5;
	p2 =	por !p2, p0  }
0x20: {  	[sflag:s8] =	ssyncset.s32 @!p0 $0xFFFFF086;
	s6 =	sadd.s32 @!p0 s3, s7;
	s7 =	simm.s32 @!p0 $0x108  }
0x21: {  	s3 =	sadd.s32 s3, s9;
	s6 =	sadd.s32 @!p0 $0x88, s6;
	s7 =	simm.s32 @p2 $0x1082  }
0x22: {  	[simem:s7], [sflag:s8] =	dma.local @!p0 [hbm:s6], $0xF7A  }
0x23: {  	s9 =	sor.u32 $0xD0000000, s2;
	s6 =	simm.s32 $0x108;
	_ =	swait.ge @!p0 [sflag:s8], $0x0  }
0x24: {  	s3 =	sadd.s32 $0x88, s3;
	s6 =	simm.s32 @!p1 $0x1082;
	[sflag:s4] =	ssyncset.s32 $0xFFFFF086  }
0x25: {  	[simem:s6], [sflag:s4] =	dma.local [hbm:s3], $0xF7A  }
0x26: {  	[smem:$0x3F9A] =	sst s1;
	(tag) =	ssettag s2;
	_ =	strace s9  }
0x27: {  	s1 =	sld [smem:$0x3FAA]  }
0x28: {  	s2 =	sld [smem:$0x3FAB]  }
0x29: {  	s4 =	sld [smem:$0x3FAD]  }
0x2a: {  	p0 =	seq.s32 s5, $0x0;
	s5 =	sld [smem:$0x3FAE]  }
0x2b: {  	s6 =	sld [smem:$0x3FAF]  }
0x2c: {  	s7 =	sld [smem:$0x3FB0]  }
0x2d: {  	s3 =	simm.s32 $0x108;
	s8 =	sld [smem:$0x3FB1]  }
0x2e: {  	s3 =	simm.s32 @!p0 $0x1082;
	s9 =	sld [smem:$0x3FB2]  }
0x2f: {  	lr =	sadd.s32 s0, s3;
	s0 =	sld [smem:$0x3FA9]  }
0x30: {  	s3 =	sld [smem:$0x3FAC]  }
0x31: {  	[smem:$0x3FB5] =	sst s10  }
0x32: {  	s10 =	sld [smem:$0x3FB3];
	_ =	sdelay $0x3  }
0x33: {  	p0 =	seq.s32 s10, $0x1;
	s10 =	sld [smem:$0x3FB5];
	_ =	sdelay $0x3  }
0x34: {  	[smem:$0x3FB5] =	sst s10  }
0x35: {  	s10 =	sld [smem:$0x3FB4];
	_ =	sdelay $0x3  }
0x36: {  	p1 =	seq.s32 s10, $0x1;
	s10 =	sld [smem:$0x3FB5];
	_ =	sdelay $0x3  }
0x37: {  	[smem:$0x3FB5] =	sst s10  }
0x38: {  	s10 =	sld [smem:$0x3FB6]  }
0x39: {  	_ = 	snop;
	(pc) =	sbr.ind lr, $3  }
0x3a: {  	_ = 	snop  }
0x3b: {  	_ = 	snop  }
0x3c: {  	p2 =	seq.s32 s10, $0x1;
	s10 =	sld [smem:$0x3FB5]  }
0x3d: {  	_ =	shalt  }
0x3e: {  	_ =	shalt  }
0x3f: {  	_ =	shalt  }
0x40: {  	_ =	shalt  }
0x41: {  	_ =	shalt  }
0x42: {  	_ =	shalt  }
0x43: {  	_ =	shalt  }
0x44: {  	_ =	shalt  }
0x45: {  	_ =	shalt  }
0x46: {  	_ =	shalt  }
0x47: {  	_ =	shalt  }
0x48: {  	_ =	shalt  }
0x49: {  	_ =	shalt  }
0x4a: {  	_ =	shalt  }
0x4b: {  	_ =	shalt  }
0x4c: {  	_ =	shalt  }
0x4d: {  	_ =	shalt  }
0x4e: {  	_ =	shalt  }
0x4f: {  	_ =	shalt  }
0x50: {  	_ =	shalt  }
0x51: {  	_ =	shalt  }
0x52: {  	_ =	shalt  }
0x53: {  	_ =	shalt  }
0x54: {  	_ =	shalt  }
0x55: {  	_ =	shalt  }
0x56: {  	_ =	shalt  }
0x57: {  	_ =	shalt  }
0x58: {  	_ =	shalt  }
0x59: {  	_ =	shalt  }
0x5a: {  	_ =	shalt  }
0x5b: {  	_ =	shalt  }
0x5c: {  	_ =	shalt  }
0x5d: {  	_ =	shalt  }
0x5e: {  	_ =	shalt  }
0x5f: {  	_ =	shalt  }
0x60: {  	_ =	shalt  }
0x61: {  	_ =	shalt  }
0x62: {  	_ =	shalt  }
0x63: {  	_ =	shalt  }
0x64: {  	_ =	shalt  }
0x65: {  	_ =	shalt  }
0x66: {  	_ =	shalt  }
0x67: {  	_ =	shalt  }
0x68: {  	_ =	shalt  }
0x69: {  	_ =	shalt  }
0x6a: {  	_ =	shalt  }
0x6b: {  	_ =	shalt  }
0x6c: {  	_ =	shalt  }
0x6d: {  	_ =	shalt  }
0x6e: {  	_ =	shalt  }
0x6f: {  	_ =	shalt  }
0x70: {  	_ =	shalt  }
0x71: {  	_ =	shalt  }
0x72: {  	_ =	shalt  }
0x73: {  	_ =	shalt  }
0x74: {  	_ =	shalt  }
0x75: {  	_ =	shalt  }
0x76: {  	_ =	shalt  }
0x77: {  	_ =	shalt  }
0x78: {  	_ =	shalt  }
0x79: {  	_ =	shalt  }
0x7a: {  	_ =	shalt  }
0x7b: {  	_ =	shalt  }
0x7c: {  	_ =	shalt  }
0x7d: {  	_ =	shalt  }
0x7e: {  	_ =	shalt  }
0x7f: {  	_ =	shalt  }
0x80: {  	_ =	shalt  }
0x81: {  	_ =	shalt  }
0x82: {  	_ =	shalt  }
0x83: {  	_ =	shalt  }
0x84: {  	_ =	shalt  }
0x85: {  	_ =	shalt  }
0x86: {  	_ =	shalt  }
0x87: {  	_ =	shalt  }
.Lfunc_end0:
.L_simem_size_0:
called_computation_lowered:
.L_overlay_start_0:
0x88: {  	s2 =	sld [smem:$0x3FD9]  }
0x89: {  	s3 =	sld [smem:$0x3FFE];
	_ =	sdelay $0x1  }
0x8a: {  	s1 =	srdreg.scid  }
0x8b: {  	s0 =	sand.u32 $0x1, s1  }
0x8c: {  	s17 =	sshll.u32 s0, $0xA;
	s2 =	sadd.s32 s3, s2  }
0x8d: {  	s2 =	sadd.s32 s2, s17  }
0x8e: {  	[smem:$0x3FC1] =	sst s2  }
0x8f: {  	_ = 	snop  }
0x90: {  	s2 =	sld [smem:$0x3FC9]  }
0x91: {  	s18 =	sld [smem:$0x3FD0];
	(tm) =	ssettm $0x1  }
0x92: {  	s4 =	sld [smem:$0x3FFB];
	_ =	sdelay $0x3  }
0x93: {  	_ =	strace s4  }
0x94: {  	s4 =	sld [smem:$0x3FFC];
	_ =	sdelay $0x3  }
0x95: {  	_ =	strace s4  }
0x96: {  	s4 =	sld [smem:$0x3FFD];
	_ =	sdelay $0x3  }
0x97: {  	_ =	strace s4  }
0x98: {  	_ =	strace $0x8FFFFFFF  }
0x99: {  	s19 =	sld [smem:$0x3FDB];
	_ =	sdelay $0x1  }
0x9a: {  	s5 =	simm.s32 $_scs_section_size  }
0x9b: {  	s6 =	simm.s32 $_size__tile_overlayer_lowered;
	s7 =	simm.s32 $_tile_overlayer_lowered  }
0x9c: {  	s22 =	simm.s32 $0x1BFF;
	s21 =	sshll.u32 s7, $0x1;
	s4 =	sadd.s32 s5, s19  }
0x9d: {  	s8 =	simm.s32 $0x0;
	s20 =	sshll.u32 s6, $0x1;
	s6 =	sadd.s32 s21, s4  }
0x9e: {  	[timem:s8], [sflag:s22] =	dma.local [hbm:s6], s20  }
0x9f: {  	_ =	swait.ge [sflag:s22], s20  }
0xa0: {  	s5 =	ssub.s32 $0x0, s20;
	[sflag:s22] =	ssyncset.done $0x0  }
0xa1: {  	[sflag:s22] =	ssyncadd.s32 s5;
	_ =	sdelay $0x1  }
0xa2: {  	s23 =	simm.s32 $0x1B8B  }
0xa3: {  	_ =	swait.ge [sflag:s23], $0x1  }
0xa4: {  	[sflag:s23] =	ssyncset.done $0x0  }
0xa5: {  	s25 =	simm.s32 $0x1B8E;
	s24 =	sld [smem:$0x3FFE];
	[sflag:s23] =	ssyncadd.s32 $0xFFFFFFFF  }
0xa6: {  	s26 =	simm.s32 $execute0_lowered;
	[smem:$0x3FD2] =	sst s25  }
0xa7: {  	s6 =	sshll.u32 s26, $0x1;
	_ =	strace $0x80000046;
	[dreg:$0x1] =	wrdreg $0xFFFFFFFF  }
0xa8: {  	s28 =	simm.s32 $_size_execute0_lowered;
	s4 =	sadd.s32 s4, s6;
	[dreg:$0x0] =	wrdreg $0x0  }
0xa9: {  	s6 =	sshll.u32 s28, $0x1;
	[dreg:$0x2] =	wrdreg s4  }
0xaa: {  	[dreg:$0x3] =	wrdreg s6  }
0xab: {  	[dreg:$0x4] =	wrdreg $0xC0  }
0xac: {  	_ =	task [dreg:s8], $0x5FFFF  }
0xad: {  	[dreg:$0x1] =	wrdreg $0xFFFFFFFF  }
0xae: {  	[dreg:$0x0] =	wrdreg $0x60  }
0xaf: {  	[dreg:$0x2] =	wrdreg s2  }
0xb0: {  	[dreg:$0x3] =	wrdreg s18  }
0xb1: {  	[dreg:$0x4] =	wrdreg s24  }
0xb2: {  	[dreg:$0x5] =	wrdreg $0xA3000  }
0xb3: {  	[dreg:$0x6] =	wrdreg $0x1E3000  }
0xb4: {  	[dreg:$0x7] =	wrdreg $0x9  }
0xb5: {  	_ =	task.clear_ibuf [dreg:s8], $0x8FFFF;
	_ =	strace $0x90000046  }
0xb6: {  	s29 =	simm.s32 $0x9;
	_ =	strace $0x80000048  }
0xb7: {  	_ =	swait.ge [sflag:s29], $0x1  }
0xb8: {  	[sflag:s29] =	ssyncadd.s32 $0xFFFFFFFF  }
0xb9: {  	_ =	strace $0x90000048  }
0xba: {  	_ =	sfence  }
0xbb: {  	s30 =	sld [smem:$0x0];
	_ =	sdelay $0x2  }
0xbc: {  	s31 =	sshll.u32 s1, $0xD;
	s1 =	sshrl.u32 s1, $0x2  }
0xbd: {  	s3 =	sand.u32 $0x4000, s31;
	s1 =	sadd.s32 s1, s30  }
0xbe: {  	s0 =	sor.u32 s3, s0;
	s1 =	sshll.u32 s1, $0x11  }
0xbf: {  	s0 =	sor.u32 s1, s0  }
0xc0: {  	s0 =	sadd.s32 $0x8F2B, s0  }
0xc1: {  	[sflag:s0] =	ssyncadd.remote.s32 $0x1  }
0xc2: {  	_ =	sfence.sel $0xFFFF  }
0xc3: {  	[dreg:$0x0] =	wrdreg $0xFFFFFFFF;
	(pc) =	sbr.abs _section_cstart, $3  }
0xc4: {  	[dreg:$0x1] =	wrdreg $0xFFFFFFFF  }
0xc5: {  	_ =	task.clear_ibuf [dreg:s8], $0x2FFFF;
	_ =	strace $0x9FFFFFFF  }
0xc6: {  	(tm) =	ssettm $0x7FFFFFFF  }
0xc7: {  	_ =	shalt  }
tec
execute0_lowered:
.L_overlay_start_1:
0x0: {  	(tag) =	ssettag $0x1  }
0x1: {  	s0 =	rddreg [dreg:$0x0]  }
0x2: {  	s1 =	rddreg [dreg:$0x1]  }
0x3: {  	s2 =	rddreg [dreg:$0x2]  }
0x4: {  	s3 =	srdreg.scid;
	s4 =	rddreg [dreg:$0x3]  }
0x5: {  	s12 =	stileid.u32;
	s5 =	rddreg [dreg:$0x4]  }
0x6: {  	s6 =	simm.s32 $0x0;
	s28 =	simm.s32 $0x80;
	s8 =	smul.u32 $0x14000, s12  }
0x7: {  	s29 =	simm.s32 $0xA000;
	s3 =	sand.u32 $0x1, s3;
	s9 =	smul.u32 $0x280, s12  }
0x8: {  	s31 =	simm.s32 $0x1;
	[smem:$0x7FF] =	sst s6;
	s7 =	smul.u32 $0x140000, s3  }
0x9: {  	s10 =	smul.u32 $0x2800, s3;
	s11 =	sshll.u32 s3, $0x4;
	_ =	strace $0x80000047  }
0xa: {  	s3 =	ssub.s32 $0x2, s3;
	s16 =	sor.u32 s12, s11;
	s12 =	smul.u32 $0x50000, s12  }
0xb: {  	s13 =	sshrl.u32 s3, $0x1;
	s7 =	sadd.s32 s8, s7;
	s10 =	sadd.s32 s9, s10  }
0xc: {  	s3 =	ssub.s32 s3, s13;
	s17 =	sshrl.u32 s7, $0x3;
	s7 =	smul.u32 $0x2800, s16  }
0xd: {  	s18 =	sshrl.u32 s10, $0x3;
	s20 =	sshrl.u32 s12, $0x2;
	s30 =	smax.u32 s3, $0x1  }
0xe: {  	s3 =	simm.s32 $0x2;
	s11 =	sadd.s32 s17, s2;
	s12 =	sadd.s32 s20, s4  }
0xf: {  	s2 =	sadd.s32 s18, s2;
	[dreg:$0xf] =	wrdreg s30;
	s23 =	sadd.s32 $0x8000, s12  }
0x10: {  	s17 =	sadd.s32 s9, s5;
	s24 =	sadd.s32 $0xC000, s12;
	[dreg:$0xa] =	wrdreg s23  }
0x11: {  	s9 =	simm.s32 $0x4;
	s25 =	sadd.s32 $0x10000, s12;
	[dreg:$0xb] =	wrdreg s24  }
0x12: {  	s19 =	sshrl.u32 s7, $0x3;
	s26 =	sadd.s32 $0x2800, s11;
	[dreg:$0xc] =	wrdreg s25  }
0x13: {  	s2 =	sadd.s32 $0x1E00, s2;
	s8 =	sadd.s32 s1, s19;
	[dreg:$0xd] =	wrdreg s26  }
0x14: {  	[dreg:$0xe] =	wrdreg s2;
	s25 =	simm.s32 $0x2000;
	s23 =	simm.s32 $0x1700  }
.Ltmp0:
0x15: {  	s24 =	simm.s32 $0x1780;
	s10 =	sadd.s32 $0xA000, s8;
	(pc) =	sbr.rel .LBB2_1-.Ltmp0, $4  }
0x16: {  	s26 =	simm.s32 $0x6000;
	s21 =	sadd.s32 $0x100, s8;
	[dreg:$0x6] =	wrdreg s10  }
0x17: {  	s2 =	simm.s32 $0x3;
	s22 =	sadd.s32 $0xA100, s8;
	[dreg:$0x7] =	wrdreg s21  }
0x18: {  	[dreg:$0x8] =	wrdreg s22;
	s10 =	sadd.s32 $0x4000, s12;
	s21 =	simm.s32 $0x7  }
0x19: {  	v0 =	vimm.f32 $0.0e+00;
	v1 =	vimm.f32 $1.000000000e+00;
	s22 =	simm.s32 $0x1000;
	[dreg:$0x9] =	wrdreg s10;
	s10 =	simm.s32 $0x5  }
.LBB2_7:
0x1a: {  	_ =	swait.ge [sflag:s31], $0x4000  }
0x1b: {  	[sflag:s31] =	ssyncset.done $0x0  }
0x1c: {  	[sflag:s31] =	ssyncadd.s32 $0xFFFFC000  }
0x1d: {  	[spmem:s4] =	stream.indirect.scatter.add.f32 [tilespmem:s25], [sflag:$0x3], $0x80, s23, s28, $0xb8;
	[tilespmem:$0x1E580] =	vst v63  }
0x1e: {  	_ =	swait.ge [sflag:s9], $0x4000  }
0x1f: {  	[sflag:s9] =	ssyncset.done $0x0  }
0x20: {  	s11 =	simm.s32 $0x780;
	[sflag:s9] =	ssyncadd.s32 $0xFFFFC000  }
0x21: {  	[tilespmem:s26], [sflag:$0x2] =	stream.indirect.gather [hbm4b:s0+s28], $0x80, s11, s28, $0xb8;
	[tilespmem:$0x1E580] =	vst v63  }
0x22: {  	_ =	swait.ge [sflag:s3], $0x4000  }
0x23: {  	[sflag:s3] =	ssyncset.done $0x0  }
0x24: {  	[sflag:s3] =	ssyncadd.s32 $0xFFFFC000  }
0x25: {  	[spmem:s4] =	stream.indirect.scatter.add.f32 [tilespmem:s26], [sflag:$0x4], $0x80, s24, s28, $0xb8;
	[tilespmem:$0x1E580] =	vst v63  }
0x26: {  	_ =	swait.ge [sflag:s2], $0x4000  }
0x27: {  	[sflag:s2] =	ssyncset.done $0x0  }
0x28: {  	[sflag:s2] =	ssyncadd.s32 $0xFFFFC000  }
0x29: {  	_ =	swait.ge [sflag:s9], $0x4000  }
0x2a: {  	[sflag:s9] =	ssyncset.done $0x0  }
0x2b: {  	[sflag:s9] =	ssyncadd.s32 $0xFFFFC000  }
0x2c: {  	_ =	swait.ge [sflag:s10], $0x80  }
0x2d: {  	[sflag:s10] =	ssyncset.done $0x0  }
0x2e: {  	[sflag:s10] =	ssyncadd.s32 $0xFFFFFF80  }
0x2f: {  	_ =	swait.ge [sflag:s10], $0x80  }
0x30: {  	[sflag:s10] =	ssyncset.done $0x0  }
0x31: {  	[sflag:s10] =	ssyncadd.s32 $0xFFFFFF80  }
0x32: {  	_ =	swait.ge [sflag:s10], $0x80  }
0x33: {  	[sflag:s10] =	ssyncset.done $0x0  }
0x34: {  	[sflag:s10] =	ssyncadd.s32 $0xFFFFFF80  }
0x35: {  	_ =	swait.ge [sflag:s10], $0x80  }
0x36: {  	[sflag:s10] =	ssyncset.done $0x0  }
0x37: {  	[sflag:s10] =	ssyncadd.s32 $0xFFFFFF80  }
0x38: {  	_ =	swait.ge [sflag:s10], $0x80  }
0x39: {  	[sflag:s10] =	ssyncset.done $0x0  }
0x3a: {  	[sflag:s10] =	ssyncadd.s32 $0xFFFFFF80  }
0x3b: {  	_ =	swait.ge [sflag:s10], $0x80  }
0x3c: {  	[sflag:s10] =	ssyncset.done $0x0  }
0x3d: {  	[sflag:s10] =	ssyncadd.s32 $0xFFFFFF80  }
0x3e: {  	_ =	swait.ge [sflag:s10], $0x80  }
0x3f: {  	[sflag:s10] =	ssyncset.done $0x0  }
0x40: {  	[sflag:s10] =	ssyncadd.s32 $0xFFFFFF80  }
0x41: {  	_ =	swait.ge [sflag:s10], $0x80  }
0x42: {  	[sflag:s10] =	ssyncset.done $0x0  }
0x43: {  	[sflag:s10] =	ssyncadd.s32 $0xFFFFFF80  }
0x44: {  	_ =	swait.ge [sflag:s10], $0x80  }
0x45: {  	[sflag:s10] =	ssyncset.done $0x0  }
0x46: {  	[sflag:s10] =	ssyncadd.s32 $0xFFFFFF80  }
0x47: {  	_ =	swait.ge [sflag:s10], $0x80  }
0x48: {  	[sflag:s10] =	ssyncset.done $0x0  }
0x49: {  	[sflag:s10] =	ssyncadd.s32 $0xFFFFFF80  }
0x4a: {  	_ =	swait.ge [sflag:s10], $0x80  }
0x4b: {  	[sflag:s10] =	ssyncset.done $0x0  }
0x4c: {  	[sflag:s10] =	ssyncadd.s32 $0xFFFFFF80  }
0x4d: {  	_ =	swait.ge [sflag:s10], $0x80  }
0x4e: {  	[sflag:s10] =	ssyncset.done $0x0  }
0x4f: {  	[sflag:s10] =	ssyncadd.s32 $0xFFFFFF80  }
0x50: {  	_ =	swait.ge [sflag:s10], $0x80  }
0x51: {  	[sflag:s10] =	ssyncset.done $0x0  }
0x52: {  	[sflag:s10] =	ssyncadd.s32 $0xFFFFFF80  }
0x53: {  	_ =	swait.ge [sflag:s10], $0x80  }
0x54: {  	[sflag:s10] =	ssyncset.done $0x0  }
0x55: {  	[sflag:s10] =	ssyncadd.s32 $0xFFFFFF80  }
0x56: {  	_ =	swait.ge [sflag:s10], $0x80  }
0x57: {  	[sflag:s10] =	ssyncset.done $0x0  }
0x58: {  	[sflag:s10] =	ssyncadd.s32 $0xFFFFFF80  }
0x59: {  	_ =	swait.ge [sflag:s10], $0x80  }
0x5a: {  	[sflag:s10] =	ssyncset.done $0x0  }
0x5b: {  	s18 =	stileid.u32;
	[sflag:s10] =	ssyncadd.s32 $0xFFFFFF80  }
0x5c: {  	s11 =	sshll.u32 s18, $0x6;
	[bflag:$0x0] =	sbarrier.arrive $0xFFFF  }
0x5d: {  	s13 =	sshrl.u32 s12, $0x3;
	s11 =	sor.u32 $0x1C07, s11;
	s14 =	rddreg [dreg:$0xd]  }
0x5e: {  	[hbm:s14], [sflag:s11] =	dma.local [spmem:s13], $0x2800  }
0x5f: {  	_ =	swait.ge [sflag:s21], $0x2800  }
0x60: {  	[sflag:s21] =	ssyncset.done $0x0  }
0x61: {  	s19 =	sshrl.u32 s17, $0x3;
	s20 =	rddreg [dreg:$0xe];
	[sflag:s21] =	ssyncadd.s32 $0xFFFFD800  }
0x62: {  	[hbm:s20], [sflag:s11] =	dma.local [spmem:s19], $0x50  }
0x63: {  	_ =	swait.ge [sflag:s21], $0x50  }
0x64: {  	s6 =	sadd.s32 $0x1, s6;
	s30 =	rddreg [dreg:$0xf]  }
0x65: {  	p0 =	sne.s32 s6, s30  }
.Ltmp1:
0x66: {  	_ = 	snop;
	(pc) =	sbr.rel @!p0 .LBB2_8-.Ltmp1, $3  }
0x67: {  	_ =	sdelay $0x1  }
0x68: {  	[sflag:s21] =	ssyncset.done $0x0  }
0x69: {  	[sflag:s21] =	ssyncadd.s32 $0xFFFFFFB0  }
.LBB2_1:
0x6a: {  	s11 =	simm.s32 $0x0;
	s13 =	simm.s32 $0x200  }
.LBB2_2:
0x6b: {  	p0 =	sne.s32 s13, $0xFE00;
	[tilespmem:s11+$0x2070] =	vst v0  }
0x6c: {  	[tilespmem:s11+$0x2000] =	vst v0  }
0x6d: {  	[tilespmem:s11+$0x2010] =	vst v0  }
.Ltmp2:
0x6e: {  	[tilespmem:s11+$0x2020] =	vst v0;
	(pc) =	sbr.rel @p0 .LBB2_2-.Ltmp2, $4  }
0x6f: {  	[tilespmem:s11+$0x2030] =	vst v0  }
0x70: {  	[tilespmem:s11+$0x2040] =	vst v0  }
0x71: {  	[tilespmem:s11+$0x2050] =	vst v0  }
0x72: {  	[tilespmem:s11+$0x2060] =	vst v0;
	s11 =	sshra.s32 s13, $0x2;
	s13 =	sadd.s32 $0x200, s13  }
0x73: {  	[tilespmem:s11+$0x2070] =	vst v0  }
0x74: {  	[tilespmem:s11+$0x2000] =	vst v0  }
0x75: {  	[tilespmem:s11+$0x2010] =	vst v0  }
0x76: {  	[tilespmem:s11+$0x2020] =	vst v0  }
0x77: {  	[tilespmem:s11+$0x2030] =	vst v0  }
0x78: {  	[tilespmem:s11+$0x2040] =	vst v0  }
0x79: {  	[tilespmem:s11+$0x2050] =	vst v0  }
0x7a: {  	[tilespmem:s11+$0x2060] =	vst v0  }
0x7b: {  	[tilespmem:$0xA080] =	vst v0  }
0x7c: {  	[tilespmem:$0xA090] =	vst v0  }
0x7d: {  	[tilespmem:$0xA0A0] =	vst v0  }
0x7e: {  	[tilespmem:$0xA0B0] =	vst v0  }
0x7f: {  	[tilespmem:$0xA0C0] =	vst v0  }
0x80: {  	[tilespmem:$0xA0D0] =	vst v0  }
0x81: {  	[tilespmem:$0xA0E0] =	vst v0  }
0x82: {  	[tilespmem:$0xA0F0] =	vst v0  }
0x83: {  	[tilespmem:$0xA100] =	vst v0  }
0x84: {  	[tilespmem:$0xA110] =	vst v0  }
0x85: {  	[tilespmem:$0xA120] =	vst v0  }
0x86: {  	[tilespmem:$0xA130] =	vst v0  }
0x87: {  	[tilespmem:$0xA140] =	vst v0  }
0x88: {  	[tilespmem:$0xA150] =	vst v0  }
0x89: {  	[tilespmem:$0xA160] =	vst v0  }
0x8a: {  	[tilespmem:$0xA170] =	vst v0  }
0x8b: {  	[tilespmem:$0xA180] =	vst v0  }
0x8c: {  	[tilespmem:$0xA190] =	vst v0  }
0x8d: {  	[tilespmem:$0xA1A0] =	vst v0  }
0x8e: {  	[tilespmem:$0xA1B0] =	vst v0  }
0x8f: {  	[tilespmem:$0xA1C0] =	vst v0  }
0x90: {  	[tilespmem:$0xA1D0] =	vst v0  }
0x91: {  	[tilespmem:$0xA1E0] =	vst v0  }
0x92: {  	[tilespmem:$0xA1F0] =	vst v0  }
0x93: {  	[tilespmem:$0xA200] =	vst v0  }
0x94: {  	[tilespmem:$0xA210] =	vst v0  }
0x95: {  	[tilespmem:$0xA220] =	vst v0  }
0x96: {  	[tilespmem:$0xA230] =	vst v0  }
0x97: {  	[tilespmem:$0xA240] =	vst v0  }
0x98: {  	[tilespmem:$0xA250] =	vst v0  }
0x99: {  	[tilespmem:$0xA260] =	vst v0  }
0x9a: {  	[tilespmem:$0xA270] =	vst v0  }
0x9b: {  	[tilespmem:$0xA280] =	vst v0  }
0x9c: {  	[tilespmem:$0xA290] =	vst v0  }
0x9d: {  	[tilespmem:$0xA2A0] =	vst v0  }
0x9e: {  	[tilespmem:$0xA2B0] =	vst v0  }
0x9f: {  	[tilespmem:$0xA2C0] =	vst v0  }
0xa0: {  	[tilespmem:$0xA2D0] =	vst v0  }
0xa1: {  	[tilespmem:$0xA2E0] =	vst v0  }
0xa2: {  	[tilespmem:$0xA2F0] =	vst v0  }
0xa3: {  	[tilespmem:$0xA000] =	vst v1  }
0xa4: {  	[tilespmem:$0xA010] =	vst v1  }
0xa5: {  	[tilespmem:$0xA020] =	vst v1  }
0xa6: {  	[tilespmem:$0xA030] =	vst v1  }
0xa7: {  	[tilespmem:$0xA040] =	vst v1  }
0xa8: {  	[tilespmem:$0xA050] =	vst v1  }
0xa9: {  	[tilespmem:$0xA060] =	vst v1  }
0xaa: {  	s11 =	simm.s32 $0x0;
	[tilespmem:$0xA070] =	vst v1  }
0xab: {  	[tilespmem:s11], [sflag:$0x7] =	stream.linear.gather [hbm4b:s8+s11], $0x800, $0x38;
	[tilespmem:$0x1E580] =	vst v63  }
0xac: {  	_ =	swait.ge [sflag:s21], $0x800  }
0xad: {  	[sflag:s21] =	ssyncset.done $0x0  }
0xae: {  	s13 =	rddreg [dreg:$0x6];
	[sflag:s21] =	ssyncadd.s32 $0xFFFFF800  }
0xaf: {  	[tilespmem:s22], [sflag:$0x7] =	stream.linear.gather [hbm4b:s13+s11], $0x800, $0x38;
	[tilespmem:$0x1E580] =	vst v63  }
0xb0: {  	_ =	swait.ge [sflag:s21], $0x800  }
0xb1: {  	[sflag:s21] =	ssyncset.done $0x0  }
0xb2: {  	s14 =	simm.s32 $0x800;
	s19 =	rddreg [dreg:$0x7];
	[sflag:s21] =	ssyncadd.s32 $0xFFFFF800  }
0xb3: {  	[tilespmem:s14], [sflag:$0x7] =	stream.linear.gather [hbm4b:s19+s11], $0x800, $0x38;
	[tilespmem:$0x1E580] =	vst v63  }
0xb4: {  	_ =	swait.ge [sflag:s21], $0x800  }
0xb5: {  	[sflag:s21] =	ssyncset.done $0x0  }
0xb6: {  	s30 =	simm.s32 $0x1800;
	s20 =	rddreg [dreg:$0x8];
	[sflag:s21] =	ssyncadd.s32 $0xFFFFF800  }
0xb7: {  	[tilespmem:s30], [sflag:$0x7] =	stream.linear.gather [hbm4b:s20+s11], $0x800, $0x38;
	[tilespmem:$0x1E580] =	vst v63  }
0xb8: {  	_ =	swait.ge [sflag:s21], $0x800  }
0xb9: {  	[sflag:s21] =	ssyncset.done $0x0  }
0xba: {  	[sflag:s21] =	ssyncadd.s32 $0xFFFFF800  }
0xbb: {  	[spmem:s12] =	stream.linear.scatter [tilespmem:s25], [sflag:$0x7], $0x4000, $0x38;
	[tilespmem:$0x1E580] =	vst v63  }
0xbc: {  	_ =	swait.ge [sflag:s21], $0x4000  }
0xbd: {  	[sflag:s21] =	ssyncset.done $0x0  }
0xbe: {  	s15 =	rddreg [dreg:$0x9];
	[sflag:s21] =	ssyncadd.s32 $0xFFFFC000  }
0xbf: {  	[spmem:s15] =	stream.linear.scatter [tilespmem:s25], [sflag:$0x7], $0x4000, $0x38;
	[tilespmem:$0x1E580] =	vst v63  }
0xc0: {  	_ =	swait.ge [sflag:s21], $0x4000  }
0xc1: {  	[sflag:s21] =	ssyncset.done $0x0  }
0xc2: {  	s16 =	rddreg [dreg:$0xa];
	[sflag:s21] =	ssyncadd.s32 $0xFFFFC000  }
0xc3: {  	[spmem:s16] =	stream.linear.scatter [tilespmem:s25], [sflag:$0x7], $0x4000, $0x38;
	[tilespmem:$0x1E580] =	vst v63  }
0xc4: {  	_ =	swait.ge [sflag:s21], $0x4000  }
0xc5: {  	[sflag:s21] =	ssyncset.done $0x0  }
0xc6: {  	s18 =	rddreg [dreg:$0xb];
	[sflag:s21] =	ssyncadd.s32 $0xFFFFC000  }
0xc7: {  	[spmem:s18] =	stream.linear.scatter [tilespmem:s25], [sflag:$0x7], $0x4000, $0x38;
	[tilespmem:$0x1E580] =	vst v63  }
0xc8: {  	_ =	swait.ge [sflag:s21], $0x4000  }
0xc9: {  	[sflag:s21] =	ssyncset.done $0x0  }
0xca: {  	s19 =	rddreg [dreg:$0xc];
	[sflag:s21] =	ssyncadd.s32 $0xFFFFC000  }
0xcb: {  	[spmem:s19] =	stream.linear.scatter [tilespmem:s25], [sflag:$0x7], $0x4000, $0x38;
	[tilespmem:$0x1E580] =	vst v63  }
0xcc: {  	_ =	swait.ge [sflag:s21], $0x4000  }
0xcd: {  	[sflag:s21] =	ssyncset.done $0x0  }
0xce: {  	s20 =	simm.s32 $0xA080;
	[sflag:s21] =	ssyncadd.s32 $0xFFFFC000  }
0xcf: {  	[spmem:s17] =	stream.linear.scatter [tilespmem:s20], [sflag:$0x7], $0x280, $0x38;
	[tilespmem:$0x1E580] =	vst v63  }
0xd0: {  	_ =	swait.ge [sflag:s21], $0x280  }
0xd1: {  	[sflag:s21] =	ssyncset.done $0x0  }
0xd2: {  	[sflag:s21] =	ssyncadd.s32 $0xFFFFFD80  }
0xd3: {  	[bflag:$0x0] =	sbarrier.arrive $0xFFFF  }
0xd4: {  	[spmem:s5] =	stream.indirect.scatter.add.f32 [tilespmem:s29], [sflag:$0x5], $0x1, s22, s28, $0xb8;
	[tilespmem:$0x1E580] =	vst v63  }
0xd5: {  	s13 =	simm.s32 $0x1080  }
0xd6: {  	[spmem:s5] =	stream.indirect.scatter.add.f32 [tilespmem:s29], [sflag:$0x5], $0x1, s13, s28, $0xb8;
	[tilespmem:$0x1E580] =	vst v63  }
0xd7: {  	s30 =	simm.s32 $0x1100  }
0xd8: {  	[spmem:s5] =	stream.indirect.scatter.add.f32 [tilespmem:s29], [sflag:$0x5], $0x1, s30, s28, $0xb8;
	[tilespmem:$0x1E580] =	vst v63  }
0xd9: {  	s15 =	simm.s32 $0x1180  }
0xda: {  	[spmem:s5] =	stream.indirect.scatter.add.f32 [tilespmem:s29], [sflag:$0x5], $0x1, s15, s28, $0xb8;
	[tilespmem:$0x1E580] =	vst v63  }
0xdb: {  	s16 =	simm.s32 $0x1200  }
0xdc: {  	[spmem:s5] =	stream.indirect.scatter.add.f32 [tilespmem:s29], [sflag:$0x5], $0x1, s16, s28, $0xb8;
	[tilespmem:$0x1E580] =	vst v63  }
0xdd: {  	s18 =	simm.s32 $0x1280  }
0xde: {  	[spmem:s5] =	stream.indirect.scatter.add.f32 [tilespmem:s29], [sflag:$0x5], $0x1, s18, s28, $0xb8;
	[tilespmem:$0x1E580] =	vst v63  }
0xdf: {  	s19 =	simm.s32 $0x1300  }
0xe0: {  	[spmem:s5] =	stream.indirect.scatter.add.f32 [tilespmem:s29], [sflag:$0x5], $0x1, s19, s28, $0xb8;
	[tilespmem:$0x1E580] =	vst v63  }
0xe1: {  	s20 =	simm.s32 $0x1380  }
0xe2: {  	[spmem:s5] =	stream.indirect.scatter.add.f32 [tilespmem:s29], [sflag:$0x5], $0x1, s20, s28, $0xb8;
	[tilespmem:$0x1E580] =	vst v63  }
0xe3: {  	s30 =	simm.s32 $0x1400  }
0xe4: {  	[spmem:s5] =	stream.indirect.scatter.add.f32 [tilespmem:s29], [sflag:$0x5], $0x1, s30, s28, $0xb8;
	[tilespmem:$0x1E580] =	vst v63  }
0xe5: {  	s15 =	simm.s32 $0x1480  }
0xe6: {  	[spmem:s5] =	stream.indirect.scatter.add.f32 [tilespmem:s29], [sflag:$0x5], $0x1, s15, s28, $0xb8;
	[tilespmem:$0x1E580] =	vst v63  }
0xe7: {  	s16 =	simm.s32 $0x1500  }
0xe8: {  	[spmem:s5] =	stream.indirect.scatter.add.f32 [tilespmem:s29], [sflag:$0x5], $0x1, s16, s28, $0xb8;
	[tilespmem:$0x1E580] =	vst v63  }
0xe9: {  	s18 =	simm.s32 $0x1580  }
0xea: {  	[spmem:s5] =	stream.indirect.scatter.add.f32 [tilespmem:s29], [sflag:$0x5], $0x1, s18, s28, $0xb8;
	[tilespmem:$0x1E580] =	vst v63  }
0xeb: {  	s19 =	simm.s32 $0x1600  }
0xec: {  	[spmem:s5] =	stream.indirect.scatter.add.f32 [tilespmem:s29], [sflag:$0x5], $0x1, s19, s28, $0xb8;
	[tilespmem:$0x1E580] =	vst v63  }
0xed: {  	s20 =	simm.s32 $0x1680  }
0xee: {  	[spmem:s5] =	stream.indirect.scatter.add.f32 [tilespmem:s29], [sflag:$0x5], $0x1, s20, s28, $0xb8;
	[tilespmem:$0x1E580] =	vst v63  }
0xef: {  	_ = 	snop  }
0xf0: {  	[spmem:s5] =	stream.indirect.scatter.add.f32 [tilespmem:s29], [sflag:$0x5], $0x1, s23, s28, $0xb8;
	[tilespmem:$0x1E580] =	vst v63  }
0xf1: {  	_ = 	snop  }
0xf2: {  	[spmem:s5] =	stream.indirect.scatter.add.f32 [tilespmem:s29], [sflag:$0x5], $0x1, s24, s28, $0xb8;
	[tilespmem:$0x1E580] =	vst v63  }
0xf3: {  	_ = 	snop  }
0xf4: {  	[tilespmem:s25], [sflag:$0x1] =	stream.indirect.gather [hbm4b:s0+s28], $0x80, s11, s28, $0xb8;
	[tilespmem:$0x1E580] =	vst v63  }
0xf5: {  	_ = 	snop  }
0xf6: {  	[tilespmem:s26], [sflag:$0x2] =	stream.indirect.gather [hbm4b:s0+s28], $0x80, s28, s28, $0xb8;
	[tilespmem:$0x1E580] =	vst v63  }
0xf7: {  	_ =	swait.ge [sflag:s31], $0x4000  }
0xf8: {  	[sflag:s31] =	ssyncset.done $0x0  }
0xf9: {  	[sflag:s31] =	ssyncadd.s32 $0xFFFFC000  }
0xfa: {  	[spmem:s4] =	stream.indirect.scatter.add.f32 [tilespmem:s25], [sflag:$0x3], $0x80, s22, s28, $0xb8;
	[tilespmem:$0x1E580] =	vst v63  }
0xfb: {  	_ =	swait.ge [sflag:s3], $0x4000  }
0xfc: {  	[sflag:s3] =	ssyncset.done $0x0  }
0xfd: {  	[sflag:s3] =	ssyncadd.s32 $0xFFFFC000  }
0xfe: {  	[spmem:s4] =	stream.indirect.scatter.add.f32 [tilespmem:s26], [sflag:$0x4], $0x80, s13, s28, $0xb8;
	[tilespmem:$0x1E580] =	vst v63  }
.Ltmp3:
0xff: {  	_ = 	snop;
	(pc) =	sbr.rel .LBB2_4-.Ltmp3, $4  }
0x100: {  	_ =	swait.ge [sflag:s2], $0x4000  }
0x101: {  	s14 =	simm.s32 $0x4;
	[sflag:s2] =	ssyncset.done $0x0  }
0x102: {  	s30 =	simm.s32 $0x100;
	s13 =	simm.s32 $0x200;
	[sflag:s2] =	ssyncadd.s32 $0xFFFFC000  }
0x103: {  	[tilespmem:s25], [sflag:$0x1] =	stream.indirect.gather [hbm4b:s0+s28], $0x80, s30, s28, $0xb8;
	[tilespmem:$0x1E580] =	vst v63  }
.LBB2_6:
0x104: {  	s15 =	sand.u32 $0xF00, s15  }
0x105: {  	s16 =	sor.u32 $0x80, s15  }
0x106: {  	[tilespmem:s26], [sflag:$0x2] =	stream.indirect.gather [hbm4b:s0+s28], $0x80, s16, s28, $0xb8;
	[tilespmem:$0x1E580] =	vst v63  }
0x107: {  	_ =	swait.ge [sflag:s3], $0x4000  }
0x108: {  	s20 =	sadd.s32 $0xFFFFFFE0, s14;
	s15 =	sor.u32 $0x1080, s15;
	[sflag:s3] =	ssyncset.done $0x0  }
0x109: {  	p0 =	sgt.u32 s20, $0x2F;
	s16 =	sand.u32 $0xE, s14;
	[sflag:s3] =	ssyncadd.s32 $0xFFFFC000  }
0x10a: {  	[spmem:s4] =	stream.indirect.scatter.add.f32 [tilespmem:s26], [sflag:$0x4], $0x80, s15, s28, $0xb8;
	[tilespmem:$0x1E580] =	vst v63  }
0x10b: {  	p1 =	sne.s32 @!p0 s16, $0x0;
	_ =	swait.ge [sflag:s2], $0x4000  }
0x10c: {  	p0 =	por p1, p0;
	[sflag:s2] =	ssyncset.done $0x0  }
0x10d: {  	s15 =	simm.s32 @!p0 $0x6;
	[sflag:s2] =	ssyncadd.s32 $0xFFFFC000  }
0x10e: {  	_ =	swait.ge @!p0 [sflag:s15], $0x800  }
0x10f: {  	[sflag:s15] =	ssyncset.done @!p0 $0x0  }
0x110: {  	[sflag:s15] =	ssyncadd.s32 @!p0 $0xFFFFF800  }
0x111: {  	_ =	swait.ge @!p0 [sflag:s15], $0x800  }
0x112: {  	s18 =	sand.u32 $0x800, s13;
	s13 =	sadd.s32 $0x100, s13;
	[sflag:s15] =	ssyncset.done @!p0 $0x0  }
0x113: {  	[sflag:s15] =	ssyncadd.s32 @!p0 $0xFFFFF800;
	p0 =	sne.s32 s13, $0x2800  }
.Ltmp4:
0x114: {  	_ = 	snop;
	(pc) =	sbr.rel @!p0 .LBB2_7-.Ltmp4, $4  }
0x115: {  	_ = 	snop  }
0x116: {  	s16 =	sshll.u32 s16, $0x7  }
0x117: {  	s11 =	sadd.s32 $0x1, s11;
	s14 =	sadd.s32 $0x2, s14;
	s30 =	sor.u32 s16, s18  }
0x118: {  	[tilespmem:s25], [sflag:$0x1] =	stream.indirect.gather [hbm4b:s0+s28], $0x80, s30, s28, $0xb8;
	[tilespmem:$0x1E580] =	vst v63  }
.LBB2_4:
0x119: {  	s16 =	sadd.s32 $0xFFFFFFFE, s14;
	s15 =	sadd.s32 $0xFFFFFF00, s13;
	_ =	swait.ge [sflag:s31], $0x4000  }
0x11a: {  	s19 =	sand.u32 $0xE, s16;
	s16 =	sand.u32 $0x800, s15;
	[sflag:s31] =	ssyncset.done $0x0  }
0x11b: {  	s18 =	sor.u32 $0x1000, s16;
	s20 =	sshll.u32 s19, $0x7;
	p0 =	sne.s32 s19, $0x0  }
.Ltmp5:
0x11c: {  	[sflag:s31] =	ssyncadd.s32 $0xFFFFC000;
	s20 =	sor.u32 s20, s18;
	(pc) =	sbr.rel @p0 .LBB2_6-.Ltmp5, $4  }
0x11d: {  	[spmem:s4] =	stream.indirect.scatter.add.f32 [tilespmem:s25], [sflag:$0x3], $0x80, s20, s28, $0xb8;
	[tilespmem:$0x1E580] =	vst v63  }
0x11e: {  	_ =	swait.ge [sflag:s9], $0x4000  }
0x11f: {  	[sflag:s9] =	ssyncset.done $0x0  }
0x120: {  	[sflag:s9] =	ssyncadd.s32 $0xFFFFC000  }
0x121: {  	_ =	swait.ge [sflag:s10], $0x80  }
0x122: {  	[sflag:s10] =	ssyncset.done $0x0  }
0x123: {  	[sflag:s10] =	ssyncadd.s32 $0xFFFFFF80  }
0x124: {  	_ =	swait.ge [sflag:s10], $0x80  }
0x125: {  	[sflag:s10] =	ssyncset.done $0x0  }
0x126: {  	[sflag:s10] =	ssyncadd.s32 $0xFFFFFF80  }
0x127: {  	_ =	swait.ge [sflag:s10], $0x80  }
0x128: {  	[sflag:s10] =	ssyncset.done $0x0  }
0x129: {  	[sflag:s10] =	ssyncadd.s32 $0xFFFFFF80  }
0x12a: {  	_ =	swait.ge [sflag:s10], $0x80  }
0x12b: {  	[sflag:s10] =	ssyncset.done $0x0  }
0x12c: {  	[sflag:s10] =	ssyncadd.s32 $0xFFFFFF80  }
0x12d: {  	_ =	swait.ge [sflag:s10], $0x80  }
0x12e: {  	[sflag:s10] =	ssyncset.done $0x0  }
0x12f: {  	[sflag:s10] =	ssyncadd.s32 $0xFFFFFF80  }
0x130: {  	_ =	swait.ge [sflag:s10], $0x80  }
0x131: {  	[sflag:s10] =	ssyncset.done $0x0  }
0x132: {  	[sflag:s10] =	ssyncadd.s32 $0xFFFFFF80  }
0x133: {  	_ =	swait.ge [sflag:s10], $0x80  }
0x134: {  	[sflag:s10] =	ssyncset.done $0x0  }
0x135: {  	[sflag:s10] =	ssyncadd.s32 $0xFFFFFF80  }
0x136: {  	_ =	swait.ge [sflag:s10], $0x80  }
0x137: {  	[sflag:s10] =	ssyncset.done $0x0  }
0x138: {  	[sflag:s10] =	ssyncadd.s32 $0xFFFFFF80  }
0x139: {  	_ =	swait.ge [sflag:s10], $0x80  }
0x13a: {  	[sflag:s10] =	ssyncset.done $0x0  }
0x13b: {  	[sflag:s10] =	ssyncadd.s32 $0xFFFFFF80  }
0x13c: {  	_ =	swait.ge [sflag:s10], $0x80  }
0x13d: {  	[sflag:s10] =	ssyncset.done $0x0  }
0x13e: {  	[sflag:s10] =	ssyncadd.s32 $0xFFFFFF80  }
0x13f: {  	_ =	swait.ge [sflag:s10], $0x80  }
0x140: {  	[sflag:s10] =	ssyncset.done $0x0  }
0x141: {  	[sflag:s10] =	ssyncadd.s32 $0xFFFFFF80  }
0x142: {  	_ =	swait.ge [sflag:s10], $0x80  }
0x143: {  	[sflag:s10] =	ssyncset.done $0x0  }
0x144: {  	[sflag:s10] =	ssyncadd.s32 $0xFFFFFF80  }
0x145: {  	_ =	swait.ge [sflag:s10], $0x80  }
0x146: {  	[sflag:s10] =	ssyncset.done $0x0  }
0x147: {  	[sflag:s10] =	ssyncadd.s32 $0xFFFFFF80  }
0x148: {  	_ =	swait.ge [sflag:s10], $0x80  }
0x149: {  	[sflag:s10] =	ssyncset.done $0x0  }
0x14a: {  	[sflag:s10] =	ssyncadd.s32 $0xFFFFFF80  }
0x14b: {  	_ =	swait.ge [sflag:s10], $0x80  }
0x14c: {  	s19 =	sand.u32 $0x7FFFF800, s15;
	p0 =	sgt.u32 s11, $0x1E;
	[sflag:s10] =	ssyncset.done $0x0  }
0x14d: {  	s19 =	sadd.s32 @!p0 $0x800, s19;
	[sflag:s10] =	ssyncadd.s32 $0xFFFFFF80  }
0x14e: {  	s20 =	sadd.s32 @!p0 s7, s19;
	_ =	swait.ge [sflag:s10], $0x80  }
0x14f: {  	s30 =	simm.s32 @!p0 $0x0;
	s20 =	sshrl.u32 @!p0 s20, $0x3;
	[sflag:s10] =	ssyncset.done $0x0  }
0x150: {  	s19 =	sand.u32 @!p0 $0x800, s19;
	s20 =	sadd.s32 @!p0 s1, s20;
	[sflag:s10] =	ssyncadd.s32 $0xFFFFFF80  }
0x151: {  	[tilespmem:s19], [sflag:$0x6] =	stream.linear.gather @!p0 [hbm4b:s20+s30], $0x800, $0x38;
	[tilespmem:$0x1E580] =	vst v63  }
0x152: {  	s19 =	sor.u32 @!p0 $0x1000, s19;
	s20 =	sadd.s32 @!p0 $0xA000, s20  }
0x153: {  	[tilespmem:s19], [sflag:$0x6] =	stream.linear.gather @!p0 [hbm4b:s20+s30], $0x800, $0x38;
	[tilespmem:$0x1E580] =	vst v63  }
0x154: {  	_ = 	snop  }
0x155: {  	[spmem:s5] =	stream.indirect.scatter.add.f32 [tilespmem:s29], [sflag:$0x5], $0x1, s18, s28, $0xb8;
	[tilespmem:$0x1E580] =	vst v63  }
0x156: {  	s19 =	sadd.s32 $0x1080, s16  }
0x157: {  	[spmem:s5] =	stream.indirect.scatter.add.f32 [tilespmem:s29], [sflag:$0x5], $0x1, s19, s28, $0xb8;
	[tilespmem:$0x1E580] =	vst v63  }
0x158: {  	s20 =	sadd.s32 $0x1100, s16  }
0x159: {  	[spmem:s5] =	stream.indirect.scatter.add.f32 [tilespmem:s29], [sflag:$0x5], $0x1, s20, s28, $0xb8;
	[tilespmem:$0x1E580] =	vst v63  }
0x15a: {  	s30 =	sadd.s32 $0x1180, s16  }
0x15b: {  	[spmem:s5] =	stream.indirect.scatter.add.f32 [tilespmem:s29], [sflag:$0x5], $0x1, s30, s28, $0xb8;
	[tilespmem:$0x1E580] =	vst v63  }
0x15c: {  	s19 =	sadd.s32 $0x1200, s16  }
0x15d: {  	[spmem:s5] =	stream.indirect.scatter.add.f32 [tilespmem:s29], [sflag:$0x5], $0x1, s19, s28, $0xb8;
	[tilespmem:$0x1E580] =	vst v63  }
0x15e: {  	s20 =	sadd.s32 $0x1280, s16  }
0x15f: {  	[spmem:s5] =	stream.indirect.scatter.add.f32 [tilespmem:s29], [sflag:$0x5], $0x1, s20, s28, $0xb8;
	[tilespmem:$0x1E580] =	vst v63  }
0x160: {  	s30 =	sadd.s32 $0x1300, s16  }
0x161: {  	[spmem:s5] =	stream.indirect.scatter.add.f32 [tilespmem:s29], [sflag:$0x5], $0x1, s30, s28, $0xb8;
	[tilespmem:$0x1E580] =	vst v63  }
0x162: {  	s19 =	sadd.s32 $0x1380, s16  }
0x163: {  	[spmem:s5] =	stream.indirect.scatter.add.f32 [tilespmem:s29], [sflag:$0x5], $0x1, s19, s28, $0xb8;
	[tilespmem:$0x1E580] =	vst v63  }
0x164: {  	s20 =	sadd.s32 $0x1400, s16  }
0x165: {  	[spmem:s5] =	stream.indirect.scatter.add.f32 [tilespmem:s29], [sflag:$0x5], $0x1, s20, s28, $0xb8;
	[tilespmem:$0x1E580] =	vst v63  }
0x166: {  	s30 =	sadd.s32 $0x1480, s16  }
0x167: {  	[spmem:s5] =	stream.indirect.scatter.add.f32 [tilespmem:s29], [sflag:$0x5], $0x1, s30, s28, $0xb8;
	[tilespmem:$0x1E580] =	vst v63  }
0x168: {  	s19 =	sadd.s32 $0x1500, s16  }
0x169: {  	[spmem:s5] =	stream.indirect.scatter.add.f32 [tilespmem:s29], [sflag:$0x5], $0x1, s19, s28, $0xb8;
	[tilespmem:$0x1E580] =	vst v63  }
0x16a: {  	s20 =	sadd.s32 $0x1580, s16  }
0x16b: {  	[spmem:s5] =	stream.indirect.scatter.add.f32 [tilespmem:s29], [sflag:$0x5], $0x1, s20, s28, $0xb8;
	[tilespmem:$0x1E580] =	vst v63  }
0x16c: {  	s30 =	sadd.s32 $0x1600, s16  }
0x16d: {  	[spmem:s5] =	stream.indirect.scatter.add.f32 [tilespmem:s29], [sflag:$0x5], $0x1, s30, s28, $0xb8;
	[tilespmem:$0x1E580] =	vst v63  }
0x16e: {  	s19 =	sadd.s32 $0x1680, s16  }
0x16f: {  	[spmem:s5] =	stream.indirect.scatter.add.f32 [tilespmem:s29], [sflag:$0x5], $0x1, s19, s28, $0xb8;
	[tilespmem:$0x1E580] =	vst v63  }
.Ltmp6:
0x170: {  	_ = 	snop;
	(pc) =	sbr.rel .LBB2_6-.Ltmp6, $4  }
0x171: {  	s20 =	sadd.s32 $0x1700, s16  }
0x172: {  	[spmem:s5] =	stream.indirect.scatter.add.f32 [tilespmem:s29], [sflag:$0x5], $0x1, s20, s28, $0xb8;
	[tilespmem:$0x1E580] =	vst v63  }
0x173: {  	s30 =	sadd.s32 $0x1780, s16  }
0x174: {  	[spmem:s5] =	stream.indirect.scatter.add.f32 [tilespmem:s29], [sflag:$0x5], $0x1, s30, s28, $0xb8;
	[tilespmem:$0x1E580] =	vst v63  }
.LBB2_8:
0x175: {  	_ =	sfence.sel $0x180000  }
0x176: {  	[bflag:$0x0] =	sbarrier.arrive $0xFFFF  }
0x177: {  	_ =	strace $0x90000047  }
0x178: {  	s0 =	stileid.u32;
	[bflag:$0x2] =	sbarrier.arrive $0xFFFF  }
0x179: {  	p0 =	sne.s32 s0, $0x0;
	s0 =	rddreg [dreg:$0x5]  }
0x17a: {  	s0 =	sadd.s32 @!p0 $0x100000, s0  }
0x17b: {  	[sflag:s0] =	ssyncadd.tile.s32 @!p0 $0x1;
	_ =	shalt  }
.Lfunc_end2:
_tile_overlayer_lowered:
.L_overlay_start_2:
0x17c: {  	(tag) =	ssettag $0x2  }
0x17d: {  	s0 =	rddreg [dreg:$0x0];
	s2 =	stileid.u32  }
0x17e: {  	s1 =	rddreg [dreg:$0x1];
	p0 =	sne.s32 s2, $0x0  }
0x17f: {  	s3 =	rddreg [dreg:$0x2];
	[bflag:$0x3] =	sbarrier.arrive $0xFFFF;
	s2 =	simm.s32 @!p0 $0x1C07  }
0x180: {  	[timem:s3], [sflag:s2] =	dma.local @!p0 [hbm:s0], s1  }
0x181: {  	s0 =	simm.s32 @!p0 $0x7  }
0x182: {  	_ =	swait.ge @!p0 [sflag:s0], s1  }
0x183: {  	s1 =	ssub.s32 @!p0 $0x0, s1;
	[sflag:s0] =	ssyncset.done @!p0 $0x0  }
0x184: {  	[sflag:s0] =	ssyncadd.s32 @!p0 s1  }
0x185: {  	[bflag:$0x3] =	sbarrier.arrive $0xFFFF  }
0x186: {  	_ =	shalt  }

</sc_bundles>
